<compile_context>
chip_gen: v7x
topology: tpu7x:2x2x1
jax: 0.10.2.dev20260603
libtpu: 0.0.44.dev20260713+nightly
codegen_flags: <defaults>
</compile_context>

<pallas_src>
import functools

import jax
import jax.numpy as jnp
from jax import lax
from jax.experimental import pallas as pl
from jax.experimental.pallas import tpu as pltpu
from jax.experimental.pallas import tpu_sc as plsc

_NCORES = 2
_NTILES = 16
_LANES = 16


def _build_gather(c, n_idx, interpret=False):
    nw = _NCORES * _NTILES
    per_w = n_idx // nw
    ck = 128
    nck = per_w // ck
    assert per_w % ck == 0
    mesh = plsc.VectorSubcoreMesh(core_axis_name="c", subcore_axis_name="s", num_cores=_NCORES, num_subcores=_NTILES)

    def body(emb, idx, feats, idx_v, row_v, sem):
        cid = lax.axis_index("c")
        sid = lax.axis_index("s")
        wid = sid * _NCORES + cid

        def chunk(i, carry):
            base = wid * per_w + i * ck
            pltpu.sync_copy(idx.at[pl.ds(base, ck)], idx_v)
            pltpu.async_copy(emb.at[idx_v], row_v, sem).wait()
            pltpu.sync_copy(row_v, feats.at[pl.ds(base, ck)])
            return carry

        lax.fori_loop(0, nck, chunk, 0)

    return pl.kernel(
        body,
        out_type=jax.ShapeDtypeStruct((n_idx, c), jnp.float32),
        mesh=mesh,
        scratch_types=[
            pltpu.VMEM((ck,), jnp.int32),
            pltpu.VMEM((ck, c), jnp.float32),
            pltpu.SemaphoreType.DMA,
        ],
        compiler_params=pltpu.CompilerParams(needs_layout_passes=False),
        interpret=interpret,
    )


def _project(feats, w, att_full, interpret=False):
    npad, c = feats.shape
    ho = w.shape[1]
    blk = 128

    def body(f_ref, w_ref, att_ref, h_ref, a_ref):
        hb = jnp.dot(f_ref[...], w_ref[...], preferred_element_type=jnp.float32)
        h_ref[...] = hb
        a_ref[...] = lax.dot_general(
            att_ref[...], hb, (((1,), (1,)), ((), ())),
            preferred_element_type=jnp.float32)

    return pl.pallas_call(
        body,
        grid=(npad // blk,),
        in_specs=[
            pl.BlockSpec((blk, c), lambda i: (i, 0)),
            pl.BlockSpec((c, ho), lambda i: (0, 0)),
            pl.BlockSpec((8, ho), lambda i: (0, 0)),
        ],
        out_specs=[
            pl.BlockSpec((blk, ho), lambda i: (i, 0)),
            pl.BlockSpec((8, blk), lambda i: (0, i)),
        ],
        out_shape=[
            jax.ShapeDtypeStruct((npad, ho), jnp.float32),
            jax.ShapeDtypeStruct((8, npad), jnp.float32),
        ],
        interpret=interpret,
    )(feats, w, att_full)


def _build_edge(n, ho, e, g_total, npad, interpret=False):
    g_per_core = g_total // _NCORES
    ept = e // 16
    ek = 80
    nec = ept // ek
    nk = 40
    nchunks = n // nk
    rounds = (nchunks + 15) // 16
    hreg = ho // 16
    half = ho // 2 // 16
    dk = 2 * nk
    mesh = plsc.VectorSubcoreMesh(core_axis_name="c", subcore_axis_name="s",
                                  num_cores=2, num_subcores=16)

    def body(src_e, dst_e, a_flat, h, bias, out,
             src_v, dst_v, isg_v, is1_v, id0_v, id1_v, iw0_v, iw1_v,
             av0, av1, av2, av3, hbuf, w0buf, w1buf, dcache, zden,
             nbuf, bias_v,
             acc_sh, den_sh, sem):
        cid = lax.axis_index("c")
        sid = lax.axis_index("s")
        z16 = jnp.zeros((16,), jnp.float32)
        lane = lax.iota(jnp.int32, 16)
        pltpu.sync_copy(bias, bias_v)

        def zero_nbuf():
            def zrow(r, carry):
                for j in range(hreg):
                    nbuf[r, pl.ds(j * 16, 16)] = z16
                return carry
            lax.fori_loop(0, nk, zrow, 0)

        for i in range(ek // 16):
            zden[pl.ds(i * 16, 16)] = z16
        zero_nbuf()

        def zchunk_a(k, carry):
            chunk_id = k * 16 + sid

            @pl.when(chunk_id < nchunks)
            def _():
                pltpu.sync_copy(nbuf, acc_sh.at[pl.ds(chunk_id * nk, nk)])
            return carry
        lax.fori_loop(0, rounds, zchunk_a, 0)

        def zchunk_d(k, carry):
            chunk_id = k * 16 + sid

            @pl.when(chunk_id < nchunks)
            def _():
                pltpu.sync_copy(zden, den_sh.at[pl.ds(chunk_id * dk, dk)])
            return carry
        lax.fori_loop(0, rounds, zchunk_d, 0)
        plsc.subcore_barrier()
        bias_regs = [bias_v[pl.ds(j * 16, 16)] for j in range(hreg)]

        def compute_w(with_a):
            for i in range(ek // 16):
                sl = pl.ds(i * 16, 16)
                e0 = av0[sl] + av2[sl]
                e0 = jnp.where(e0 >= 0.0, e0, e0 * 0.2)
                w0buf[sl] = jnp.exp(e0)
                e1 = av1[sl] + av3[sl]
                e1 = jnp.where(e1 >= 0.0, e1, e1 * 0.2)
                w1buf[sl] = jnp.exp(e1)

        def load_idx(g, ck_i, for_den):
            ebase = sid * ept + ck_i * ek
            cp1 = pltpu.async_copy(src_e.at[pl.ds(ebase, ek)], src_v, sem)
            cp2 = pltpu.async_copy(dst_e.at[pl.ds(ebase, ek)], dst_v, sem)
            cp1.wait()
            cp2.wait()
            for i in range(ek // 16):
                sl = pl.ds(i * 16, 16)
                s16 = src_v[sl]
                d16 = dst_v[sl]
                isg_v[sl] = s16 + g * n
                is1_v[sl] = s16 + (g * n + npad)
                id0_v[sl] = d16 + (g * n + 2 * npad)
                id1_v[sl] = d16 + (g * n + 3 * npad)
                if for_den:
                    iw0_v[sl] = d16 * 2
                    iw1_v[sl] = d16 * 2 + 1

        def gather_a():
            cps = [
                pltpu.async_copy(a_flat.at[isg_v], av0, sem),
                pltpu.async_copy(a_flat.at[is1_v], av1, sem),
                pltpu.async_copy(a_flat.at[id0_v], av2, sem),
                pltpu.async_copy(a_flat.at[id1_v], av3, sem),
            ]
            for cp in cps:
                cp.wait()

        def per_graph(gi, carry):
            g = cid * g_per_core + gi

            def chunk_a(ck_i, carry2):
                load_idx(g, ck_i, True)
                gather_a()
                compute_w(True)
                cp1 = pltpu.async_copy(w0buf.at[pl.ds(0, ek)], den_sh.at[iw0_v],
                                       sem, add=True)
                cp2 = pltpu.async_copy(w1buf.at[pl.ds(0, ek)], den_sh.at[iw1_v],
                                       sem, add=True)
                cp1.wait()
                cp2.wait()
                return carry2

            def chunk_b(ck_i, carry2):
                load_idx(g, ck_i, False)
                cp = pltpu.async_copy(h.at[isg_v], hbuf, sem)
                gather_a()
                cp.wait()
                compute_w(True)

                def scale_row(r, carry3):
                    wv0 = w0buf[pl.ds(r, 16)]
                    wv1 = w1buf[pl.ds(r, 16)]
                    b0 = jnp.full((16,), wv0[0], jnp.float32)
                    b1 = jnp.full((16,), wv1[0], jnp.float32)
                    for j in range(hreg):
                        b = b0 if j < half else b1
                        hbuf[r, pl.ds(j * 16, 16)] = hbuf[r, pl.ds(j * 16, 16)] * b
                    return carry3
                lax.fori_loop(0, ek, scale_row, 0)
                pltpu.sync_copy(hbuf, acc_sh.at[dst_v], add=True)
                return carry2

            lax.fori_loop(0, nec, chunk_a, 0)
            lax.fori_loop(0, nec, chunk_b, 0)
            plsc.subcore_barrier()

            def n1(k, carry2):
                chunk_id = k * 16 + sid

                @pl.when(chunk_id < nchunks)
                def _():
                    pltpu.sync_copy(den_sh.at[pl.ds(chunk_id * dk, dk)],
                                    dcache.at[pl.ds(k * dk, dk)])
                return carry2
            lax.fori_loop(0, rounds, n1, 0)

            def n2(k, carry2):
                chunk_id = k * 16 + sid

                @pl.when(chunk_id < nchunks)
                def _():
                    node0 = chunk_id * nk
                    pltpu.sync_copy(acc_sh.at[pl.ds(node0, nk)], nbuf)

                    def norm_row(r, carry3):
                        dv = dcache[pl.ds(k * dk + 2 * r, 16)]
                        inv = 1.0 / (dv + 1e-16)
                        v0 = jnp.full((16,), inv[0], jnp.float32)
                        v1 = jnp.full((16,), inv[1], jnp.float32)
                        for j in range(hreg):
                            v = v0 if j < half else v1
                            nbuf[r, pl.ds(j * 16, 16)] = (
                                nbuf[r, pl.ds(j * 16, 16)] * v + bias_regs[j])
                        return carry3
                    lax.fori_loop(0, nk, norm_row, 0)
                    pltpu.sync_copy(nbuf, out.at[pl.ds(g * n + node0, nk)])
                    zero_nbuf()
                    pltpu.sync_copy(nbuf, acc_sh.at[pl.ds(node0, nk)])
                return carry2
            lax.fori_loop(0, rounds, n2, 0)

            def n3(k, carry2):
                chunk_id = k * 16 + sid

                @pl.when(chunk_id < nchunks)
                def _():
                    pltpu.sync_copy(zden, den_sh.at[pl.ds(chunk_id * dk, dk)])
                return carry2
            lax.fori_loop(0, rounds, n3, 0)
            plsc.subcore_barrier()
            return carry

        lax.fori_loop(0, g_per_core, per_graph, 0)

    return pl.kernel(
        body,
        out_type=jax.ShapeDtypeStruct((g_total * n, ho), jnp.float32),
        mesh=mesh,
        scratch_types=[
            pltpu.VMEM((ek,), jnp.int32),
            pltpu.VMEM((ek,), jnp.int32),
            pltpu.VMEM((ek,), jnp.int32),
            pltpu.VMEM((ek,), jnp.int32),
            pltpu.VMEM((ek,), jnp.int32),
            pltpu.VMEM((ek,), jnp.int32),
            pltpu.VMEM((ek,), jnp.int32),
            pltpu.VMEM((ek,), jnp.int32),
            pltpu.VMEM((ek,), jnp.float32),
            pltpu.VMEM((ek,), jnp.float32),
            pltpu.VMEM((ek,), jnp.float32),
            pltpu.VMEM((ek,), jnp.float32),
            pltpu.VMEM((ek, ho), jnp.float32),
            pltpu.VMEM((ek + 16,), jnp.float32),
            pltpu.VMEM((ek + 16,), jnp.float32),
            pltpu.VMEM((rounds * 2 * nk + 32,), jnp.float32),
            pltpu.VMEM((2 * nk,), jnp.float32),
            pltpu.VMEM((nk, ho), jnp.float32),
            pltpu.VMEM((ho,), jnp.float32),
            pltpu.VMEM_SHARED((n, ho), jnp.float32),
            pltpu.VMEM_SHARED((2 * n,), jnp.float32),
            pltpu.SemaphoreType.DMA,
        ],
        compiler_params=pltpu.CompilerParams(needs_layout_passes=False),
        interpret=interpret,
    )


def _run(x, adjacency, emb_table, w, att_src, att_dst, bias, interpret=False):
    bd, dd, n = x.shape
    g = bd * dd
    c = emb_table.shape[1]
    ho = w.shape[1]
    heads, out_c = att_src.shape
    e = adjacency.shape[1]

    chunk_all = _NCORES * _NTILES * 128
    npad = ((g * n + chunk_all - 1) // chunk_all) * chunk_all
    xf = x.reshape(-1).astype(jnp.int32)
    xpad = jnp.concatenate([xf, jnp.zeros((npad - g * n,), jnp.int32)])

    cpad = ((c + 127) // 128) * 128
    emb_pad = jnp.pad(emb_table, ((0, 0), (0, cpad - c)))
    w_pad = jnp.pad(w, ((0, cpad - c), (0, 0)))

    feats = _build_gather(cpad, npad, interpret)(emb_pad, xpad)

    att_full = jnp.zeros((8, ho), jnp.float32)
    for hh in range(heads):
        att_full = att_full.at[hh, hh * out_c:(hh + 1) * out_c].set(att_src[hh])
        att_full = att_full.at[heads + hh, hh * out_c:(hh + 1) * out_c].set(att_dst[hh])

    h, a_pack = _project(feats, w_pad, att_full, interpret)

    adj = adjacency.astype(jnp.int32)
    out = _build_edge(n, ho, e, g, npad, interpret)(
        adj[0], adj[1], a_pack.reshape(-1), h, bias)
    return out.reshape(bd, dd, n * ho)


def kernel(x, adjacency, emb_table, W, att_src, att_dst, bias):
    return _run(x, adjacency, emb_table, W, att_src, att_dst, bias)

# --- scband reference (transcript-rebuilt; emitter-appended) ---
"""Pipeline reference for scband-congestion-wrapper-encoder0-40089224741034 (READ-ONLY COPY).

The authoritative reference and input builder live on the scoring server;
editing this copy changes nothing except your own understanding.
"""

import jax, jax.numpy as jnp
import numpy as np

N = 10000   # node_number / embedding rows
C = 64      # in_channels
OUT = 64    # out_channels per head
H = 2       # attention heads
B = 2       # batch
D = 2       # days
E = 160000  # edges per graph (shared adjacency)


def setup_inputs(seed: int = 0) -> dict:
    key = jax.random.key(seed)
    ks = jax.random.split(key, 8)
    x = jax.random.randint(ks[0], (B, D, N), 0, N)
    adjacency = jax.random.randint(ks[1], (2, E), 0, N)
    emb_table = jax.random.normal(ks[2], (N, C), dtype=jnp.float32)
    W = jax.random.normal(ks[3], (C, H * OUT), dtype=jnp.float32) * (1.0 / np.sqrt(C))
    att_src = jax.random.normal(ks[4], (H, OUT), dtype=jnp.float32) * 0.1
    att_dst = jax.random.normal(ks[5], (H, OUT), dtype=jnp.float32) * 0.1
    bias = jnp.zeros((H * OUT,), dtype=jnp.float32)
    return {"x": x, "adjacency": adjacency, "emb_table": emb_table, "W": W,
            "att_src": att_src, "att_dst": att_dst, "bias": bias}


def reference(x, adjacency, emb_table, W, att_src, att_dst, bias):
    Bd, Dd, Nn = x.shape
    G = Bd * Dd
    # CustomLearnableEmbedding: gather rows of learnable table
    feats = jnp.take(emb_table, x.reshape(-1), axis=0)          # [G*N, C]
    # GATConv linear projection
    h = (feats @ W).reshape(G * Nn, H, OUT)                     # [G*N, H, OUT]
    # Batch.from_data_list: same adjacency replicated with node offsets
    offsets = jnp.arange(G, dtype=adjacency.dtype) * Nn
    src = (adjacency[0][None, :] + offsets[:, None]).reshape(-1)  # [G*E]
    dst = (adjacency[1][None, :] + offsets[:, None]).reshape(-1)  # [G*E]
    # attention logits (PyG GATConv style)
    a_src = jnp.sum(h * att_src[None, :, :], axis=-1)           # [G*N, H]
    a_dst = jnp.sum(h * att_dst[None, :, :], axis=-1)           # [G*N, H]
    e = a_src[src] + a_dst[dst]                                 # [G*E, H]
    e = jax.nn.leaky_relu(e, 0.2)
    num_seg = G * Nn
    # segment softmax over incoming edges of each dst node
    e_max = jax.ops.segment_max(e, dst, num_segments=num_seg)
    e_max = jnp.where(jnp.isfinite(e_max), e_max, 0.0)
    ex = jnp.exp(e - e_max[dst])
    denom = jax.ops.segment_sum(ex, dst, num_segments=num_seg)
    alpha = ex / (denom[dst] + 1e-16)                           # [G*E, H]
    # weighted message aggregation (scatter-add by dst)
    msg = alpha[:, :, None] * h[src]                            # [G*E, H, OUT]
    out = jax.ops.segment_sum(msg, dst, num_segments=num_seg)   # [G*N, H, OUT]
    out = out.reshape(G * Nn, H * OUT) + bias[None, :]
    # x.view(batch_dim, days_num, -1)
    return out.reshape(Bd, Dd, Nn * H * OUT)

if __name__ == "__main__":
    import jax
    _d = setup_inputs()
    print(jax.jit(kernel)(*tuple(_d.values())))

</pallas_src>

<mosaic_0001>
#map = affine_map<(d0, d1) -> (0)>
#map1 = affine_map<(d0, d1) -> (0, 0)>
module attributes {stable_mosaic.version = 14 : i64} {
  func.func @body(%arg0: i32, %arg1: i32, %arg2: memref<160000xi32, #tpu.memory_space<hbm>>, %arg3: memref<160000xi32, #tpu.memory_space<hbm>>, %arg4: memref<327680xf32, #tpu.memory_space<hbm>>, %arg5: memref<40960x128xf32, #tpu.memory_space<hbm>>, %arg6: memref<128xf32, #tpu.memory_space<hbm>>, %arg7: memref<40000x128xf32, #tpu.memory_space<hbm>>, %arg8: memref<80xi32, #tpu.memory_space<vmem>>, %arg9: memref<80xi32, #tpu.memory_space<vmem>>, %arg10: memref<80xi32, #tpu.memory_space<vmem>>, %arg11: memref<80xi32, #tpu.memory_space<vmem>>, %arg12: memref<80xi32, #tpu.memory_space<vmem>>, %arg13: memref<80xi32, #tpu.memory_space<vmem>>, %arg14: memref<80xi32, #tpu.memory_space<vmem>>, %arg15: memref<80xi32, #tpu.memory_space<vmem>>, %arg16: memref<80xf32, #tpu.memory_space<vmem>>, %arg17: memref<80xf32, #tpu.memory_space<vmem>>, %arg18: memref<80xf32, #tpu.memory_space<vmem>>, %arg19: memref<80xf32, #tpu.memory_space<vmem>>, %arg20: memref<80x128xf32, #tpu.memory_space<vmem>>, %arg21: memref<96xf32, #tpu.memory_space<vmem>>, %arg22: memref<96xf32, #tpu.memory_space<vmem>>, %arg23: memref<1312xf32, #tpu.memory_space<vmem>>, %arg24: memref<80xf32, #tpu.memory_space<vmem>>, %arg25: memref<40x128xf32, #tpu.memory_space<vmem>>, %arg26: memref<128xf32, #tpu.memory_space<vmem>>, %arg27: memref<10000x128xf32, #tpu.memory_space<vmem_shared>>, %arg28: memref<20000xf32, #tpu.memory_space<vmem_shared>>, %arg29: memref<!tpu.dma_semaphore, #tpu.memory_space<semaphore_mem>>) attributes {dimension_semantics = [#tpu.dimension_semantics<core_parallel>, #tpu.dimension_semantics<subcore_parallel>], iteration_bounds = array<i64: 2, 16>, scalar_prefetch = 0 : i64, scratch_operands = 22 : i64, tpu.core_type = #tpu.core_type<sc_vector_subcore>, window_params = [{transform_indices = #map}, {transform_indices = #map}, {transform_indices = #map}, {transform_indices = #map1}, {transform_indices = #map}, {transform_indices = #map1}]} {
    %broadcast_in_dim3A = arith.constant 0.000000e+00 : f32
    %broadcast_in_dim3A_0 = vector.broadcast %broadcast_in_dim3A : f32 to vector<16xf32>
    %iota3A = tpu.iota {dimensions = array<i32: 0>} : vector<16xi32>
    "tpu.region"() ({
      %run_scoped3A = tpu.sem_alloc : memref<!tpu.dma_semaphore, #tpu.memory_space<semaphore_mem>>
      tpu.enqueue_dma source(%arg6 : memref<128xf32, #tpu.memory_space<hbm>>) target(%arg26 : memref<128xf32, #tpu.memory_space<vmem>>) target_semaphore(%run_scoped3A : memref<!tpu.dma_semaphore, #tpu.memory_space<semaphore_mem>>)
      tpu.wait_dma2 semaphore(%run_scoped3A : memref<!tpu.dma_semaphore, #tpu.memory_space<semaphore_mem>>) src(%arg6 : memref<128xf32, #tpu.memory_space<hbm>>) dst(%arg26 : memref<128xf32, #tpu.memory_space<vmem>>)
      tpu.yield
    }) : () -> ()
    %swap3A = arith.constant 0 : index
    %swap3A_1 = tpu.vector_load %arg24[%swap3A] {strides = array<i32>} : memref<80xf32, #tpu.memory_space<vmem>>, vector<16xf32>,
    tpu.vector_store %arg24[%swap3A], %broadcast_in_dim3A_0 {strides = array<i32>} : memref<80xf32, #tpu.memory_space<vmem>>, vector<16xf32>,
    %swap3A_2 = arith.constant 16 : index
    %swap3A_3 = tpu.vector_load %arg24[%swap3A_2] {strides = array<i32>} : memref<80xf32, #tpu.memory_space<vmem>>, vector<16xf32>,
    tpu.vector_store %arg24[%swap3A_2], %broadcast_in_dim3A_0 {strides = array<i32>} : memref<80xf32, #tpu.memory_space<vmem>>, vector<16xf32>,
    %swap3A_4 = arith.constant 32 : index
    %swap3A_5 = tpu.vector_load %arg24[%swap3A_4] {strides = array<i32>} : memref<80xf32, #tpu.memory_space<vmem>>, vector<16xf32>,
    tpu.vector_store %arg24[%swap3A_4], %broadcast_in_dim3A_0 {strides = array<i32>} : memref<80xf32, #tpu.memory_space<vmem>>, vector<16xf32>,
    %swap3A_6 = arith.constant 48 : index
    %swap3A_7 = tpu.vector_load %arg24[%swap3A_6] {strides = array<i32>} : memref<80xf32, #tpu.memory_space<vmem>>, vector<16xf32>,
    tpu.vector_store %arg24[%swap3A_6], %broadcast_in_dim3A_0 {strides = array<i32>} : memref<80xf32, #tpu.memory_space<vmem>>, vector<16xf32>,
    %swap3A_8 = arith.constant 64 : index
    %swap3A_9 = tpu.vector_load %arg24[%swap3A_8] {strides = array<i32>} : memref<80xf32, #tpu.memory_space<vmem>>, vector<16xf32>,
    tpu.vector_store %arg24[%swap3A_8], %broadcast_in_dim3A_0 {strides = array<i32>} : memref<80xf32, #tpu.memory_space<vmem>>, vector<16xf32>,
    %scan3A = arith.constant 0 : i32
    %scan3A_10 = arith.constant 0 : i32
    %scan3A_11 = arith.constant 40 : i32
    %scan3A_12 = arith.addi %scan3A_10, %scan3A_11 : i32
    %scan3A_13 = arith.constant 1 : i32
    scf.for %scan3A_48 = %scan3A_10 to %scan3A_12 step %scan3A_13  : i32 {
      %swap3A_49 = arith.index_cast %scan3A_48 : i32 to index
      %swap3A_50 = arith.constant 0 : index
      %swap3A_51 = tpu.vector_load %arg25[%swap3A_49, %swap3A_50] {strides = array<i32>} : memref<40x128xf32, #tpu.memory_space<vmem>>, vector<16xf32>,
      tpu.vector_store %arg25[%swap3A_49, %swap3A_50], %broadcast_in_dim3A_0 {strides = array<i32>} : memref<40x128xf32, #tpu.memory_space<vmem>>, vector<16xf32>,
      %swap3A_52 = arith.index_cast %scan3A_48 : i32 to index
      %swap3A_53 = arith.constant 16 : index
      %swap3A_54 = tpu.vector_load %arg25[%swap3A_52, %swap3A_53] {strides = array<i32>} : memref<40x128xf32, #tpu.memory_space<vmem>>, vector<16xf32>,
      tpu.vector_store %arg25[%swap3A_52, %swap3A_53], %broadcast_in_dim3A_0 {strides = array<i32>} : memref<40x128xf32, #tpu.memory_space<vmem>>, vector<16xf32>,
      %swap3A_55 = arith.index_cast %scan3A_48 : i32 to index
      %swap3A_56 = arith.constant 32 : index
      %swap3A_57 = tpu.vector_load %arg25[%swap3A_55, %swap3A_56] {strides = array<i32>} : memref<40x128xf32, #tpu.memory_space<vmem>>, vector<16xf32>,
      tpu.vector_store %arg25[%swap3A_55, %swap3A_56], %broadcast_in_dim3A_0 {strides = array<i32>} : memref<40x128xf32, #tpu.memory_space<vmem>>, vector<16xf32>,
      %swap3A_58 = arith.index_cast %scan3A_48 : i32 to index
      %swap3A_59 = arith.constant 48 : index
      %swap3A_60 = tpu.vector_load %arg25[%swap3A_58, %swap3A_59] {strides = array<i32>} : memref<40x128xf32, #tpu.memory_space<vmem>>, vector<16xf32>,
      tpu.vector_store %arg25[%swap3A_58, %swap3A_59], %broadcast_in_dim3A_0 {strides = array<i32>} : memref<40x128xf32, #tpu.memory_space<vmem>>, vector<16xf32>,
      %swap3A_61 = arith.index_cast %scan3A_48 : i32 to index
      %swap3A_62 = arith.constant 64 : index
      %swap3A_63 = tpu.vector_load %arg25[%swap3A_61, %swap3A_62] {strides = array<i32>} : memref<40x128xf32, #tpu.memory_space<vmem>>, vector<16xf32>,
      tpu.vector_store %arg25[%swap3A_61, %swap3A_62], %broadcast_in_dim3A_0 {strides = array<i32>} : memref<40x128xf32, #tpu.memory_space<vmem>>, vector<16xf32>,
      %swap3A_64 = arith.index_cast %scan3A_48 : i32 to index
      %swap3A_65 = arith.constant 80 : index
      %swap3A_66 = tpu.vector_load %arg25[%swap3A_64, %swap3A_65] {strides = array<i32>} : memref<40x128xf32, #tpu.memory_space<vmem>>, vector<16xf32>,
      tpu.vector_store %arg25[%swap3A_64, %swap3A_65], %broadcast_in_dim3A_0 {strides = array<i32>} : memref<40x128xf32, #tpu.memory_space<vmem>>, vector<16xf32>,
      %swap3A_67 = arith.index_cast %scan3A_48 : i32 to index
      %swap3A_68 = arith.constant 96 : index
      %swap3A_69 = tpu.vector_load %arg25[%swap3A_67, %swap3A_68] {strides = array<i32>} : memref<40x128xf32, #tpu.memory_space<vmem>>, vector<16xf32>,
      tpu.vector_store %arg25[%swap3A_67, %swap3A_68], %broadcast_in_dim3A_0 {strides = array<i32>} : memref<40x128xf32, #tpu.memory_space<vmem>>, vector<16xf32>,
      %swap3A_70 = arith.index_cast %scan3A_48 : i32 to index
      %swap3A_71 = arith.constant 112 : index
      %swap3A_72 = tpu.vector_load %arg25[%swap3A_70, %swap3A_71] {strides = array<i32>} : memref<40x128xf32, #tpu.memory_space<vmem>>, vector<16xf32>,
      tpu.vector_store %arg25[%swap3A_70, %swap3A_71], %broadcast_in_dim3A_0 {strides = array<i32>} : memref<40x128xf32, #tpu.memory_space<vmem>>, vector<16xf32>,
    }
    %scan3A_14 = arith.constant 40 : i32
    %scan3A_15 = arith.constant 0 : i32
    %scan3A_16 = arith.constant 0 : i32
    %scan3A_17 = arith.constant 16 : i32
    %scan3A_18 = arith.addi %scan3A_16, %scan3A_17 : i32
    %scan3A_19 = arith.constant 1 : i32
    scf.for %scan3A_48 = %scan3A_16 to %scan3A_18 step %scan3A_19  : i32 {
      %mul3A = arith.constant 16 : i32
      %mul3A_49 = arith.muli %scan3A_48, %mul3A : i32
      %add3A = arith.addi %mul3A_49, %arg1 : i32
      %lt3A = arith.constant 250 : i32
      %lt3A_50 = arith.cmpi slt, %add3A, %lt3A : i32
      %convert_element_type3A = arith.extui %lt3A_50 : i1 to i32
      %cond3A = arith.constant 0 : i32
      %cond3A_51 = arith.cmpi ne, %convert_element_type3A, %cond3A : i32
      scf.if %cond3A_51 {
        %mul3A_52 = arith.constant 40 : i32
        %mul3A_53 = arith.muli %add3A, %mul3A_52 : i32
        "tpu.region"() ({
          %run_scoped3A = tpu.sem_alloc : memref<!tpu.dma_semaphore, #tpu.memory_space<semaphore_mem>>
          %dma_start3A = arith.constant 0 : i32
          %dma_start3A_54 = tpu.memref_slice %arg27[%mul3A_53, %dma_start3A] : memref<10000x128xf32, #tpu.memory_space<vmem_shared>> -> memref<40x128xf32, #tpu.memory_space<vmem_shared>>
          %dma_start3A_55 = arith.constant 0 : i32
          %dma_start3A_56 = tpu.memref_slice %arg27[%mul3A_53, %dma_start3A_55] : memref<10000x128xf32, #tpu.memory_space<vmem_shared>> -> memref<40x128xf32, #tpu.memory_space<vmem_shared>>
          tpu.enqueue_dma source(%arg25 : memref<40x128xf32, #tpu.memory_space<vmem>>) target(%dma_start3A_56 : memref<40x128xf32, #tpu.memory_space<vmem_shared>>) target_semaphore(%run_scoped3A : memref<!tpu.dma_semaphore, #tpu.memory_space<semaphore_mem>>)
          %dma_wait3A = arith.constant 0 : i32
          %dma_wait3A_57 = tpu.memref_slice %arg27[%mul3A_53, %dma_wait3A] : memref<10000x128xf32, #tpu.memory_space<vmem_shared>> -> memref<40x128xf32, #tpu.memory_space<vmem_shared>>
          %dma_wait3A_58 = arith.constant 0 : i32
          %dma_wait3A_59 = tpu.memref_slice %arg27[%mul3A_53, %dma_wait3A_58] : memref<10000x128xf32, #tpu.memory_space<vmem_shared>> -> memref<40x128xf32, #tpu.memory_space<vmem_shared>>
          tpu.wait_dma2 semaphore(%run_scoped3A : memref<!tpu.dma_semaphore, #tpu.memory_space<semaphore_mem>>) src(%arg25 : memref<40x128xf32, #tpu.memory_space<vmem>>) dst(%dma_wait3A_59 : memref<40x128xf32, #tpu.memory_space<vmem_shared>>)
          tpu.yield
        }) : () -> ()
      } else {
      }
    }
    %scan3A_20 = arith.constant 16 : i32
    %scan3A_21 = arith.constant 0 : i32
    %scan3A_22 = arith.constant 0 : i32
    %scan3A_23 = arith.constant 16 : i32
    %scan3A_24 = arith.addi %scan3A_22, %scan3A_23 : i32
    %scan3A_25 = arith.constant 1 : i32
    scf.for %scan3A_48 = %scan3A_22 to %scan3A_24 step %scan3A_25  : i32 {
      %mul3A = arith.constant 16 : i32
      %mul3A_49 = arith.muli %scan3A_48, %mul3A : i32
      %add3A = arith.addi %mul3A_49, %arg1 : i32
      %lt3A = arith.constant 250 : i32
      %lt3A_50 = arith.cmpi slt, %add3A, %lt3A : i32
      %convert_element_type3A = arith.extui %lt3A_50 : i1 to i32
      %cond3A = arith.constant 0 : i32
      %cond3A_51 = arith.cmpi ne, %convert_element_type3A, %cond3A : i32
      scf.if %cond3A_51 {
        %mul3A_52 = arith.constant 80 : i32
        %mul3A_53 = arith.muli %add3A, %mul3A_52 : i32
        "tpu.region"() ({
          %run_scoped3A = tpu.sem_alloc : memref<!tpu.dma_semaphore, #tpu.memory_space<semaphore_mem>>
          %dma_start3A = tpu.memref_slice %arg28[%mul3A_53] : memref<20000xf32, #tpu.memory_space<vmem_shared>> -> memref<80xf32, #tpu.memory_space<vmem_shared>>
          %dma_start3A_54 = tpu.memref_slice %arg28[%mul3A_53] : memref<20000xf32, #tpu.memory_space<vmem_shared>> -> memref<80xf32, #tpu.memory_space<vmem_shared>>
          tpu.enqueue_dma source(%arg24 : memref<80xf32, #tpu.memory_space<vmem>>) target(%dma_start3A_54 : memref<80xf32, #tpu.memory_space<vmem_shared>>) target_semaphore(%run_scoped3A : memref<!tpu.dma_semaphore, #tpu.memory_space<semaphore_mem>>)
          %dma_wait3A = tpu.memref_slice %arg28[%mul3A_53] : memref<20000xf32, #tpu.memory_space<vmem_shared>> -> memref<80xf32, #tpu.memory_space<vmem_shared>>
          %dma_wait3A_55 = tpu.memref_slice %arg28[%mul3A_53] : memref<20000xf32, #tpu.memory_space<vmem_shared>> -> memref<80xf32, #tpu.memory_space<vmem_shared>>
          tpu.wait_dma2 semaphore(%run_scoped3A : memref<!tpu.dma_semaphore, #tpu.memory_space<semaphore_mem>>) src(%arg24 : memref<80xf32, #tpu.memory_space<vmem>>) dst(%dma_wait3A_55 : memref<80xf32, #tpu.memory_space<vmem_shared>>)
          tpu.yield
        }) : () -> ()
      } else {
      }
    }
    %scan3A_26 = arith.constant 16 : i32
    %barrier3A = arith.constant 0 : index
    tpu.barrier barrier_id(%barrier3A)
    %get3A = arith.constant 0 : index
    %get3A_27 = tpu.vector_load %arg26[%get3A] {strides = array<i32>} : memref<128xf32, #tpu.memory_space<vmem>>, vector<16xf32>,
    %get3A_28 = arith.constant 16 : index
    %get3A_29 = tpu.vector_load %arg26[%get3A_28] {strides = array<i32>} : memref<128xf32, #tpu.memory_space<vmem>>, vector<16xf32>,
    %get3A_30 = arith.constant 32 : index
    %get3A_31 = tpu.vector_load %arg26[%get3A_30] {strides = array<i32>} : memref<128xf32, #tpu.memory_space<vmem>>, vector<16xf32>,
    %get3A_32 = arith.constant 48 : index
    %get3A_33 = tpu.vector_load %arg26[%get3A_32] {strides = array<i32>} : memref<128xf32, #tpu.memory_space<vmem>>, vector<16xf32>,
    %get3A_34 = arith.constant 64 : index
    %get3A_35 = tpu.vector_load %arg26[%get3A_34] {strides = array<i32>} : memref<128xf32, #tpu.memory_space<vmem>>, vector<16xf32>,
    %get3A_36 = arith.constant 80 : index
    %get3A_37 = tpu.vector_load %arg26[%get3A_36] {strides = array<i32>} : memref<128xf32, #tpu.memory_space<vmem>>, vector<16xf32>,
    %get3A_38 = arith.constant 96 : index
    %get3A_39 = tpu.vector_load %arg26[%get3A_38] {strides = array<i32>} : memref<128xf32, #tpu.memory_space<vmem>>, vector<16xf32>,
    %get3A_40 = arith.constant 112 : index
    %get3A_41 = tpu.vector_load %arg26[%get3A_40] {strides = array<i32>} : memref<128xf32, #tpu.memory_space<vmem>>, vector<16xf32>,
    %scan3A_42 = arith.constant 0 : i32
    %scan3A_43 = arith.constant 0 : i32
    %scan3A_44 = arith.constant 2 : i32
    %scan3A_45 = arith.addi %scan3A_43, %scan3A_44 : i32
    %scan3A_46 = arith.constant 1 : i32
    scf.for %scan3A_48 = %scan3A_43 to %scan3A_45 step %scan3A_46  : i32 {
      %mul3A = arith.constant 2 : i32
      %mul3A_49 = arith.muli %arg0, %mul3A : i32
      %add3A = arith.addi %mul3A_49, %scan3A_48 : i32
      %scan3A_50 = arith.constant 0 : i32
      %scan3A_51 = arith.constant 0 : i32
      %scan3A_52 = arith.constant 125 : i32
      %scan3A_53 = arith.addi %scan3A_51, %scan3A_52 : i32
      %scan3A_54 = arith.constant 1 : i32
      scf.for %scan3A_82 = %scan3A_51 to %scan3A_53 step %scan3A_54  : i32 {
        %mul3A_83 = arith.constant 10000 : i32
        %mul3A_84 = arith.muli %arg1, %mul3A_83 : i32
        %mul3A_85 = arith.constant 80 : i32
        %mul3A_86 = arith.muli %scan3A_82, %mul3A_85 : i32
        %add3A_87 = arith.addi %mul3A_84, %mul3A_86 : i32
        %dma_start3A = tpu.memref_slice %arg2[%add3A_87] : memref<160000xi32, #tpu.memory_space<hbm>> -> memref<80xi32, #tpu.memory_space<hbm>>
        %dma_start3A_88 = tpu.memref_slice %arg2[%add3A_87] : memref<160000xi32, #tpu.memory_space<hbm>> -> memref<80xi32, #tpu.memory_space<hbm>>
        tpu.enqueue_dma source(%dma_start3A_88 : memref<80xi32, #tpu.memory_space<hbm>>) target(%arg8 : memref<80xi32, #tpu.memory_space<vmem>>) target_semaphore(%arg29 : memref<!tpu.dma_semaphore, #tpu.memory_space<semaphore_mem>>)
        %dma_start3A_89 = tpu.memref_slice %arg3[%add3A_87] : memref<160000xi32, #tpu.memory_space<hbm>> -> memref<80xi32, #tpu.memory_space<hbm>>
        %dma_start3A_90 = tpu.memref_slice %arg3[%add3A_87] : memref<160000xi32, #tpu.memory_space<hbm>> -> memref<80xi32, #tpu.memory_space<hbm>>
        tpu.enqueue_dma source(%dma_start3A_90 : memref<80xi32, #tpu.memory_space<hbm>>) target(%arg9 : memref<80xi32, #tpu.memory_space<vmem>>) target_semaphore(%arg29 : memref<!tpu.dma_semaphore, #tpu.memory_space<semaphore_mem>>)
        %dma_wait3A = tpu.memref_slice %arg2[%add3A_87] : memref<160000xi32, #tpu.memory_space<hbm>> -> memref<80xi32, #tpu.memory_space<hbm>>
        %dma_wait3A_91 = tpu.memref_slice %arg2[%add3A_87] : memref<160000xi32, #tpu.memory_space<hbm>> -> memref<80xi32, #tpu.memory_space<hbm>>
        tpu.wait_dma2 semaphore(%arg29 : memref<!tpu.dma_semaphore, #tpu.memory_space<semaphore_mem>>) src(%dma_wait3A_91 : memref<80xi32, #tpu.memory_space<hbm>>) dst(%arg8 : memref<80xi32, #tpu.memory_space<vmem>>)
        %dma_wait3A_92 = tpu.memref_slice %arg3[%add3A_87] : memref<160000xi32, #tpu.memory_space<hbm>> -> memref<80xi32, #tpu.memory_space<hbm>>
        %dma_wait3A_93 = tpu.memref_slice %arg3[%add3A_87] : memref<160000xi32, #tpu.memory_space<hbm>> -> memref<80xi32, #tpu.memory_space<hbm>>
        tpu.wait_dma2 semaphore(%arg29 : memref<!tpu.dma_semaphore, #tpu.memory_space<semaphore_mem>>) src(%dma_wait3A_93 : memref<80xi32, #tpu.memory_space<hbm>>) dst(%arg9 : memref<80xi32, #tpu.memory_space<vmem>>)
        %get3A_94 = arith.constant 0 : index
        %get3A_95 = tpu.vector_load %arg8[%get3A_94] {strides = array<i32>} : memref<80xi32, #tpu.memory_space<vmem>>, vector<16xi32>,
        %get3A_96 = arith.constant 0 : index
        %get3A_97 = tpu.vector_load %arg9[%get3A_96] {strides = array<i32>} : memref<80xi32, #tpu.memory_space<vmem>>, vector<16xi32>,
        %mul3A_98 = arith.constant 10000 : i32
        %mul3A_99 = arith.muli %add3A, %mul3A_98 : i32
        %add3A_100 = vector.broadcast %mul3A_99 : i32 to vector<16xi32>
        %add3A_101 = arith.addi %get3A_95, %add3A_100 : vector<16xi32>
        %swap3A_102 = arith.constant 0 : index
        %swap3A_103 = tpu.vector_load %arg10[%swap3A_102] {strides = array<i32>} : memref<80xi32, #tpu.memory_space<vmem>>, vector<16xi32>,
        tpu.vector_store %arg10[%swap3A_102], %add3A_101 {strides = array<i32>} : memref<80xi32, #tpu.memory_space<vmem>>, vector<16xi32>,
        %mul3A_104 = arith.constant 10000 : i32
        %mul3A_105 = arith.muli %add3A, %mul3A_104 : i32
        %add3A_106 = arith.constant 40960 : i32
        %add3A_107 = arith.addi %mul3A_105, %add3A_106 : i32
        %add3A_108 = vector.broadcast %add3A_107 : i32 to vector<16xi32>
        %add3A_109 = arith.addi %get3A_95, %add3A_108 : vector<16xi32>
        %swap3A_110 = arith.constant 0 : index
        %swap3A_111 = tpu.vector_load %arg11[%swap3A_110] {strides = array<i32>} : memref<80xi32, #tpu.memory_space<vmem>>, vector<16xi32>,
        tpu.vector_store %arg11[%swap3A_110], %add3A_109 {strides = array<i32>} : memref<80xi32, #tpu.memory_space<vmem>>, vector<16xi32>,
        %mul3A_112 = arith.constant 10000 : i32
        %mul3A_113 = arith.muli %add3A, %mul3A_112 : i32
        %add3A_114 = arith.constant 81920 : i32
        %add3A_115 = arith.addi %mul3A_113, %add3A_114 : i32
        %add3A_116 = vector.broadcast %add3A_115 : i32 to vector<16xi32>
        %add3A_117 = arith.addi %get3A_97, %add3A_116 : vector<16xi32>
        %swap3A_118 = arith.constant 0 : index
        %swap3A_119 = tpu.vector_load %arg12[%swap3A_118] {strides = array<i32>} : memref<80xi32, #tpu.memory_space<vmem>>, vector<16xi32>,
        tpu.vector_store %arg12[%swap3A_118], %add3A_117 {strides = array<i32>} : memref<80xi32, #tpu.memory_space<vmem>>, vector<16xi32>,
        %mul3A_120 = arith.constant 10000 : i32
        %mul3A_121 = arith.muli %add3A, %mul3A_120 : i32
        %add3A_122 = arith.constant 122880 : i32
        %add3A_123 = arith.addi %mul3A_121, %add3A_122 : i32
        %add3A_124 = vector.broadcast %add3A_123 : i32 to vector<16xi32>
        %add3A_125 = arith.addi %get3A_97, %add3A_124 : vector<16xi32>
        %swap3A_126 = arith.constant 0 : index
        %swap3A_127 = tpu.vector_load %arg13[%swap3A_126] {strides = array<i32>} : memref<80xi32, #tpu.memory_space<vmem>>, vector<16xi32>,
        tpu.vector_store %arg13[%swap3A_126], %add3A_125 {strides = array<i32>} : memref<80xi32, #tpu.memory_space<vmem>>, vector<16xi32>,
        %mul3A_128 = arith.constant 2 : i32
        %mul3A_129 = vector.broadcast %mul3A_128 : i32 to vector<16xi32>
        %mul3A_130 = arith.muli %get3A_97, %mul3A_129 : vector<16xi32>
        %swap3A_131 = arith.constant 0 : index
        %swap3A_132 = tpu.vector_load %arg14[%swap3A_131] {strides = array<i32>} : memref<80xi32, #tpu.memory_space<vmem>>, vector<16xi32>,
        tpu.vector_store %arg14[%swap3A_131], %mul3A_130 {strides = array<i32>} : memref<80xi32, #tpu.memory_space<vmem>>, vector<16xi32>,
        %mul3A_133 = arith.constant 2 : i32
        %mul3A_134 = vector.broadcast %mul3A_133 : i32 to vector<16xi32>
        %mul3A_135 = arith.muli %get3A_97, %mul3A_134 : vector<16xi32>
        %add3A_136 = arith.constant 1 : i32
        %add3A_137 = vector.broadcast %add3A_136 : i32 to vector<16xi32>
        %add3A_138 = arith.addi %mul3A_135, %add3A_137 : vector<16xi32>
        %swap3A_139 = arith.constant 0 : index
        %swap3A_140 = tpu.vector_load %arg15[%swap3A_139] {strides = array<i32>} : memref<80xi32, #tpu.memory_space<vmem>>, vector<16xi32>,
        tpu.vector_store %arg15[%swap3A_139], %add3A_138 {strides = array<i32>} : memref<80xi32, #tpu.memory_space<vmem>>, vector<16xi32>,
        %get3A_141 = arith.constant 16 : index
        %get3A_142 = tpu.vector_load %arg8[%get3A_141] {strides = array<i32>} : memref<80xi32, #tpu.memory_space<vmem>>, vector<16xi32>,
        %get3A_143 = arith.constant 16 : index
        %get3A_144 = tpu.vector_load %arg9[%get3A_143] {strides = array<i32>} : memref<80xi32, #tpu.memory_space<vmem>>, vector<16xi32>,
        %mul3A_145 = arith.constant 10000 : i32
        %mul3A_146 = arith.muli %add3A, %mul3A_145 : i32
        %add3A_147 = vector.broadcast %mul3A_146 : i32 to vector<16xi32>
        %add3A_148 = arith.addi %get3A_142, %add3A_147 : vector<16xi32>
        %swap3A_149 = arith.constant 16 : index
        %swap3A_150 = tpu.vector_load %arg10[%swap3A_149] {strides = array<i32>} : memref<80xi32, #tpu.memory_space<vmem>>, vector<16xi32>,
        tpu.vector_store %arg10[%swap3A_149], %add3A_148 {strides = array<i32>} : memref<80xi32, #tpu.memory_space<vmem>>, vector<16xi32>,
        %mul3A_151 = arith.constant 10000 : i32
        %mul3A_152 = arith.muli %add3A, %mul3A_151 : i32
        %add3A_153 = arith.constant 40960 : i32
        %add3A_154 = arith.addi %mul3A_152, %add3A_153 : i32
        %add3A_155 = vector.broadcast %add3A_154 : i32 to vector<16xi32>
        %add3A_156 = arith.addi %get3A_142, %add3A_155 : vector<16xi32>
        %swap3A_157 = arith.constant 16 : index
        %swap3A_158 = tpu.vector_load %arg11[%swap3A_157] {strides = array<i32>} : memref<80xi32, #tpu.memory_space<vmem>>, vector<16xi32>,
        tpu.vector_store %arg11[%swap3A_157], %add3A_156 {strides = array<i32>} : memref<80xi32, #tpu.memory_space<vmem>>, vector<16xi32>,
        %mul3A_159 = arith.constant 10000 : i32
        %mul3A_160 = arith.muli %add3A, %mul3A_159 : i32
        %add3A_161 = arith.constant 81920 : i32
        %add3A_162 = arith.addi %mul3A_160, %add3A_161 : i32
        %add3A_163 = vector.broadcast %add3A_162 : i32 to vector<16xi32>
        %add3A_164 = arith.addi %get3A_144, %add3A_163 : vector<16xi32>
        %swap3A_165 = arith.constant 16 : index
        %swap3A_166 = tpu.vector_load %arg12[%swap3A_165] {strides = array<i32>} : memref<80xi32, #tpu.memory_space<vmem>>, vector<16xi32>,
        tpu.vector_store %arg12[%swap3A_165], %add3A_164 {strides = array<i32>} : memref<80xi32, #tpu.memory_space<vmem>>, vector<16xi32>,
        %mul3A_167 = arith.constant 10000 : i32
        %mul3A_168 = arith.muli %add3A, %mul3A_167 : i32
        %add3A_169 = arith.constant 122880 : i32
        %add3A_170 = arith.addi %mul3A_168, %add3A_169 : i32
        %add3A_171 = vector.broadcast %add3A_170 : i32 to vector<16xi32>
        %add3A_172 = arith.addi %get3A_144, %add3A_171 : vector<16xi32>
        %swap3A_173 = arith.constant 16 : index
        %swap3A_174 = tpu.vector_load %arg13[%swap3A_173] {strides = array<i32>} : memref<80xi32, #tpu.memory_space<vmem>>, vector<16xi32>,
        tpu.vector_store %arg13[%swap3A_173], %add3A_172 {strides = array<i32>} : memref<80xi32, #tpu.memory_space<vmem>>, vector<16xi32>,
        %mul3A_175 = arith.constant 2 : i32
        %mul3A_176 = vector.broadcast %mul3A_175 : i32 to vector<16xi32>
        %mul3A_177 = arith.muli %get3A_144, %mul3A_176 : vector<16xi32>
        %swap3A_178 = arith.constant 16 : index
        %swap3A_179 = tpu.vector_load %arg14[%swap3A_178] {strides = array<i32>} : memref<80xi32, #tpu.memory_space<vmem>>, vector<16xi32>,
        tpu.vector_store %arg14[%swap3A_178], %mul3A_177 {strides = array<i32>} : memref<80xi32, #tpu.memory_space<vmem>>, vector<16xi32>,
        %mul3A_180 = arith.constant 2 : i32
        %mul3A_181 = vector.broadcast %mul3A_180 : i32 to vector<16xi32>
        %mul3A_182 = arith.muli %get3A_144, %mul3A_181 : vector<16xi32>
        %add3A_183 = arith.constant 1 : i32
        %add3A_184 = vector.broadcast %add3A_183 : i32 to vector<16xi32>
        %add3A_185 = arith.addi %mul3A_182, %add3A_184 : vector<16xi32>
        %swap3A_186 = arith.constant 16 : index
        %swap3A_187 = tpu.vector_load %arg15[%swap3A_186] {strides = array<i32>} : memref<80xi32, #tpu.memory_space<vmem>>, vector<16xi32>,
        tpu.vector_store %arg15[%swap3A_186], %add3A_185 {strides = array<i32>} : memref<80xi32, #tpu.memory_space<vmem>>, vector<16xi32>,
        %get3A_188 = arith.constant 32 : index
        %get3A_189 = tpu.vector_load %arg8[%get3A_188] {strides = array<i32>} : memref<80xi32, #tpu.memory_space<vmem>>, vector<16xi32>,
        %get3A_190 = arith.constant 32 : index
        %get3A_191 = tpu.vector_load %arg9[%get3A_190] {strides = array<i32>} : memref<80xi32, #tpu.memory_space<vmem>>, vector<16xi32>,
        %mul3A_192 = arith.constant 10000 : i32
        %mul3A_193 = arith.muli %add3A, %mul3A_192 : i32
        %add3A_194 = vector.broadcast %mul3A_193 : i32 to vector<16xi32>
        %add3A_195 = arith.addi %get3A_189, %add3A_194 : vector<16xi32>
        %swap3A_196 = arith.constant 32 : index
        %swap3A_197 = tpu.vector_load %arg10[%swap3A_196] {strides = array<i32>} : memref<80xi32, #tpu.memory_space<vmem>>, vector<16xi32>,
        tpu.vector_store %arg10[%swap3A_196], %add3A_195 {strides = array<i32>} : memref<80xi32, #tpu.memory_space<vmem>>, vector<16xi32>,
        %mul3A_198 = arith.constant 10000 : i32
        %mul3A_199 = arith.muli %add3A, %mul3A_198 : i32
        %add3A_200 = arith.constant 40960 : i32
        %add3A_201 = arith.addi %mul3A_199, %add3A_200 : i32
        %add3A_202 = vector.broadcast %add3A_201 : i32 to vector<16xi32>
        %add3A_203 = arith.addi %get3A_189, %add3A_202 : vector<16xi32>
        %swap3A_204 = arith.constant 32 : index
        %swap3A_205 = tpu.vector_load %arg11[%swap3A_204] {strides = array<i32>} : memref<80xi32, #tpu.memory_space<vmem>>, vector<16xi32>,
        tpu.vector_store %arg11[%swap3A_204], %add3A_203 {strides = array<i32>} : memref<80xi32, #tpu.memory_space<vmem>>, vector<16xi32>,
        %mul3A_206 = arith.constant 10000 : i32
        %mul3A_207 = arith.muli %add3A, %mul3A_206 : i32
        %add3A_208 = arith.constant 81920 : i32
        %add3A_209 = arith.addi %mul3A_207, %add3A_208 : i32
        %add3A_210 = vector.broadcast %add3A_209 : i32 to vector<16xi32>
        %add3A_211 = arith.addi %get3A_191, %add3A_210 : vector<16xi32>
        %swap3A_212 = arith.constant 32 : index
        %swap3A_213 = tpu.vector_load %arg12[%swap3A_212] {strides = array<i32>} : memref<80xi32, #tpu.memory_space<vmem>>, vector<16xi32>,
        tpu.vector_store %arg12[%swap3A_212], %add3A_211 {strides = array<i32>} : memref<80xi32, #tpu.memory_space<vmem>>, vector<16xi32>,
        %mul3A_214 = arith.constant 10000 : i32
        %mul3A_215 = arith.muli %add3A, %mul3A_214 : i32
        %add3A_216 = arith.constant 122880 : i32
        %add3A_217 = arith.addi %mul3A_215, %add3A_216 : i32
        %add3A_218 = vector.broadcast %add3A_217 : i32 to vector<16xi32>
        %add3A_219 = arith.addi %get3A_191, %add3A_218 : vector<16xi32>
        %swap3A_220 = arith.constant 32 : index
        %swap3A_221 = tpu.vector_load %arg13[%swap3A_220] {strides = array<i32>} : memref<80xi32, #tpu.memory_space<vmem>>, vector<16xi32>,
        tpu.vector_store %arg13[%swap3A_220], %add3A_219 {strides = array<i32>} : memref<80xi32, #tpu.memory_space<vmem>>, vector<16xi32>,
        %mul3A_222 = arith.constant 2 : i32
        %mul3A_223 = vector.broadcast %mul3A_222 : i32 to vector<16xi32>
        %mul3A_224 = arith.muli %get3A_191, %mul3A_223 : vector<16xi32>
        %swap3A_225 = arith.constant 32 : index
        %swap3A_226 = tpu.vector_load %arg14[%swap3A_225] {strides = array<i32>} : memref<80xi32, #tpu.memory_space<vmem>>, vector<16xi32>,
        tpu.vector_store %arg14[%swap3A_225], %mul3A_224 {strides = array<i32>} : memref<80xi32, #tpu.memory_space<vmem>>, vector<16xi32>,
        %mul3A_227 = arith.constant 2 : i32
        %mul3A_228 = vector.broadcast %mul3A_227 : i32 to vector<16xi32>
        %mul3A_229 = arith.muli %get3A_191, %mul3A_228 : vector<16xi32>
        %add3A_230 = arith.constant 1 : i32
        %add3A_231 = vector.broadcast %add3A_230 : i32 to vector<16xi32>
        %add3A_232 = arith.addi %mul3A_229, %add3A_231 : vector<16xi32>
        %swap3A_233 = arith.constant 32 : index
        %swap3A_234 = tpu.vector_load %arg15[%swap3A_233] {strides = array<i32>} : memref<80xi32, #tpu.memory_space<vmem>>, vector<16xi32>,
        tpu.vector_store %arg15[%swap3A_233], %add3A_232 {strides = array<i32>} : memref<80xi32, #tpu.memory_space<vmem>>, vector<16xi32>,
        %get3A_235 = arith.constant 48 : index
        %get3A_236 = tpu.vector_load %arg8[%get3A_235] {strides = array<i32>} : memref<80xi32, #tpu.memory_space<vmem>>, vector<16xi32>,
        %get3A_237 = arith.constant 48 : index
        %get3A_238 = tpu.vector_load %arg9[%get3A_237] {strides = array<i32>} : memref<80xi32, #tpu.memory_space<vmem>>, vector<16xi32>,
        %mul3A_239 = arith.constant 10000 : i32
        %mul3A_240 = arith.muli %add3A, %mul3A_239 : i32
        %add3A_241 = vector.broadcast %mul3A_240 : i32 to vector<16xi32>
        %add3A_242 = arith.addi %get3A_236, %add3A_241 : vector<16xi32>
        %swap3A_243 = arith.constant 48 : index
        %swap3A_244 = tpu.vector_load %arg10[%swap3A_243] {strides = array<i32>} : memref<80xi32, #tpu.memory_space<vmem>>, vector<16xi32>,
        tpu.vector_store %arg10[%swap3A_243], %add3A_242 {strides = array<i32>} : memref<80xi32, #tpu.memory_space<vmem>>, vector<16xi32>,
        %mul3A_245 = arith.constant 10000 : i32
        %mul3A_246 = arith.muli %add3A, %mul3A_245 : i32
        %add3A_247 = arith.constant 40960 : i32
        %add3A_248 = arith.addi %mul3A_246, %add3A_247 : i32
        %add3A_249 = vector.broadcast %add3A_248 : i32 to vector<16xi32>
        %add3A_250 = arith.addi %get3A_236, %add3A_249 : vector<16xi32>
        %swap3A_251 = arith.constant 48 : index
        %swap3A_252 = tpu.vector_load %arg11[%swap3A_251] {strides = array<i32>} : memref<80xi32, #tpu.memory_space<vmem>>, vector<16xi32>,
        tpu.vector_store %arg11[%swap3A_251], %add3A_250 {strides = array<i32>} : memref<80xi32, #tpu.memory_space<vmem>>, vector<16xi32>,
        %mul3A_253 = arith.constant 10000 : i32
        %mul3A_254 = arith.muli %add3A, %mul3A_253 : i32
        %add3A_255 = arith.constant 81920 : i32
        %add3A_256 = arith.addi %mul3A_254, %add3A_255 : i32
        %add3A_257 = vector.broadcast %add3A_256 : i32 to vector<16xi32>
        %add3A_258 = arith.addi %get3A_238, %add3A_257 : vector<16xi32>
        %swap3A_259 = arith.constant 48 : index
        %swap3A_260 = tpu.vector_load %arg12[%swap3A_259] {strides = array<i32>} : memref<80xi32, #tpu.memory_space<vmem>>, vector<16xi32>,
        tpu.vector_store %arg12[%swap3A_259], %add3A_258 {strides = array<i32>} : memref<80xi32, #tpu.memory_space<vmem>>, vector<16xi32>,
        %mul3A_261 = arith.constant 10000 : i32
        %mul3A_262 = arith.muli %add3A, %mul3A_261 : i32
        %add3A_263 = arith.constant 122880 : i32
        %add3A_264 = arith.addi %mul3A_262, %add3A_263 : i32
        %add3A_265 = vector.broadcast %add3A_264 : i32 to vector<16xi32>
        %add3A_266 = arith.addi %get3A_238, %add3A_265 : vector<16xi32>
        %swap3A_267 = arith.constant 48 : index
        %swap3A_268 = tpu.vector_load %arg13[%swap3A_267] {strides = array<i32>} : memref<80xi32, #tpu.memory_space<vmem>>, vector<16xi32>,
        tpu.vector_store %arg13[%swap3A_267], %add3A_266 {strides = array<i32>} : memref<80xi32, #tpu.memory_space<vmem>>, vector<16xi32>,
        %mul3A_269 = arith.constant 2 : i32
        %mul3A_270 = vector.broadcast %mul3A_269 : i32 to vector<16xi32>
        %mul3A_271 = arith.muli %get3A_238, %mul3A_270 : vector<16xi32>
        %swap3A_272 = arith.constant 48 : index
        %swap3A_273 = tpu.vector_load %arg14[%swap3A_272] {strides = array<i32>} : memref<80xi32, #tpu.memory_space<vmem>>, vector<16xi32>,
        tpu.vector_store %arg14[%swap3A_272], %mul3A_271 {strides = array<i32>} : memref<80xi32, #tpu.memory_space<vmem>>, vector<16xi32>,
        %mul3A_274 = arith.constant 2 : i32
        %mul3A_275 = vector.broadcast %mul3A_274 : i32 to vector<16xi32>
        %mul3A_276 = arith.muli %get3A_238, %mul3A_275 : vector<16xi32>
        %add3A_277 = arith.constant 1 : i32
        %add3A_278 = vector.broadcast %add3A_277 : i32 to vector<16xi32>
        %add3A_279 = arith.addi %mul3A_276, %add3A_278 : vector<16xi32>
        %swap3A_280 = arith.constant 48 : index
        %swap3A_281 = tpu.vector_load %arg15[%swap3A_280] {strides = array<i32>} : memref<80xi32, #tpu.memory_space<vmem>>, vector<16xi32>,
        tpu.vector_store %arg15[%swap3A_280], %add3A_279 {strides = array<i32>} : memref<80xi32, #tpu.memory_space<vmem>>, vector<16xi32>,
        %get3A_282 = arith.constant 64 : index
        %get3A_283 = tpu.vector_load %arg8[%get3A_282] {strides = array<i32>} : memref<80xi32, #tpu.memory_space<vmem>>, vector<16xi32>,
        %get3A_284 = arith.constant 64 : index
        %get3A_285 = tpu.vector_load %arg9[%get3A_284] {strides = array<i32>} : memref<80xi32, #tpu.memory_space<vmem>>, vector<16xi32>,
        %mul3A_286 = arith.constant 10000 : i32
        %mul3A_287 = arith.muli %add3A, %mul3A_286 : i32
        %add3A_288 = vector.broadcast %mul3A_287 : i32 to vector<16xi32>
        %add3A_289 = arith.addi %get3A_283, %add3A_288 : vector<16xi32>
        %swap3A_290 = arith.constant 64 : index
        %swap3A_291 = tpu.vector_load %arg10[%swap3A_290] {strides = array<i32>} : memref<80xi32, #tpu.memory_space<vmem>>, vector<16xi32>,
        tpu.vector_store %arg10[%swap3A_290], %add3A_289 {strides = array<i32>} : memref<80xi32, #tpu.memory_space<vmem>>, vector<16xi32>,
        %mul3A_292 = arith.constant 10000 : i32
        %mul3A_293 = arith.muli %add3A, %mul3A_292 : i32
        %add3A_294 = arith.constant 40960 : i32
        %add3A_295 = arith.addi %mul3A_293, %add3A_294 : i32
        %add3A_296 = vector.broadcast %add3A_295 : i32 to vector<16xi32>
        %add3A_297 = arith.addi %get3A_283, %add3A_296 : vector<16xi32>
        %swap3A_298 = arith.constant 64 : index
        %swap3A_299 = tpu.vector_load %arg11[%swap3A_298] {strides = array<i32>} : memref<80xi32, #tpu.memory_space<vmem>>, vector<16xi32>,
        tpu.vector_store %arg11[%swap3A_298], %add3A_297 {strides = array<i32>} : memref<80xi32, #tpu.memory_space<vmem>>, vector<16xi32>,
        %mul3A_300 = arith.constant 10000 : i32
        %mul3A_301 = arith.muli %add3A, %mul3A_300 : i32
        %add3A_302 = arith.constant 81920 : i32
        %add3A_303 = arith.addi %mul3A_301, %add3A_302 : i32
        %add3A_304 = vector.broadcast %add3A_303 : i32 to vector<16xi32>
        %add3A_305 = arith.addi %get3A_285, %add3A_304 : vector<16xi32>
        %swap3A_306 = arith.constant 64 : index
        %swap3A_307 = tpu.vector_load %arg12[%swap3A_306] {strides = array<i32>} : memref<80xi32, #tpu.memory_space<vmem>>, vector<16xi32>,
        tpu.vector_store %arg12[%swap3A_306], %add3A_305 {strides = array<i32>} : memref<80xi32, #tpu.memory_space<vmem>>, vector<16xi32>,
        %mul3A_308 = arith.constant 10000 : i32
        %mul3A_309 = arith.muli %add3A, %mul3A_308 : i32
        %add3A_310 = arith.constant 122880 : i32
        %add3A_311 = arith.addi %mul3A_309, %add3A_310 : i32
        %add3A_312 = vector.broadcast %add3A_311 : i32 to vector<16xi32>
        %add3A_313 = arith.addi %get3A_285, %add3A_312 : vector<16xi32>
        %swap3A_314 = arith.constant 64 : index
        %swap3A_315 = tpu.vector_load %arg13[%swap3A_314] {strides = array<i32>} : memref<80xi32, #tpu.memory_space<vmem>>, vector<16xi32>,
        tpu.vector_store %arg13[%swap3A_314], %add3A_313 {strides = array<i32>} : memref<80xi32, #tpu.memory_space<vmem>>, vector<16xi32>,
        %mul3A_316 = arith.constant 2 : i32
        %mul3A_317 = vector.broadcast %mul3A_316 : i32 to vector<16xi32>
        %mul3A_318 = arith.muli %get3A_285, %mul3A_317 : vector<16xi32>
        %swap3A_319 = arith.constant 64 : index
        %swap3A_320 = tpu.vector_load %arg14[%swap3A_319] {strides = array<i32>} : memref<80xi32, #tpu.memory_space<vmem>>, vector<16xi32>,
        tpu.vector_store %arg14[%swap3A_319], %mul3A_318 {strides = array<i32>} : memref<80xi32, #tpu.memory_space<vmem>>, vector<16xi32>,
        %mul3A_321 = arith.constant 2 : i32
        %mul3A_322 = vector.broadcast %mul3A_321 : i32 to vector<16xi32>
        %mul3A_323 = arith.muli %get3A_285, %mul3A_322 : vector<16xi32>
        %add3A_324 = arith.constant 1 : i32
        %add3A_325 = vector.broadcast %add3A_324 : i32 to vector<16xi32>
        %add3A_326 = arith.addi %mul3A_323, %add3A_325 : vector<16xi32>
        %swap3A_327 = arith.constant 64 : index
        %swap3A_328 = tpu.vector_load %arg15[%swap3A_327] {strides = array<i32>} : memref<80xi32, #tpu.memory_space<vmem>>, vector<16xi32>,
        tpu.vector_store %arg15[%swap3A_327], %add3A_326 {strides = array<i32>} : memref<80xi32, #tpu.memory_space<vmem>>, vector<16xi32>,
        %dma_start3A_329 = arith.constant 0 : i32
        %dma_start3A_330 = tpu.memref_slice %arg4[%dma_start3A_329] : memref<327680xf32, #tpu.memory_space<hbm>> -> memref<327680xf32, #tpu.memory_space<hbm>>
        tpu.enqueue_indirect_dma source(%dma_start3A_330 : memref<327680xf32, #tpu.memory_space<hbm>>) target(%arg16 : memref<80xf32, #tpu.memory_space<vmem>>) offsets(%arg10 : memref<80xi32, #tpu.memory_space<vmem>>) semaphore(%arg29 : memref<!tpu.dma_semaphore, #tpu.memory_space<semaphore_mem>>)
        %dma_start3A_331 = arith.constant 0 : i32
        %dma_start3A_332 = tpu.memref_slice %arg4[%dma_start3A_331] : memref<327680xf32, #tpu.memory_space<hbm>> -> memref<327680xf32, #tpu.memory_space<hbm>>
        tpu.enqueue_indirect_dma source(%dma_start3A_332 : memref<327680xf32, #tpu.memory_space<hbm>>) target(%arg17 : memref<80xf32, #tpu.memory_space<vmem>>) offsets(%arg11 : memref<80xi32, #tpu.memory_space<vmem>>) semaphore(%arg29 : memref<!tpu.dma_semaphore, #tpu.memory_space<semaphore_mem>>)
        %dma_start3A_333 = arith.constant 0 : i32
        %dma_start3A_334 = tpu.memref_slice %arg4[%dma_start3A_333] : memref<327680xf32, #tpu.memory_space<hbm>> -> memref<327680xf32, #tpu.memory_space<hbm>>
        tpu.enqueue_indirect_dma source(%dma_start3A_334 : memref<327680xf32, #tpu.memory_space<hbm>>) target(%arg18 : memref<80xf32, #tpu.memory_space<vmem>>) offsets(%arg12 : memref<80xi32, #tpu.memory_space<vmem>>) semaphore(%arg29 : memref<!tpu.dma_semaphore, #tpu.memory_space<semaphore_mem>>)
        %dma_start3A_335 = arith.constant 0 : i32
        %dma_start3A_336 = tpu.memref_slice %arg4[%dma_start3A_335] : memref<327680xf32, #tpu.memory_space<hbm>> -> memref<327680xf32, #tpu.memory_space<hbm>>
        tpu.enqueue_indirect_dma source(%dma_start3A_336 : memref<327680xf32, #tpu.memory_space<hbm>>) target(%arg19 : memref<80xf32, #tpu.memory_space<vmem>>) offsets(%arg13 : memref<80xi32, #tpu.memory_space<vmem>>) semaphore(%arg29 : memref<!tpu.dma_semaphore, #tpu.memory_space<semaphore_mem>>)
        %dma_wait3A_337 = arith.constant 0 : i32
        %dma_wait3A_338 = tpu.memref_slice %arg4[%dma_wait3A_337] : memref<327680xf32, #tpu.memory_space<hbm>> -> memref<327680xf32, #tpu.memory_space<hbm>>
        tpu.wait_indirect_dma semaphore(%arg29 : memref<!tpu.dma_semaphore, #tpu.memory_space<semaphore_mem>>) src(%dma_wait3A_338 : memref<327680xf32, #tpu.memory_space<hbm>>) dst(%arg16 : memref<80xf32, #tpu.memory_space<vmem>>)
        %dma_wait3A_339 = arith.constant 0 : i32
        %dma_wait3A_340 = tpu.memref_slice %arg4[%dma_wait3A_339] : memref<327680xf32, #tpu.memory_space<hbm>> -> memref<327680xf32, #tpu.memory_space<hbm>>
        tpu.wait_indirect_dma semaphore(%arg29 : memref<!tpu.dma_semaphore, #tpu.memory_space<semaphore_mem>>) src(%dma_wait3A_340 : memref<327680xf32, #tpu.memory_space<hbm>>) dst(%arg17 : memref<80xf32, #tpu.memory_space<vmem>>)
        %dma_wait3A_341 = arith.constant 0 : i32
        %dma_wait3A_342 = tpu.memref_slice %arg4[%dma_wait3A_341] : memref<327680xf32, #tpu.memory_space<hbm>> -> memref<327680xf32, #tpu.memory_space<hbm>>
        tpu.wait_indirect_dma semaphore(%arg29 : memref<!tpu.dma_semaphore, #tpu.memory_space<semaphore_mem>>) src(%dma_wait3A_342 : memref<327680xf32, #tpu.memory_space<hbm>>) dst(%arg18 : memref<80xf32, #tpu.memory_space<vmem>>)
        %dma_wait3A_343 = arith.constant 0 : i32
        %dma_wait3A_344 = tpu.memref_slice %arg4[%dma_wait3A_343] : memref<327680xf32, #tpu.memory_space<hbm>> -> memref<327680xf32, #tpu.memory_space<hbm>>
        tpu.wait_indirect_dma semaphore(%arg29 : memref<!tpu.dma_semaphore, #tpu.memory_space<semaphore_mem>>) src(%dma_wait3A_344 : memref<327680xf32, #tpu.memory_space<hbm>>) dst(%arg19 : memref<80xf32, #tpu.memory_space<vmem>>)
        %get3A_345 = arith.constant 0 : index
        %get3A_346 = tpu.vector_load %arg16[%get3A_345] {strides = array<i32>} : memref<80xf32, #tpu.memory_space<vmem>>, vector<16xf32>,
        %get3A_347 = arith.constant 0 : index
        %get3A_348 = tpu.vector_load %arg18[%get3A_347] {strides = array<i32>} : memref<80xf32, #tpu.memory_space<vmem>>, vector<16xf32>,
        %add3A_349 = arith.addf %get3A_346, %get3A_348 : vector<16xf32>
        %ge3A = arith.constant 0.000000e+00 : f32
        %ge3A_350 = vector.broadcast %ge3A : f32 to vector<16xf32>
        %ge3A_351 = arith.cmpf oge, %add3A_349, %ge3A_350 : vector<16xf32>
        %mul3A_352 = arith.constant 2.000000e-01 : f32
        %mul3A_353 = vector.broadcast %mul3A_352 : f32 to vector<16xf32>
        %mul3A_354 = arith.mulf %add3A_349, %mul3A_353 : vector<16xf32>
        %select_n3A = arith.select %ge3A_351, %add3A_349, %mul3A_354 : vector<16xi1>, vector<16xf32>
        %exp3A = math.exp %select_n3A : vector<16xf32>
        %swap3A_355 = arith.constant 0 : index
        %swap3A_356 = tpu.vector_load %arg21[%swap3A_355] {strides = array<i32>} : memref<96xf32, #tpu.memory_space<vmem>>, vector<16xf32>,
        tpu.vector_store %arg21[%swap3A_355], %exp3A {strides = array<i32>} : memref<96xf32, #tpu.memory_space<vmem>>, vector<16xf32>,
        %get3A_357 = arith.constant 0 : index
        %get3A_358 = tpu.vector_load %arg17[%get3A_357] {strides = array<i32>} : memref<80xf32, #tpu.memory_space<vmem>>, vector<16xf32>,
        %get3A_359 = arith.constant 0 : index
        %get3A_360 = tpu.vector_load %arg19[%get3A_359] {strides = array<i32>} : memref<80xf32, #tpu.memory_space<vmem>>, vector<16xf32>,
        %add3A_361 = arith.addf %get3A_358, %get3A_360 : vector<16xf32>
        %ge3A_362 = arith.constant 0.000000e+00 : f32
        %ge3A_363 = vector.broadcast %ge3A_362 : f32 to vector<16xf32>
        %ge3A_364 = arith.cmpf oge, %add3A_361, %ge3A_363 : vector<16xf32>
        %mul3A_365 = arith.constant 2.000000e-01 : f32
        %mul3A_366 = vector.broadcast %mul3A_365 : f32 to vector<16xf32>
        %mul3A_367 = arith.mulf %add3A_361, %mul3A_366 : vector<16xf32>
        %select_n3A_368 = arith.select %ge3A_364, %add3A_361, %mul3A_367 : vector<16xi1>, vector<16xf32>
        %exp3A_369 = math.exp %select_n3A_368 : vector<16xf32>
        %swap3A_370 = arith.constant 0 : index
        %swap3A_371 = tpu.vector_load %arg22[%swap3A_370] {strides = array<i32>} : memref<96xf32, #tpu.memory_space<vmem>>, vector<16xf32>,
        tpu.vector_store %arg22[%swap3A_370], %exp3A_369 {strides = array<i32>} : memref<96xf32, #tpu.memory_space<vmem>>, vector<16xf32>,
        %get3A_372 = arith.constant 16 : index
        %get3A_373 = tpu.vector_load %arg16[%get3A_372] {strides = array<i32>} : memref<80xf32, #tpu.memory_space<vmem>>, vector<16xf32>,
        %get3A_374 = arith.constant 16 : index
        %get3A_375 = tpu.vector_load %arg18[%get3A_374] {strides = array<i32>} : memref<80xf32, #tpu.memory_space<vmem>>, vector<16xf32>,
        %add3A_376 = arith.addf %get3A_373, %get3A_375 : vector<16xf32>
        %ge3A_377 = arith.constant 0.000000e+00 : f32
        %ge3A_378 = vector.broadcast %ge3A_377 : f32 to vector<16xf32>
        %ge3A_379 = arith.cmpf oge, %add3A_376, %ge3A_378 : vector<16xf32>
        %mul3A_380 = arith.constant 2.000000e-01 : f32
        %mul3A_381 = vector.broadcast %mul3A_380 : f32 to vector<16xf32>
        %mul3A_382 = arith.mulf %add3A_376, %mul3A_381 : vector<16xf32>
        %select_n3A_383 = arith.select %ge3A_379, %add3A_376, %mul3A_382 : vector<16xi1>, vector<16xf32>
        %exp3A_384 = math.exp %select_n3A_383 : vector<16xf32>
        %swap3A_385 = arith.constant 16 : index
        %swap3A_386 = tpu.vector_load %arg21[%swap3A_385] {strides = array<i32>} : memref<96xf32, #tpu.memory_space<vmem>>, vector<16xf32>,
        tpu.vector_store %arg21[%swap3A_385], %exp3A_384 {strides = array<i32>} : memref<96xf32, #tpu.memory_space<vmem>>, vector<16xf32>,
        %get3A_387 = arith.constant 16 : index
        %get3A_388 = tpu.vector_load %arg17[%get3A_387] {strides = array<i32>} : memref<80xf32, #tpu.memory_space<vmem>>, vector<16xf32>,
        %get3A_389 = arith.constant 16 : index
        %get3A_390 = tpu.vector_load %arg19[%get3A_389] {strides = array<i32>} : memref<80xf32, #tpu.memory_space<vmem>>, vector<16xf32>,
        %add3A_391 = arith.addf %get3A_388, %get3A_390 : vector<16xf32>
        %ge3A_392 = arith.constant 0.000000e+00 : f32
        %ge3A_393 = vector.broadcast %ge3A_392 : f32 to vector<16xf32>
        %ge3A_394 = arith.cmpf oge, %add3A_391, %ge3A_393 : vector<16xf32>
        %mul3A_395 = arith.constant 2.000000e-01 : f32
        %mul3A_396 = vector.broadcast %mul3A_395 : f32 to vector<16xf32>
        %mul3A_397 = arith.mulf %add3A_391, %mul3A_396 : vector<16xf32>
        %select_n3A_398 = arith.select %ge3A_394, %add3A_391, %mul3A_397 : vector<16xi1>, vector<16xf32>
        %exp3A_399 = math.exp %select_n3A_398 : vector<16xf32>
        %swap3A_400 = arith.constant 16 : index
        %swap3A_401 = tpu.vector_load %arg22[%swap3A_400] {strides = array<i32>} : memref<96xf32, #tpu.memory_space<vmem>>, vector<16xf32>,
        tpu.vector_store %arg22[%swap3A_400], %exp3A_399 {strides = array<i32>} : memref<96xf32, #tpu.memory_space<vmem>>, vector<16xf32>,
        %get3A_402 = arith.constant 32 : index
        %get3A_403 = tpu.vector_load %arg16[%get3A_402] {strides = array<i32>} : memref<80xf32, #tpu.memory_space<vmem>>, vector<16xf32>,
        %get3A_404 = arith.constant 32 : index
        %get3A_405 = tpu.vector_load %arg18[%get3A_404] {strides = array<i32>} : memref<80xf32, #tpu.memory_space<vmem>>, vector<16xf32>,
        %add3A_406 = arith.addf %get3A_403, %get3A_405 : vector<16xf32>
        %ge3A_407 = arith.constant 0.000000e+00 : f32
        %ge3A_408 = vector.broadcast %ge3A_407 : f32 to vector<16xf32>
        %ge3A_409 = arith.cmpf oge, %add3A_406, %ge3A_408 : vector<16xf32>
        %mul3A_410 = arith.constant 2.000000e-01 : f32
        %mul3A_411 = vector.broadcast %mul3A_410 : f32 to vector<16xf32>
        %mul3A_412 = arith.mulf %add3A_406, %mul3A_411 : vector<16xf32>
        %select_n3A_413 = arith.select %ge3A_409, %add3A_406, %mul3A_412 : vector<16xi1>, vector<16xf32>
        %exp3A_414 = math.exp %select_n3A_413 : vector<16xf32>
        %swap3A_415 = arith.constant 32 : index
        %swap3A_416 = tpu.vector_load %arg21[%swap3A_415] {strides = array<i32>} : memref<96xf32, #tpu.memory_space<vmem>>, vector<16xf32>,
        tpu.vector_store %arg21[%swap3A_415], %exp3A_414 {strides = array<i32>} : memref<96xf32, #tpu.memory_space<vmem>>, vector<16xf32>,
        %get3A_417 = arith.constant 32 : index
        %get3A_418 = tpu.vector_load %arg17[%get3A_417] {strides = array<i32>} : memref<80xf32, #tpu.memory_space<vmem>>, vector<16xf32>,
        %get3A_419 = arith.constant 32 : index
        %get3A_420 = tpu.vector_load %arg19[%get3A_419] {strides = array<i32>} : memref<80xf32, #tpu.memory_space<vmem>>, vector<16xf32>,
        %add3A_421 = arith.addf %get3A_418, %get3A_420 : vector<16xf32>
        %ge3A_422 = arith.constant 0.000000e+00 : f32
        %ge3A_423 = vector.broadcast %ge3A_422 : f32 to vector<16xf32>
        %ge3A_424 = arith.cmpf oge, %add3A_421, %ge3A_423 : vector<16xf32>
        %mul3A_425 = arith.constant 2.000000e-01 : f32
        %mul3A_426 = vector.broadcast %mul3A_425 : f32 to vector<16xf32>
        %mul3A_427 = arith.mulf %add3A_421, %mul3A_426 : vector<16xf32>
        %select_n3A_428 = arith.select %ge3A_424, %add3A_421, %mul3A_427 : vector<16xi1>, vector<16xf32>
        %exp3A_429 = math.exp %select_n3A_428 : vector<16xf32>
        %swap3A_430 = arith.constant 32 : index
        %swap3A_431 = tpu.vector_load %arg22[%swap3A_430] {strides = array<i32>} : memref<96xf32, #tpu.memory_space<vmem>>, vector<16xf32>,
        tpu.vector_store %arg22[%swap3A_430], %exp3A_429 {strides = array<i32>} : memref<96xf32, #tpu.memory_space<vmem>>, vector<16xf32>,
        %get3A_432 = arith.constant 48 : index
        %get3A_433 = tpu.vector_load %arg16[%get3A_432] {strides = array<i32>} : memref<80xf32, #tpu.memory_space<vmem>>, vector<16xf32>,
        %get3A_434 = arith.constant 48 : index
        %get3A_435 = tpu.vector_load %arg18[%get3A_434] {strides = array<i32>} : memref<80xf32, #tpu.memory_space<vmem>>, vector<16xf32>,
        %add3A_436 = arith.addf %get3A_433, %get3A_435 : vector<16xf32>
        %ge3A_437 = arith.constant 0.000000e+00 : f32
        %ge3A_438 = vector.broadcast %ge3A_437 : f32 to vector<16xf32>
        %ge3A_439 = arith.cmpf oge, %add3A_436, %ge3A_438 : vector<16xf32>
        %mul3A_440 = arith.constant 2.000000e-01 : f32
        %mul3A_441 = vector.broadcast %mul3A_440 : f32 to vector<16xf32>
        %mul3A_442 = arith.mulf %add3A_436, %mul3A_441 : vector<16xf32>
        %select_n3A_443 = arith.select %ge3A_439, %add3A_436, %mul3A_442 : vector<16xi1>, vector<16xf32>
        %exp3A_444 = math.exp %select_n3A_443 : vector<16xf32>
        %swap3A_445 = arith.constant 48 : index
        %swap3A_446 = tpu.vector_load %arg21[%swap3A_445] {strides = array<i32>} : memref<96xf32, #tpu.memory_space<vmem>>, vector<16xf32>,
        tpu.vector_store %arg21[%swap3A_445], %exp3A_444 {strides = array<i32>} : memref<96xf32, #tpu.memory_space<vmem>>, vector<16xf32>,
        %get3A_447 = arith.constant 48 : index
        %get3A_448 = tpu.vector_load %arg17[%get3A_447] {strides = array<i32>} : memref<80xf32, #tpu.memory_space<vmem>>, vector<16xf32>,
        %get3A_449 = arith.constant 48 : index
        %get3A_450 = tpu.vector_load %arg19[%get3A_449] {strides = array<i32>} : memref<80xf32, #tpu.memory_space<vmem>>, vector<16xf32>,
        %add3A_451 = arith.addf %get3A_448, %get3A_450 : vector<16xf32>
        %ge3A_452 = arith.constant 0.000000e+00 : f32
        %ge3A_453 = vector.broadcast %ge3A_452 : f32 to vector<16xf32>
        %ge3A_454 = arith.cmpf oge, %add3A_451, %ge3A_453 : vector<16xf32>
        %mul3A_455 = arith.constant 2.000000e-01 : f32
        %mul3A_456 = vector.broadcast %mul3A_455 : f32 to vector<16xf32>
        %mul3A_457 = arith.mulf %add3A_451, %mul3A_456 : vector<16xf32>
        %select_n3A_458 = arith.select %ge3A_454, %add3A_451, %mul3A_457 : vector<16xi1>, vector<16xf32>
        %exp3A_459 = math.exp %select_n3A_458 : vector<16xf32>
        %swap3A_460 = arith.constant 48 : index
        %swap3A_461 = tpu.vector_load %arg22[%swap3A_460] {strides = array<i32>} : memref<96xf32, #tpu.memory_space<vmem>>, vector<16xf32>,
        tpu.vector_store %arg22[%swap3A_460], %exp3A_459 {strides = array<i32>} : memref<96xf32, #tpu.memory_space<vmem>>, vector<16xf32>,
        %get3A_462 = arith.constant 64 : index
        %get3A_463 = tpu.vector_load %arg16[%get3A_462] {strides = array<i32>} : memref<80xf32, #tpu.memory_space<vmem>>, vector<16xf32>,
        %get3A_464 = arith.constant 64 : index
        %get3A_465 = tpu.vector_load %arg18[%get3A_464] {strides = array<i32>} : memref<80xf32, #tpu.memory_space<vmem>>, vector<16xf32>,
        %add3A_466 = arith.addf %get3A_463, %get3A_465 : vector<16xf32>
        %ge3A_467 = arith.constant 0.000000e+00 : f32
        %ge3A_468 = vector.broadcast %ge3A_467 : f32 to vector<16xf32>
        %ge3A_469 = arith.cmpf oge, %add3A_466, %ge3A_468 : vector<16xf32>
        %mul3A_470 = arith.constant 2.000000e-01 : f32
        %mul3A_471 = vector.broadcast %mul3A_470 : f32 to vector<16xf32>
        %mul3A_472 = arith.mulf %add3A_466, %mul3A_471 : vector<16xf32>
        %select_n3A_473 = arith.select %ge3A_469, %add3A_466, %mul3A_472 : vector<16xi1>, vector<16xf32>
        %exp3A_474 = math.exp %select_n3A_473 : vector<16xf32>
        %swap3A_475 = arith.constant 64 : index
        %swap3A_476 = tpu.vector_load %arg21[%swap3A_475] {strides = array<i32>} : memref<96xf32, #tpu.memory_space<vmem>>, vector<16xf32>,
        tpu.vector_store %arg21[%swap3A_475], %exp3A_474 {strides = array<i32>} : memref<96xf32, #tpu.memory_space<vmem>>, vector<16xf32>,
        %get3A_477 = arith.constant 64 : index
        %get3A_478 = tpu.vector_load %arg17[%get3A_477] {strides = array<i32>} : memref<80xf32, #tpu.memory_space<vmem>>, vector<16xf32>,
        %get3A_479 = arith.constant 64 : index
        %get3A_480 = tpu.vector_load %arg19[%get3A_479] {strides = array<i32>} : memref<80xf32, #tpu.memory_space<vmem>>, vector<16xf32>,
        %add3A_481 = arith.addf %get3A_478, %get3A_480 : vector<16xf32>
        %ge3A_482 = arith.constant 0.000000e+00 : f32
        %ge3A_483 = vector.broadcast %ge3A_482 : f32 to vector<16xf32>
        %ge3A_484 = arith.cmpf oge, %add3A_481, %ge3A_483 : vector<16xf32>
        %mul3A_485 = arith.constant 2.000000e-01 : f32
        %mul3A_486 = vector.broadcast %mul3A_485 : f32 to vector<16xf32>
        %mul3A_487 = arith.mulf %add3A_481, %mul3A_486 : vector<16xf32>
        %select_n3A_488 = arith.select %ge3A_484, %add3A_481, %mul3A_487 : vector<16xi1>, vector<16xf32>
        %exp3A_489 = math.exp %select_n3A_488 : vector<16xf32>
        %swap3A_490 = arith.constant 64 : index
        %swap3A_491 = tpu.vector_load %arg22[%swap3A_490] {strides = array<i32>} : memref<96xf32, #tpu.memory_space<vmem>>, vector<16xf32>,
        tpu.vector_store %arg22[%swap3A_490], %exp3A_489 {strides = array<i32>} : memref<96xf32, #tpu.memory_space<vmem>>, vector<16xf32>,
        %dma_start3A_492 = arith.constant 0 : i32
        %dma_start3A_493 = tpu.memref_slice %arg21[%dma_start3A_492] : memref<96xf32, #tpu.memory_space<vmem>> -> memref<80xf32, #tpu.memory_space<vmem>>
        %dma_start3A_494 = arith.constant 0 : i32
        %dma_start3A_495 = tpu.memref_slice %arg28[%dma_start3A_494] : memref<20000xf32, #tpu.memory_space<vmem_shared>> -> memref<20000xf32, #tpu.memory_space<vmem_shared>>
        tpu.enqueue_indirect_dma source(%dma_start3A_493 : memref<80xf32, #tpu.memory_space<vmem>>) target(%dma_start3A_495 : memref<20000xf32, #tpu.memory_space<vmem_shared>>) offsets(%arg14 : memref<80xi32, #tpu.memory_space<vmem>>) semaphore(%arg29 : memref<!tpu.dma_semaphore, #tpu.memory_space<semaphore_mem>>) {add = true}
        %dma_start3A_496 = arith.constant 0 : i32
        %dma_start3A_497 = tpu.memref_slice %arg22[%dma_start3A_496] : memref<96xf32, #tpu.memory_space<vmem>> -> memref<80xf32, #tpu.memory_space<vmem>>
        %dma_start3A_498 = arith.constant 0 : i32
        %dma_start3A_499 = tpu.memref_slice %arg28[%dma_start3A_498] : memref<20000xf32, #tpu.memory_space<vmem_shared>> -> memref<20000xf32, #tpu.memory_space<vmem_shared>>
        tpu.enqueue_indirect_dma source(%dma_start3A_497 : memref<80xf32, #tpu.memory_space<vmem>>) target(%dma_start3A_499 : memref<20000xf32, #tpu.memory_space<vmem_shared>>) offsets(%arg15 : memref<80xi32, #tpu.memory_space<vmem>>) semaphore(%arg29 : memref<!tpu.dma_semaphore, #tpu.memory_space<semaphore_mem>>) {add = true}
        %dma_wait3A_500 = arith.constant 0 : i32
        %dma_wait3A_501 = tpu.memref_slice %arg21[%dma_wait3A_500] : memref<96xf32, #tpu.memory_space<vmem>> -> memref<80xf32, #tpu.memory_space<vmem>>
        %dma_wait3A_502 = arith.constant 0 : i32
        %dma_wait3A_503 = tpu.memref_slice %arg28[%dma_wait3A_502] : memref<20000xf32, #tpu.memory_space<vmem_shared>> -> memref<20000xf32, #tpu.memory_space<vmem_shared>>
        tpu.wait_indirect_dma semaphore(%arg29 : memref<!tpu.dma_semaphore, #tpu.memory_space<semaphore_mem>>) src(%dma_wait3A_501 : memref<80xf32, #tpu.memory_space<vmem>>) dst(%dma_wait3A_503 : memref<20000xf32, #tpu.memory_space<vmem_shared>>)
        %dma_wait3A_504 = arith.constant 0 : i32
        %dma_wait3A_505 = tpu.memref_slice %arg22[%dma_wait3A_504] : memref<96xf32, #tpu.memory_space<vmem>> -> memref<80xf32, #tpu.memory_space<vmem>>
        %dma_wait3A_506 = arith.constant 0 : i32
        %dma_wait3A_507 = tpu.memref_slice %arg28[%dma_wait3A_506] : memref<20000xf32, #tpu.memory_space<vmem_shared>> -> memref<20000xf32, #tpu.memory_space<vmem_shared>>
        tpu.wait_indirect_dma semaphore(%arg29 : memref<!tpu.dma_semaphore, #tpu.memory_space<semaphore_mem>>) src(%dma_wait3A_505 : memref<80xf32, #tpu.memory_space<vmem>>) dst(%dma_wait3A_507 : memref<20000xf32, #tpu.memory_space<vmem_shared>>)
      }
      %scan3A_55 = arith.constant 125 : i32
      %scan3A_56 = arith.constant 0 : i32
      %scan3A_57 = arith.constant 0 : i32
      %scan3A_58 = arith.constant 125 : i32
      %scan3A_59 = arith.addi %scan3A_57, %scan3A_58 : i32
      %scan3A_60 = arith.constant 1 : i32
      scf.for %scan3A_82 = %scan3A_57 to %scan3A_59 step %scan3A_60  : i32 {
        %mul3A_83 = arith.constant 10000 : i32
        %mul3A_84 = arith.muli %arg1, %mul3A_83 : i32
        %mul3A_85 = arith.constant 80 : i32
        %mul3A_86 = arith.muli %scan3A_82, %mul3A_85 : i32
        %add3A_87 = arith.addi %mul3A_84, %mul3A_86 : i32
        %dma_start3A = tpu.memref_slice %arg2[%add3A_87] : memref<160000xi32, #tpu.memory_space<hbm>> -> memref<80xi32, #tpu.memory_space<hbm>>
        %dma_start3A_88 = tpu.memref_slice %arg2[%add3A_87] : memref<160000xi32, #tpu.memory_space<hbm>> -> memref<80xi32, #tpu.memory_space<hbm>>
        tpu.enqueue_dma source(%dma_start3A_88 : memref<80xi32, #tpu.memory_space<hbm>>) target(%arg8 : memref<80xi32, #tpu.memory_space<vmem>>) target_semaphore(%arg29 : memref<!tpu.dma_semaphore, #tpu.memory_space<semaphore_mem>>)
        %dma_start3A_89 = tpu.memref_slice %arg3[%add3A_87] : memref<160000xi32, #tpu.memory_space<hbm>> -> memref<80xi32, #tpu.memory_space<hbm>>
        %dma_start3A_90 = tpu.memref_slice %arg3[%add3A_87] : memref<160000xi32, #tpu.memory_space<hbm>> -> memref<80xi32, #tpu.memory_space<hbm>>
        tpu.enqueue_dma source(%dma_start3A_90 : memref<80xi32, #tpu.memory_space<hbm>>) target(%arg9 : memref<80xi32, #tpu.memory_space<vmem>>) target_semaphore(%arg29 : memref<!tpu.dma_semaphore, #tpu.memory_space<semaphore_mem>>)
        %dma_wait3A = tpu.memref_slice %arg2[%add3A_87] : memref<160000xi32, #tpu.memory_space<hbm>> -> memref<80xi32, #tpu.memory_space<hbm>>
        %dma_wait3A_91 = tpu.memref_slice %arg2[%add3A_87] : memref<160000xi32, #tpu.memory_space<hbm>> -> memref<80xi32, #tpu.memory_space<hbm>>
        tpu.wait_dma2 semaphore(%arg29 : memref<!tpu.dma_semaphore, #tpu.memory_space<semaphore_mem>>) src(%dma_wait3A_91 : memref<80xi32, #tpu.memory_space<hbm>>) dst(%arg8 : memref<80xi32, #tpu.memory_space<vmem>>)
        %dma_wait3A_92 = tpu.memref_slice %arg3[%add3A_87] : memref<160000xi32, #tpu.memory_space<hbm>> -> memref<80xi32, #tpu.memory_space<hbm>>
        %dma_wait3A_93 = tpu.memref_slice %arg3[%add3A_87] : memref<160000xi32, #tpu.memory_space<hbm>> -> memref<80xi32, #tpu.memory_space<hbm>>
        tpu.wait_dma2 semaphore(%arg29 : memref<!tpu.dma_semaphore, #tpu.memory_space<semaphore_mem>>) src(%dma_wait3A_93 : memref<80xi32, #tpu.memory_space<hbm>>) dst(%arg9 : memref<80xi32, #tpu.memory_space<vmem>>)
        %get3A_94 = arith.constant 0 : index
        %get3A_95 = tpu.vector_load %arg8[%get3A_94] {strides = array<i32>} : memref<80xi32, #tpu.memory_space<vmem>>, vector<16xi32>,
        %get3A_96 = arith.constant 0 : index
        %get3A_97 = tpu.vector_load %arg9[%get3A_96] {strides = array<i32>} : memref<80xi32, #tpu.memory_space<vmem>>, vector<16xi32>,
        %mul3A_98 = arith.constant 10000 : i32
        %mul3A_99 = arith.muli %add3A, %mul3A_98 : i32
        %add3A_100 = vector.broadcast %mul3A_99 : i32 to vector<16xi32>
        %add3A_101 = arith.addi %get3A_95, %add3A_100 : vector<16xi32>
        %swap3A_102 = arith.constant 0 : index
        %swap3A_103 = tpu.vector_load %arg10[%swap3A_102] {strides = array<i32>} : memref<80xi32, #tpu.memory_space<vmem>>, vector<16xi32>,
        tpu.vector_store %arg10[%swap3A_102], %add3A_101 {strides = array<i32>} : memref<80xi32, #tpu.memory_space<vmem>>, vector<16xi32>,
        %mul3A_104 = arith.constant 10000 : i32
        %mul3A_105 = arith.muli %add3A, %mul3A_104 : i32
        %add3A_106 = arith.constant 40960 : i32
        %add3A_107 = arith.addi %mul3A_105, %add3A_106 : i32
        %add3A_108 = vector.broadcast %add3A_107 : i32 to vector<16xi32>
        %add3A_109 = arith.addi %get3A_95, %add3A_108 : vector<16xi32>
        %swap3A_110 = arith.constant 0 : index
        %swap3A_111 = tpu.vector_load %arg11[%swap3A_110] {strides = array<i32>} : memref<80xi32, #tpu.memory_space<vmem>>, vector<16xi32>,
        tpu.vector_store %arg11[%swap3A_110], %add3A_109 {strides = array<i32>} : memref<80xi32, #tpu.memory_space<vmem>>, vector<16xi32>,
        %mul3A_112 = arith.constant 10000 : i32
        %mul3A_113 = arith.muli %add3A, %mul3A_112 : i32
        %add3A_114 = arith.constant 81920 : i32
        %add3A_115 = arith.addi %mul3A_113, %add3A_114 : i32
        %add3A_116 = vector.broadcast %add3A_115 : i32 to vector<16xi32>
        %add3A_117 = arith.addi %get3A_97, %add3A_116 : vector<16xi32>
        %swap3A_118 = arith.constant 0 : index
        %swap3A_119 = tpu.vector_load %arg12[%swap3A_118] {strides = array<i32>} : memref<80xi32, #tpu.memory_space<vmem>>, vector<16xi32>,
        tpu.vector_store %arg12[%swap3A_118], %add3A_117 {strides = array<i32>} : memref<80xi32, #tpu.memory_space<vmem>>, vector<16xi32>,
        %mul3A_120 = arith.constant 10000 : i32
        %mul3A_121 = arith.muli %add3A, %mul3A_120 : i32
        %add3A_122 = arith.constant 122880 : i32
        %add3A_123 = arith.addi %mul3A_121, %add3A_122 : i32
        %add3A_124 = vector.broadcast %add3A_123 : i32 to vector<16xi32>
        %add3A_125 = arith.addi %get3A_97, %add3A_124 : vector<16xi32>
        %swap3A_126 = arith.constant 0 : index
        %swap3A_127 = tpu.vector_load %arg13[%swap3A_126] {strides = array<i32>} : memref<80xi32, #tpu.memory_space<vmem>>, vector<16xi32>,
        tpu.vector_store %arg13[%swap3A_126], %add3A_125 {strides = array<i32>} : memref<80xi32, #tpu.memory_space<vmem>>, vector<16xi32>,
        %get3A_128 = arith.constant 16 : index
        %get3A_129 = tpu.vector_load %arg8[%get3A_128] {strides = array<i32>} : memref<80xi32, #tpu.memory_space<vmem>>, vector<16xi32>,
        %get3A_130 = arith.constant 16 : index
        %get3A_131 = tpu.vector_load %arg9[%get3A_130] {strides = array<i32>} : memref<80xi32, #tpu.memory_space<vmem>>, vector<16xi32>,
        %mul3A_132 = arith.constant 10000 : i32
        %mul3A_133 = arith.muli %add3A, %mul3A_132 : i32
        %add3A_134 = vector.broadcast %mul3A_133 : i32 to vector<16xi32>
        %add3A_135 = arith.addi %get3A_129, %add3A_134 : vector<16xi32>
        %swap3A_136 = arith.constant 16 : index
        %swap3A_137 = tpu.vector_load %arg10[%swap3A_136] {strides = array<i32>} : memref<80xi32, #tpu.memory_space<vmem>>, vector<16xi32>,
        tpu.vector_store %arg10[%swap3A_136], %add3A_135 {strides = array<i32>} : memref<80xi32, #tpu.memory_space<vmem>>, vector<16xi32>,
        %mul3A_138 = arith.constant 10000 : i32
        %mul3A_139 = arith.muli %add3A, %mul3A_138 : i32
        %add3A_140 = arith.constant 40960 : i32
        %add3A_141 = arith.addi %mul3A_139, %add3A_140 : i32
        %add3A_142 = vector.broadcast %add3A_141 : i32 to vector<16xi32>
        %add3A_143 = arith.addi %get3A_129, %add3A_142 : vector<16xi32>
        %swap3A_144 = arith.constant 16 : index
        %swap3A_145 = tpu.vector_load %arg11[%swap3A_144] {strides = array<i32>} : memref<80xi32, #tpu.memory_space<vmem>>, vector<16xi32>,
        tpu.vector_store %arg11[%swap3A_144], %add3A_143 {strides = array<i32>} : memref<80xi32, #tpu.memory_space<vmem>>, vector<16xi32>,
        %mul3A_146 = arith.constant 10000 : i32
        %mul3A_147 = arith.muli %add3A, %mul3A_146 : i32
        %add3A_148 = arith.constant 81920 : i32
        %add3A_149 = arith.addi %mul3A_147, %add3A_148 : i32
        %add3A_150 = vector.broadcast %add3A_149 : i32 to vector<16xi32>
        %add3A_151 = arith.addi %get3A_131, %add3A_150 : vector<16xi32>
        %swap3A_152 = arith.constant 16 : index
        %swap3A_153 = tpu.vector_load %arg12[%swap3A_152] {strides = array<i32>} : memref<80xi32, #tpu.memory_space<vmem>>, vector<16xi32>,
        tpu.vector_store %arg12[%swap3A_152], %add3A_151 {strides = array<i32>} : memref<80xi32, #tpu.memory_space<vmem>>, vector<16xi32>,
        %mul3A_154 = arith.constant 10000 : i32
        %mul3A_155 = arith.muli %add3A, %mul3A_154 : i32
        %add3A_156 = arith.constant 122880 : i32
        %add3A_157 = arith.addi %mul3A_155, %add3A_156 : i32
        %add3A_158 = vector.broadcast %add3A_157 : i32 to vector<16xi32>
        %add3A_159 = arith.addi %get3A_131, %add3A_158 : vector<16xi32>
        %swap3A_160 = arith.constant 16 : index
        %swap3A_161 = tpu.vector_load %arg13[%swap3A_160] {strides = array<i32>} : memref<80xi32, #tpu.memory_space<vmem>>, vector<16xi32>,
        tpu.vector_store %arg13[%swap3A_160], %add3A_159 {strides = array<i32>} : memref<80xi32, #tpu.memory_space<vmem>>, vector<16xi32>,
        %get3A_162 = arith.constant 32 : index
        %get3A_163 = tpu.vector_load %arg8[%get3A_162] {strides = array<i32>} : memref<80xi32, #tpu.memory_space<vmem>>, vector<16xi32>,
        %get3A_164 = arith.constant 32 : index
        %get3A_165 = tpu.vector_load %arg9[%get3A_164] {strides = array<i32>} : memref<80xi32, #tpu.memory_space<vmem>>, vector<16xi32>,
        %mul3A_166 = arith.constant 10000 : i32
        %mul3A_167 = arith.muli %add3A, %mul3A_166 : i32
        %add3A_168 = vector.broadcast %mul3A_167 : i32 to vector<16xi32>
        %add3A_169 = arith.addi %get3A_163, %add3A_168 : vector<16xi32>
        %swap3A_170 = arith.constant 32 : index
        %swap3A_171 = tpu.vector_load %arg10[%swap3A_170] {strides = array<i32>} : memref<80xi32, #tpu.memory_space<vmem>>, vector<16xi32>,
        tpu.vector_store %arg10[%swap3A_170], %add3A_169 {strides = array<i32>} : memref<80xi32, #tpu.memory_space<vmem>>, vector<16xi32>,
        %mul3A_172 = arith.constant 10000 : i32
        %mul3A_173 = arith.muli %add3A, %mul3A_172 : i32
        %add3A_174 = arith.constant 40960 : i32
        %add3A_175 = arith.addi %mul3A_173, %add3A_174 : i32
        %add3A_176 = vector.broadcast %add3A_175 : i32 to vector<16xi32>
        %add3A_177 = arith.addi %get3A_163, %add3A_176 : vector<16xi32>
        %swap3A_178 = arith.constant 32 : index
        %swap3A_179 = tpu.vector_load %arg11[%swap3A_178] {strides = array<i32>} : memref<80xi32, #tpu.memory_space<vmem>>, vector<16xi32>,
        tpu.vector_store %arg11[%swap3A_178], %add3A_177 {strides = array<i32>} : memref<80xi32, #tpu.memory_space<vmem>>, vector<16xi32>,
        %mul3A_180 = arith.constant 10000 : i32
        %mul3A_181 = arith.muli %add3A, %mul3A_180 : i32
        %add3A_182 = arith.constant 81920 : i32
        %add3A_183 = arith.addi %mul3A_181, %add3A_182 : i32
        %add3A_184 = vector.broadcast %add3A_183 : i32 to vector<16xi32>
        %add3A_185 = arith.addi %get3A_165, %add3A_184 : vector<16xi32>
        %swap3A_186 = arith.constant 32 : index
        %swap3A_187 = tpu.vector_load %arg12[%swap3A_186] {strides = array<i32>} : memref<80xi32, #tpu.memory_space<vmem>>, vector<16xi32>,
        tpu.vector_store %arg12[%swap3A_186], %add3A_185 {strides = array<i32>} : memref<80xi32, #tpu.memory_space<vmem>>, vector<16xi32>,
        %mul3A_188 = arith.constant 10000 : i32
        %mul3A_189 = arith.muli %add3A, %mul3A_188 : i32
        %add3A_190 = arith.constant 122880 : i32
        %add3A_191 = arith.addi %mul3A_189, %add3A_190 : i32
        %add3A_192 = vector.broadcast %add3A_191 : i32 to vector<16xi32>
        %add3A_193 = arith.addi %get3A_165, %add3A_192 : vector<16xi32>
        %swap3A_194 = arith.constant 32 : index
        %swap3A_195 = tpu.vector_load %arg13[%swap3A_194] {strides = array<i32>} : memref<80xi32, #tpu.memory_space<vmem>>, vector<16xi32>,
        tpu.vector_store %arg13[%swap3A_194], %add3A_193 {strides = array<i32>} : memref<80xi32, #tpu.memory_space<vmem>>, vector<16xi32>,
        %get3A_196 = arith.constant 48 : index
        %get3A_197 = tpu.vector_load %arg8[%get3A_196] {strides = array<i32>} : memref<80xi32, #tpu.memory_space<vmem>>, vector<16xi32>,
        %get3A_198 = arith.constant 48 : index
        %get3A_199 = tpu.vector_load %arg9[%get3A_198] {strides = array<i32>} : memref<80xi32, #tpu.memory_space<vmem>>, vector<16xi32>,
        %mul3A_200 = arith.constant 10000 : i32
        %mul3A_201 = arith.muli %add3A, %mul3A_200 : i32
        %add3A_202 = vector.broadcast %mul3A_201 : i32 to vector<16xi32>
        %add3A_203 = arith.addi %get3A_197, %add3A_202 : vector<16xi32>
        %swap3A_204 = arith.constant 48 : index
        %swap3A_205 = tpu.vector_load %arg10[%swap3A_204] {strides = array<i32>} : memref<80xi32, #tpu.memory_space<vmem>>, vector<16xi32>,
        tpu.vector_store %arg10[%swap3A_204], %add3A_203 {strides = array<i32>} : memref<80xi32, #tpu.memory_space<vmem>>, vector<16xi32>,
        %mul3A_206 = arith.constant 10000 : i32
        %mul3A_207 = arith.muli %add3A, %mul3A_206 : i32
        %add3A_208 = arith.constant 40960 : i32
        %add3A_209 = arith.addi %mul3A_207, %add3A_208 : i32
        %add3A_210 = vector.broadcast %add3A_209 : i32 to vector<16xi32>
        %add3A_211 = arith.addi %get3A_197, %add3A_210 : vector<16xi32>
        %swap3A_212 = arith.constant 48 : index
        %swap3A_213 = tpu.vector_load %arg11[%swap3A_212] {strides = array<i32>} : memref<80xi32, #tpu.memory_space<vmem>>, vector<16xi32>,
        tpu.vector_store %arg11[%swap3A_212], %add3A_211 {strides = array<i32>} : memref<80xi32, #tpu.memory_space<vmem>>, vector<16xi32>,
        %mul3A_214 = arith.constant 10000 : i32
        %mul3A_215 = arith.muli %add3A, %mul3A_214 : i32
        %add3A_216 = arith.constant 81920 : i32
        %add3A_217 = arith.addi %mul3A_215, %add3A_216 : i32
        %add3A_218 = vector.broadcast %add3A_217 : i32 to vector<16xi32>
        %add3A_219 = arith.addi %get3A_199, %add3A_218 : vector<16xi32>
        %swap3A_220 = arith.constant 48 : index
        %swap3A_221 = tpu.vector_load %arg12[%swap3A_220] {strides = array<i32>} : memref<80xi32, #tpu.memory_space<vmem>>, vector<16xi32>,
        tpu.vector_store %arg12[%swap3A_220], %add3A_219 {strides = array<i32>} : memref<80xi32, #tpu.memory_space<vmem>>, vector<16xi32>,
        %mul3A_222 = arith.constant 10000 : i32
        %mul3A_223 = arith.muli %add3A, %mul3A_222 : i32
        %add3A_224 = arith.constant 122880 : i32
        %add3A_225 = arith.addi %mul3A_223, %add3A_224 : i32
        %add3A_226 = vector.broadcast %add3A_225 : i32 to vector<16xi32>
        %add3A_227 = arith.addi %get3A_199, %add3A_226 : vector<16xi32>
        %swap3A_228 = arith.constant 48 : index
        %swap3A_229 = tpu.vector_load %arg13[%swap3A_228] {strides = array<i32>} : memref<80xi32, #tpu.memory_space<vmem>>, vector<16xi32>,
        tpu.vector_store %arg13[%swap3A_228], %add3A_227 {strides = array<i32>} : memref<80xi32, #tpu.memory_space<vmem>>, vector<16xi32>,
        %get3A_230 = arith.constant 64 : index
        %get3A_231 = tpu.vector_load %arg8[%get3A_230] {strides = array<i32>} : memref<80xi32, #tpu.memory_space<vmem>>, vector<16xi32>,
        %get3A_232 = arith.constant 64 : index
        %get3A_233 = tpu.vector_load %arg9[%get3A_232] {strides = array<i32>} : memref<80xi32, #tpu.memory_space<vmem>>, vector<16xi32>,
        %mul3A_234 = arith.constant 10000 : i32
        %mul3A_235 = arith.muli %add3A, %mul3A_234 : i32
        %add3A_236 = vector.broadcast %mul3A_235 : i32 to vector<16xi32>
        %add3A_237 = arith.addi %get3A_231, %add3A_236 : vector<16xi32>
        %swap3A_238 = arith.constant 64 : index
        %swap3A_239 = tpu.vector_load %arg10[%swap3A_238] {strides = array<i32>} : memref<80xi32, #tpu.memory_space<vmem>>, vector<16xi32>,
        tpu.vector_store %arg10[%swap3A_238], %add3A_237 {strides = array<i32>} : memref<80xi32, #tpu.memory_space<vmem>>, vector<16xi32>,
        %mul3A_240 = arith.constant 10000 : i32
        %mul3A_241 = arith.muli %add3A, %mul3A_240 : i32
        %add3A_242 = arith.constant 40960 : i32
        %add3A_243 = arith.addi %mul3A_241, %add3A_242 : i32
        %add3A_244 = vector.broadcast %add3A_243 : i32 to vector<16xi32>
        %add3A_245 = arith.addi %get3A_231, %add3A_244 : vector<16xi32>
        %swap3A_246 = arith.constant 64 : index
        %swap3A_247 = tpu.vector_load %arg11[%swap3A_246] {strides = array<i32>} : memref<80xi32, #tpu.memory_space<vmem>>, vector<16xi32>,
        tpu.vector_store %arg11[%swap3A_246], %add3A_245 {strides = array<i32>} : memref<80xi32, #tpu.memory_space<vmem>>, vector<16xi32>,
        %mul3A_248 = arith.constant 10000 : i32
        %mul3A_249 = arith.muli %add3A, %mul3A_248 : i32
        %add3A_250 = arith.constant 81920 : i32
        %add3A_251 = arith.addi %mul3A_249, %add3A_250 : i32
        %add3A_252 = vector.broadcast %add3A_251 : i32 to vector<16xi32>
        %add3A_253 = arith.addi %get3A_233, %add3A_252 : vector<16xi32>
        %swap3A_254 = arith.constant 64 : index
        %swap3A_255 = tpu.vector_load %arg12[%swap3A_254] {strides = array<i32>} : memref<80xi32, #tpu.memory_space<vmem>>, vector<16xi32>,
        tpu.vector_store %arg12[%swap3A_254], %add3A_253 {strides = array<i32>} : memref<80xi32, #tpu.memory_space<vmem>>, vector<16xi32>,
        %mul3A_256 = arith.constant 10000 : i32
        %mul3A_257 = arith.muli %add3A, %mul3A_256 : i32
        %add3A_258 = arith.constant 122880 : i32
        %add3A_259 = arith.addi %mul3A_257, %add3A_258 : i32
        %add3A_260 = vector.broadcast %add3A_259 : i32 to vector<16xi32>
        %add3A_261 = arith.addi %get3A_233, %add3A_260 : vector<16xi32>
        %swap3A_262 = arith.constant 64 : index
        %swap3A_263 = tpu.vector_load %arg13[%swap3A_262] {strides = array<i32>} : memref<80xi32, #tpu.memory_space<vmem>>, vector<16xi32>,
        tpu.vector_store %arg13[%swap3A_262], %add3A_261 {strides = array<i32>} : memref<80xi32, #tpu.memory_space<vmem>>, vector<16xi32>,
        %dma_start3A_264 = arith.constant 0 : i32
        %dma_start3A_265 = arith.constant 0 : i32
        %dma_start3A_266 = tpu.memref_slice %arg5[%dma_start3A_264, %dma_start3A_265] : memref<40960x128xf32, #tpu.memory_space<hbm>> -> memref<40960x128xf32, #tpu.memory_space<hbm>>
        tpu.enqueue_indirect_dma source(%dma_start3A_266 : memref<40960x128xf32, #tpu.memory_space<hbm>>) target(%arg20 : memref<80x128xf32, #tpu.memory_space<vmem>>) offsets(%arg10 : memref<80xi32, #tpu.memory_space<vmem>>) semaphore(%arg29 : memref<!tpu.dma_semaphore, #tpu.memory_space<semaphore_mem>>)
        %dma_start3A_267 = arith.constant 0 : i32
        %dma_start3A_268 = tpu.memref_slice %arg4[%dma_start3A_267] : memref<327680xf32, #tpu.memory_space<hbm>> -> memref<327680xf32, #tpu.memory_space<hbm>>
        tpu.enqueue_indirect_dma source(%dma_start3A_268 : memref<327680xf32, #tpu.memory_space<hbm>>) target(%arg16 : memref<80xf32, #tpu.memory_space<vmem>>) offsets(%arg10 : memref<80xi32, #tpu.memory_space<vmem>>) semaphore(%arg29 : memref<!tpu.dma_semaphore, #tpu.memory_space<semaphore_mem>>)
        %dma_start3A_269 = arith.constant 0 : i32
        %dma_start3A_270 = tpu.memref_slice %arg4[%dma_start3A_269] : memref<327680xf32, #tpu.memory_space<hbm>> -> memref<327680xf32, #tpu.memory_space<hbm>>
        tpu.enqueue_indirect_dma source(%dma_start3A_270 : memref<327680xf32, #tpu.memory_space<hbm>>) target(%arg17 : memref<80xf32, #tpu.memory_space<vmem>>) offsets(%arg11 : memref<80xi32, #tpu.memory_space<vmem>>) semaphore(%arg29 : memref<!tpu.dma_semaphore, #tpu.memory_space<semaphore_mem>>)
        %dma_start3A_271 = arith.constant 0 : i32
        %dma_start3A_272 = tpu.memref_slice %arg4[%dma_start3A_271] : memref<327680xf32, #tpu.memory_space<hbm>> -> memref<327680xf32, #tpu.memory_space<hbm>>
        tpu.enqueue_indirect_dma source(%dma_start3A_272 : memref<327680xf32, #tpu.memory_space<hbm>>) target(%arg18 : memref<80xf32, #tpu.memory_space<vmem>>) offsets(%arg12 : memref<80xi32, #tpu.memory_space<vmem>>) semaphore(%arg29 : memref<!tpu.dma_semaphore, #tpu.memory_space<semaphore_mem>>)
        %dma_start3A_273 = arith.constant 0 : i32
        %dma_start3A_274 = tpu.memref_slice %arg4[%dma_start3A_273] : memref<327680xf32, #tpu.memory_space<hbm>> -> memref<327680xf32, #tpu.memory_space<hbm>>
        tpu.enqueue_indirect_dma source(%dma_start3A_274 : memref<327680xf32, #tpu.memory_space<hbm>>) target(%arg19 : memref<80xf32, #tpu.memory_space<vmem>>) offsets(%arg13 : memref<80xi32, #tpu.memory_space<vmem>>) semaphore(%arg29 : memref<!tpu.dma_semaphore, #tpu.memory_space<semaphore_mem>>)
        %dma_wait3A_275 = arith.constant 0 : i32
        %dma_wait3A_276 = tpu.memref_slice %arg4[%dma_wait3A_275] : memref<327680xf32, #tpu.memory_space<hbm>> -> memref<327680xf32, #tpu.memory_space<hbm>>
        tpu.wait_indirect_dma semaphore(%arg29 : memref<!tpu.dma_semaphore, #tpu.memory_space<semaphore_mem>>) src(%dma_wait3A_276 : memref<327680xf32, #tpu.memory_space<hbm>>) dst(%arg16 : memref<80xf32, #tpu.memory_space<vmem>>)
        %dma_wait3A_277 = arith.constant 0 : i32
        %dma_wait3A_278 = tpu.memref_slice %arg4[%dma_wait3A_277] : memref<327680xf32, #tpu.memory_space<hbm>> -> memref<327680xf32, #tpu.memory_space<hbm>>
        tpu.wait_indirect_dma semaphore(%arg29 : memref<!tpu.dma_semaphore, #tpu.memory_space<semaphore_mem>>) src(%dma_wait3A_278 : memref<327680xf32, #tpu.memory_space<hbm>>) dst(%arg17 : memref<80xf32, #tpu.memory_space<vmem>>)
        %dma_wait3A_279 = arith.constant 0 : i32
        %dma_wait3A_280 = tpu.memref_slice %arg4[%dma_wait3A_279] : memref<327680xf32, #tpu.memory_space<hbm>> -> memref<327680xf32, #tpu.memory_space<hbm>>
        tpu.wait_indirect_dma semaphore(%arg29 : memref<!tpu.dma_semaphore, #tpu.memory_space<semaphore_mem>>) src(%dma_wait3A_280 : memref<327680xf32, #tpu.memory_space<hbm>>) dst(%arg18 : memref<80xf32, #tpu.memory_space<vmem>>)
        %dma_wait3A_281 = arith.constant 0 : i32
        %dma_wait3A_282 = tpu.memref_slice %arg4[%dma_wait3A_281] : memref<327680xf32, #tpu.memory_space<hbm>> -> memref<327680xf32, #tpu.memory_space<hbm>>
        tpu.wait_indirect_dma semaphore(%arg29 : memref<!tpu.dma_semaphore, #tpu.memory_space<semaphore_mem>>) src(%dma_wait3A_282 : memref<327680xf32, #tpu.memory_space<hbm>>) dst(%arg19 : memref<80xf32, #tpu.memory_space<vmem>>)
        %dma_wait3A_283 = arith.constant 0 : i32
        %dma_wait3A_284 = arith.constant 0 : i32
        %dma_wait3A_285 = tpu.memref_slice %arg5[%dma_wait3A_283, %dma_wait3A_284] : memref<40960x128xf32, #tpu.memory_space<hbm>> -> memref<40960x128xf32, #tpu.memory_space<hbm>>
        tpu.wait_indirect_dma semaphore(%arg29 : memref<!tpu.dma_semaphore, #tpu.memory_space<semaphore_mem>>) src(%dma_wait3A_285 : memref<40960x128xf32, #tpu.memory_space<hbm>>) dst(%arg20 : memref<80x128xf32, #tpu.memory_space<vmem>>)
        %get3A_286 = arith.constant 0 : index
        %get3A_287 = tpu.vector_load %arg16[%get3A_286] {strides = array<i32>} : memref<80xf32, #tpu.memory_space<vmem>>, vector<16xf32>,
        %get3A_288 = arith.constant 0 : index
        %get3A_289 = tpu.vector_load %arg18[%get3A_288] {strides = array<i32>} : memref<80xf32, #tpu.memory_space<vmem>>, vector<16xf32>,
        %add3A_290 = arith.addf %get3A_287, %get3A_289 : vector<16xf32>
        %ge3A = arith.constant 0.000000e+00 : f32
        %ge3A_291 = vector.broadcast %ge3A : f32 to vector<16xf32>
        %ge3A_292 = arith.cmpf oge, %add3A_290, %ge3A_291 : vector<16xf32>
        %mul3A_293 = arith.constant 2.000000e-01 : f32
        %mul3A_294 = vector.broadcast %mul3A_293 : f32 to vector<16xf32>
        %mul3A_295 = arith.mulf %add3A_290, %mul3A_294 : vector<16xf32>
        %select_n3A = arith.select %ge3A_292, %add3A_290, %mul3A_295 : vector<16xi1>, vector<16xf32>
        %exp3A = math.exp %select_n3A : vector<16xf32>
        %swap3A_296 = arith.constant 0 : index
        %swap3A_297 = tpu.vector_load %arg21[%swap3A_296] {strides = array<i32>} : memref<96xf32, #tpu.memory_space<vmem>>, vector<16xf32>,
        tpu.vector_store %arg21[%swap3A_296], %exp3A {strides = array<i32>} : memref<96xf32, #tpu.memory_space<vmem>>, vector<16xf32>,
        %get3A_298 = arith.constant 0 : index
        %get3A_299 = tpu.vector_load %arg17[%get3A_298] {strides = array<i32>} : memref<80xf32, #tpu.memory_space<vmem>>, vector<16xf32>,
        %get3A_300 = arith.constant 0 : index
        %get3A_301 = tpu.vector_load %arg19[%get3A_300] {strides = array<i32>} : memref<80xf32, #tpu.memory_space<vmem>>, vector<16xf32>,
        %add3A_302 = arith.addf %get3A_299, %get3A_301 : vector<16xf32>
        %ge3A_303 = arith.constant 0.000000e+00 : f32
        %ge3A_304 = vector.broadcast %ge3A_303 : f32 to vector<16xf32>
        %ge3A_305 = arith.cmpf oge, %add3A_302, %ge3A_304 : vector<16xf32>
        %mul3A_306 = arith.constant 2.000000e-01 : f32
        %mul3A_307 = vector.broadcast %mul3A_306 : f32 to vector<16xf32>
        %mul3A_308 = arith.mulf %add3A_302, %mul3A_307 : vector<16xf32>
        %select_n3A_309 = arith.select %ge3A_305, %add3A_302, %mul3A_308 : vector<16xi1>, vector<16xf32>
        %exp3A_310 = math.exp %select_n3A_309 : vector<16xf32>
        %swap3A_311 = arith.constant 0 : index
        %swap3A_312 = tpu.vector_load %arg22[%swap3A_311] {strides = array<i32>} : memref<96xf32, #tpu.memory_space<vmem>>, vector<16xf32>,
        tpu.vector_store %arg22[%swap3A_311], %exp3A_310 {strides = array<i32>} : memref<96xf32, #tpu.memory_space<vmem>>, vector<16xf32>,
        %get3A_313 = arith.constant 16 : index
        %get3A_314 = tpu.vector_load %arg16[%get3A_313] {strides = array<i32>} : memref<80xf32, #tpu.memory_space<vmem>>, vector<16xf32>,
        %get3A_315 = arith.constant 16 : index
        %get3A_316 = tpu.vector_load %arg18[%get3A_315] {strides = array<i32>} : memref<80xf32, #tpu.memory_space<vmem>>, vector<16xf32>,
        %add3A_317 = arith.addf %get3A_314, %get3A_316 : vector<16xf32>
        %ge3A_318 = arith.constant 0.000000e+00 : f32
        %ge3A_319 = vector.broadcast %ge3A_318 : f32 to vector<16xf32>
        %ge3A_320 = arith.cmpf oge, %add3A_317, %ge3A_319 : vector<16xf32>
        %mul3A_321 = arith.constant 2.000000e-01 : f32
        %mul3A_322 = vector.broadcast %mul3A_321 : f32 to vector<16xf32>
        %mul3A_323 = arith.mulf %add3A_317, %mul3A_322 : vector<16xf32>
        %select_n3A_324 = arith.select %ge3A_320, %add3A_317, %mul3A_323 : vector<16xi1>, vector<16xf32>
        %exp3A_325 = math.exp %select_n3A_324 : vector<16xf32>
        %swap3A_326 = arith.constant 16 : index
        %swap3A_327 = tpu.vector_load %arg21[%swap3A_326] {strides = array<i32>} : memref<96xf32, #tpu.memory_space<vmem>>, vector<16xf32>,
        tpu.vector_store %arg21[%swap3A_326], %exp3A_325 {strides = array<i32>} : memref<96xf32, #tpu.memory_space<vmem>>, vector<16xf32>,
        %get3A_328 = arith.constant 16 : index
        %get3A_329 = tpu.vector_load %arg17[%get3A_328] {strides = array<i32>} : memref<80xf32, #tpu.memory_space<vmem>>, vector<16xf32>,
        %get3A_330 = arith.constant 16 : index
        %get3A_331 = tpu.vector_load %arg19[%get3A_330] {strides = array<i32>} : memref<80xf32, #tpu.memory_space<vmem>>, vector<16xf32>,
        %add3A_332 = arith.addf %get3A_329, %get3A_331 : vector<16xf32>
        %ge3A_333 = arith.constant 0.000000e+00 : f32
        %ge3A_334 = vector.broadcast %ge3A_333 : f32 to vector<16xf32>
        %ge3A_335 = arith.cmpf oge, %add3A_332, %ge3A_334 : vector<16xf32>
        %mul3A_336 = arith.constant 2.000000e-01 : f32
        %mul3A_337 = vector.broadcast %mul3A_336 : f32 to vector<16xf32>
        %mul3A_338 = arith.mulf %add3A_332, %mul3A_337 : vector<16xf32>
        %select_n3A_339 = arith.select %ge3A_335, %add3A_332, %mul3A_338 : vector<16xi1>, vector<16xf32>
        %exp3A_340 = math.exp %select_n3A_339 : vector<16xf32>
        %swap3A_341 = arith.constant 16 : index
        %swap3A_342 = tpu.vector_load %arg22[%swap3A_341] {strides = array<i32>} : memref<96xf32, #tpu.memory_space<vmem>>, vector<16xf32>,
        tpu.vector_store %arg22[%swap3A_341], %exp3A_340 {strides = array<i32>} : memref<96xf32, #tpu.memory_space<vmem>>, vector<16xf32>,
        %get3A_343 = arith.constant 32 : index
        %get3A_344 = tpu.vector_load %arg16[%get3A_343] {strides = array<i32>} : memref<80xf32, #tpu.memory_space<vmem>>, vector<16xf32>,
        %get3A_345 = arith.constant 32 : index
        %get3A_346 = tpu.vector_load %arg18[%get3A_345] {strides = array<i32>} : memref<80xf32, #tpu.memory_space<vmem>>, vector<16xf32>,
        %add3A_347 = arith.addf %get3A_344, %get3A_346 : vector<16xf32>
        %ge3A_348 = arith.constant 0.000000e+00 : f32
        %ge3A_349 = vector.broadcast %ge3A_348 : f32 to vector<16xf32>
        %ge3A_350 = arith.cmpf oge, %add3A_347, %ge3A_349 : vector<16xf32>
        %mul3A_351 = arith.constant 2.000000e-01 : f32
        %mul3A_352 = vector.broadcast %mul3A_351 : f32 to vector<16xf32>
        %mul3A_353 = arith.mulf %add3A_347, %mul3A_352 : vector<16xf32>
        %select_n3A_354 = arith.select %ge3A_350, %add3A_347, %mul3A_353 : vector<16xi1>, vector<16xf32>
        %exp3A_355 = math.exp %select_n3A_354 : vector<16xf32>
        %swap3A_356 = arith.constant 32 : index
        %swap3A_357 = tpu.vector_load %arg21[%swap3A_356] {strides = array<i32>} : memref<96xf32, #tpu.memory_space<vmem>>, vector<16xf32>,
        tpu.vector_store %arg21[%swap3A_356], %exp3A_355 {strides = array<i32>} : memref<96xf32, #tpu.memory_space<vmem>>, vector<16xf32>,
        %get3A_358 = arith.constant 32 : index
        %get3A_359 = tpu.vector_load %arg17[%get3A_358] {strides = array<i32>} : memref<80xf32, #tpu.memory_space<vmem>>, vector<16xf32>,
        %get3A_360 = arith.constant 32 : index
        %get3A_361 = tpu.vector_load %arg19[%get3A_360] {strides = array<i32>} : memref<80xf32, #tpu.memory_space<vmem>>, vector<16xf32>,
        %add3A_362 = arith.addf %get3A_359, %get3A_361 : vector<16xf32>
        %ge3A_363 = arith.constant 0.000000e+00 : f32
        %ge3A_364 = vector.broadcast %ge3A_363 : f32 to vector<16xf32>
        %ge3A_365 = arith.cmpf oge, %add3A_362, %ge3A_364 : vector<16xf32>
        %mul3A_366 = arith.constant 2.000000e-01 : f32
        %mul3A_367 = vector.broadcast %mul3A_366 : f32 to vector<16xf32>
        %mul3A_368 = arith.mulf %add3A_362, %mul3A_367 : vector<16xf32>
        %select_n3A_369 = arith.select %ge3A_365, %add3A_362, %mul3A_368 : vector<16xi1>, vector<16xf32>
        %exp3A_370 = math.exp %select_n3A_369 : vector<16xf32>
        %swap3A_371 = arith.constant 32 : index
        %swap3A_372 = tpu.vector_load %arg22[%swap3A_371] {strides = array<i32>} : memref<96xf32, #tpu.memory_space<vmem>>, vector<16xf32>,
        tpu.vector_store %arg22[%swap3A_371], %exp3A_370 {strides = array<i32>} : memref<96xf32, #tpu.memory_space<vmem>>, vector<16xf32>,
        %get3A_373 = arith.constant 48 : index
        %get3A_374 = tpu.vector_load %arg16[%get3A_373] {strides = array<i32>} : memref<80xf32, #tpu.memory_space<vmem>>, vector<16xf32>,
        %get3A_375 = arith.constant 48 : index
        %get3A_376 = tpu.vector_load %arg18[%get3A_375] {strides = array<i32>} : memref<80xf32, #tpu.memory_space<vmem>>, vector<16xf32>,
        %add3A_377 = arith.addf %get3A_374, %get3A_376 : vector<16xf32>
        %ge3A_378 = arith.constant 0.000000e+00 : f32
        %ge3A_379 = vector.broadcast %ge3A_378 : f32 to vector<16xf32>
        %ge3A_380 = arith.cmpf oge, %add3A_377, %ge3A_379 : vector<16xf32>
        %mul3A_381 = arith.constant 2.000000e-01 : f32
        %mul3A_382 = vector.broadcast %mul3A_381 : f32 to vector<16xf32>
        %mul3A_383 = arith.mulf %add3A_377, %mul3A_382 : vector<16xf32>
        %select_n3A_384 = arith.select %ge3A_380, %add3A_377, %mul3A_383 : vector<16xi1>, vector<16xf32>
        %exp3A_385 = math.exp %select_n3A_384 : vector<16xf32>
        %swap3A_386 = arith.constant 48 : index
        %swap3A_387 = tpu.vector_load %arg21[%swap3A_386] {strides = array<i32>} : memref<96xf32, #tpu.memory_space<vmem>>, vector<16xf32>,
        tpu.vector_store %arg21[%swap3A_386], %exp3A_385 {strides = array<i32>} : memref<96xf32, #tpu.memory_space<vmem>>, vector<16xf32>,
        %get3A_388 = arith.constant 48 : index
        %get3A_389 = tpu.vector_load %arg17[%get3A_388] {strides = array<i32>} : memref<80xf32, #tpu.memory_space<vmem>>, vector<16xf32>,
        %get3A_390 = arith.constant 48 : index
        %get3A_391 = tpu.vector_load %arg19[%get3A_390] {strides = array<i32>} : memref<80xf32, #tpu.memory_space<vmem>>, vector<16xf32>,
        %add3A_392 = arith.addf %get3A_389, %get3A_391 : vector<16xf32>
        %ge3A_393 = arith.constant 0.000000e+00 : f32
        %ge3A_394 = vector.broadcast %ge3A_393 : f32 to vector<16xf32>
        %ge3A_395 = arith.cmpf oge, %add3A_392, %ge3A_394 : vector<16xf32>
        %mul3A_396 = arith.constant 2.000000e-01 : f32
        %mul3A_397 = vector.broadcast %mul3A_396 : f32 to vector<16xf32>
        %mul3A_398 = arith.mulf %add3A_392, %mul3A_397 : vector<16xf32>
        %select_n3A_399 = arith.select %ge3A_395, %add3A_392, %mul3A_398 : vector<16xi1>, vector<16xf32>
        %exp3A_400 = math.exp %select_n3A_399 : vector<16xf32>
        %swap3A_401 = arith.constant 48 : index
        %swap3A_402 = tpu.vector_load %arg22[%swap3A_401] {strides = array<i32>} : memref<96xf32, #tpu.memory_space<vmem>>, vector<16xf32>,
        tpu.vector_store %arg22[%swap3A_401], %exp3A_400 {strides = array<i32>} : memref<96xf32, #tpu.memory_space<vmem>>, vector<16xf32>,
        %get3A_403 = arith.constant 64 : index
        %get3A_404 = tpu.vector_load %arg16[%get3A_403] {strides = array<i32>} : memref<80xf32, #tpu.memory_space<vmem>>, vector<16xf32>,
        %get3A_405 = arith.constant 64 : index
        %get3A_406 = tpu.vector_load %arg18[%get3A_405] {strides = array<i32>} : memref<80xf32, #tpu.memory_space<vmem>>, vector<16xf32>,
        %add3A_407 = arith.addf %get3A_404, %get3A_406 : vector<16xf32>
        %ge3A_408 = arith.constant 0.000000e+00 : f32
        %ge3A_409 = vector.broadcast %ge3A_408 : f32 to vector<16xf32>
        %ge3A_410 = arith.cmpf oge, %add3A_407, %ge3A_409 : vector<16xf32>
        %mul3A_411 = arith.constant 2.000000e-01 : f32
        %mul3A_412 = vector.broadcast %mul3A_411 : f32 to vector<16xf32>
        %mul3A_413 = arith.mulf %add3A_407, %mul3A_412 : vector<16xf32>
        %select_n3A_414 = arith.select %ge3A_410, %add3A_407, %mul3A_413 : vector<16xi1>, vector<16xf32>
        %exp3A_415 = math.exp %select_n3A_414 : vector<16xf32>
        %swap3A_416 = arith.constant 64 : index
        %swap3A_417 = tpu.vector_load %arg21[%swap3A_416] {strides = array<i32>} : memref<96xf32, #tpu.memory_space<vmem>>, vector<16xf32>,
        tpu.vector_store %arg21[%swap3A_416], %exp3A_415 {strides = array<i32>} : memref<96xf32, #tpu.memory_space<vmem>>, vector<16xf32>,
        %get3A_418 = arith.constant 64 : index
        %get3A_419 = tpu.vector_load %arg17[%get3A_418] {strides = array<i32>} : memref<80xf32, #tpu.memory_space<vmem>>, vector<16xf32>,
        %get3A_420 = arith.constant 64 : index
        %get3A_421 = tpu.vector_load %arg19[%get3A_420] {strides = array<i32>} : memref<80xf32, #tpu.memory_space<vmem>>, vector<16xf32>,
        %add3A_422 = arith.addf %get3A_419, %get3A_421 : vector<16xf32>
        %ge3A_423 = arith.constant 0.000000e+00 : f32
        %ge3A_424 = vector.broadcast %ge3A_423 : f32 to vector<16xf32>
        %ge3A_425 = arith.cmpf oge, %add3A_422, %ge3A_424 : vector<16xf32>
        %mul3A_426 = arith.constant 2.000000e-01 : f32
        %mul3A_427 = vector.broadcast %mul3A_426 : f32 to vector<16xf32>
        %mul3A_428 = arith.mulf %add3A_422, %mul3A_427 : vector<16xf32>
        %select_n3A_429 = arith.select %ge3A_425, %add3A_422, %mul3A_428 : vector<16xi1>, vector<16xf32>
        %exp3A_430 = math.exp %select_n3A_429 : vector<16xf32>
        %swap3A_431 = arith.constant 64 : index
        %swap3A_432 = tpu.vector_load %arg22[%swap3A_431] {strides = array<i32>} : memref<96xf32, #tpu.memory_space<vmem>>, vector<16xf32>,
        tpu.vector_store %arg22[%swap3A_431], %exp3A_430 {strides = array<i32>} : memref<96xf32, #tpu.memory_space<vmem>>, vector<16xf32>,
        %scan3A_433 = arith.constant 0 : i32
        %scan3A_434 = arith.constant 0 : i32
        %scan3A_435 = arith.constant 80 : i32
        %scan3A_436 = arith.addi %scan3A_434, %scan3A_435 : i32
        %scan3A_437 = arith.constant 1 : i32
        scf.for %scan3A_439 = %scan3A_434 to %scan3A_436 step %scan3A_437  : i32 {
          %get3A_440 = arith.index_cast %scan3A_439 : i32 to index
          %get3A_441 = tpu.vector_load %arg21[%get3A_440] {strides = array<i32>} : memref<96xf32, #tpu.memory_space<vmem>>, vector<16xf32>,
          %get3A_442 = arith.index_cast %scan3A_439 : i32 to index
          %get3A_443 = tpu.vector_load %arg22[%get3A_442] {strides = array<i32>} : memref<96xf32, #tpu.memory_space<vmem>>, vector<16xf32>,
          %slice3A = vector.extract_strided_slice %get3A_441 {offsets = [0], sizes = [1], strides = [1]} : vector<16xf32> to vector<1xf32>
          %squeeze3A = vector.extract %slice3A[0] : f32 from vector<1xf32>
          %broadcast_in_dim3A_444 = vector.broadcast %squeeze3A : f32 to vector<16xf32>
          %slice3A_445 = vector.extract_strided_slice %get3A_443 {offsets = [0], sizes = [1], strides = [1]} : vector<16xf32> to vector<1xf32>
          %squeeze3A_446 = vector.extract %slice3A_445[0] : f32 from vector<1xf32>
          %broadcast_in_dim3A_447 = vector.broadcast %squeeze3A_446 : f32 to vector<16xf32>
          %get3A_448 = arith.index_cast %scan3A_439 : i32 to index
          %get3A_449 = arith.constant 0 : index
          %get3A_450 = tpu.vector_load %arg20[%get3A_448, %get3A_449] {strides = array<i32>} : memref<80x128xf32, #tpu.memory_space<vmem>>, vector<16xf32>,
          %mul3A_451 = arith.mulf %get3A_450, %broadcast_in_dim3A_444 : vector<16xf32>
          %swap3A_452 = arith.index_cast %scan3A_439 : i32 to index
          %swap3A_453 = arith.constant 0 : index
          %swap3A_454 = tpu.vector_load %arg20[%swap3A_452, %swap3A_453] {strides = array<i32>} : memref<80x128xf32, #tpu.memory_space<vmem>>, vector<16xf32>,
          tpu.vector_store %arg20[%swap3A_452, %swap3A_453], %mul3A_451 {strides = array<i32>} : memref<80x128xf32, #tpu.memory_space<vmem>>, vector<16xf32>,
          %get3A_455 = arith.index_cast %scan3A_439 : i32 to index
          %get3A_456 = arith.constant 16 : index
          %get3A_457 = tpu.vector_load %arg20[%get3A_455, %get3A_456] {strides = array<i32>} : memref<80x128xf32, #tpu.memory_space<vmem>>, vector<16xf32>,
          %mul3A_458 = arith.mulf %get3A_457, %broadcast_in_dim3A_444 : vector<16xf32>
          %swap3A_459 = arith.index_cast %scan3A_439 : i32 to index
          %swap3A_460 = arith.constant 16 : index
          %swap3A_461 = tpu.vector_load %arg20[%swap3A_459, %swap3A_460] {strides = array<i32>} : memref<80x128xf32, #tpu.memory_space<vmem>>, vector<16xf32>,
          tpu.vector_store %arg20[%swap3A_459, %swap3A_460], %mul3A_458 {strides = array<i32>} : memref<80x128xf32, #tpu.memory_space<vmem>>, vector<16xf32>,
          %get3A_462 = arith.index_cast %scan3A_439 : i32 to index
          %get3A_463 = arith.constant 32 : index
          %get3A_464 = tpu.vector_load %arg20[%get3A_462, %get3A_463] {strides = array<i32>} : memref<80x128xf32, #tpu.memory_space<vmem>>, vector<16xf32>,
          %mul3A_465 = arith.mulf %get3A_464, %broadcast_in_dim3A_444 : vector<16xf32>
          %swap3A_466 = arith.index_cast %scan3A_439 : i32 to index
          %swap3A_467 = arith.constant 32 : index
          %swap3A_468 = tpu.vector_load %arg20[%swap3A_466, %swap3A_467] {strides = array<i32>} : memref<80x128xf32, #tpu.memory_space<vmem>>, vector<16xf32>,
          tpu.vector_store %arg20[%swap3A_466, %swap3A_467], %mul3A_465 {strides = array<i32>} : memref<80x128xf32, #tpu.memory_space<vmem>>, vector<16xf32>,
          %get3A_469 = arith.index_cast %scan3A_439 : i32 to index
          %get3A_470 = arith.constant 48 : index
          %get3A_471 = tpu.vector_load %arg20[%get3A_469, %get3A_470] {strides = array<i32>} : memref<80x128xf32, #tpu.memory_space<vmem>>, vector<16xf32>,
          %mul3A_472 = arith.mulf %get3A_471, %broadcast_in_dim3A_444 : vector<16xf32>
          %swap3A_473 = arith.index_cast %scan3A_439 : i32 to index
          %swap3A_474 = arith.constant 48 : index
          %swap3A_475 = tpu.vector_load %arg20[%swap3A_473, %swap3A_474] {strides = array<i32>} : memref<80x128xf32, #tpu.memory_space<vmem>>, vector<16xf32>,
          tpu.vector_store %arg20[%swap3A_473, %swap3A_474], %mul3A_472 {strides = array<i32>} : memref<80x128xf32, #tpu.memory_space<vmem>>, vector<16xf32>,
          %get3A_476 = arith.index_cast %scan3A_439 : i32 to index
          %get3A_477 = arith.constant 64 : index
          %get3A_478 = tpu.vector_load %arg20[%get3A_476, %get3A_477] {strides = array<i32>} : memref<80x128xf32, #tpu.memory_space<vmem>>, vector<16xf32>,
          %mul3A_479 = arith.mulf %get3A_478, %broadcast_in_dim3A_447 : vector<16xf32>
          %swap3A_480 = arith.index_cast %scan3A_439 : i32 to index
          %swap3A_481 = arith.constant 64 : index
          %swap3A_482 = tpu.vector_load %arg20[%swap3A_480, %swap3A_481] {strides = array<i32>} : memref<80x128xf32, #tpu.memory_space<vmem>>, vector<16xf32>,
          tpu.vector_store %arg20[%swap3A_480, %swap3A_481], %mul3A_479 {strides = array<i32>} : memref<80x128xf32, #tpu.memory_space<vmem>>, vector<16xf32>,
          %get3A_483 = arith.index_cast %scan3A_439 : i32 to index
          %get3A_484 = arith.constant 80 : index
          %get3A_485 = tpu.vector_load %arg20[%get3A_483, %get3A_484] {strides = array<i32>} : memref<80x128xf32, #tpu.memory_space<vmem>>, vector<16xf32>,
          %mul3A_486 = arith.mulf %get3A_485, %broadcast_in_dim3A_447 : vector<16xf32>
          %swap3A_487 = arith.index_cast %scan3A_439 : i32 to index
          %swap3A_488 = arith.constant 80 : index
          %swap3A_489 = tpu.vector_load %arg20[%swap3A_487, %swap3A_488] {strides = array<i32>} : memref<80x128xf32, #tpu.memory_space<vmem>>, vector<16xf32>,
          tpu.vector_store %arg20[%swap3A_487, %swap3A_488], %mul3A_486 {strides = array<i32>} : memref<80x128xf32, #tpu.memory_space<vmem>>, vector<16xf32>,
          %get3A_490 = arith.index_cast %scan3A_439 : i32 to index
          %get3A_491 = arith.constant 96 : index
          %get3A_492 = tpu.vector_load %arg20[%get3A_490, %get3A_491] {strides = array<i32>} : memref<80x128xf32, #tpu.memory_space<vmem>>, vector<16xf32>,
          %mul3A_493 = arith.mulf %get3A_492, %broadcast_in_dim3A_447 : vector<16xf32>
          %swap3A_494 = arith.index_cast %scan3A_439 : i32 to index
          %swap3A_495 = arith.constant 96 : index
          %swap3A_496 = tpu.vector_load %arg20[%swap3A_494, %swap3A_495] {strides = array<i32>} : memref<80x128xf32, #tpu.memory_space<vmem>>, vector<16xf32>,
          tpu.vector_store %arg20[%swap3A_494, %swap3A_495], %mul3A_493 {strides = array<i32>} : memref<80x128xf32, #tpu.memory_space<vmem>>, vector<16xf32>,
          %get3A_497 = arith.index_cast %scan3A_439 : i32 to index
          %get3A_498 = arith.constant 112 : index
          %get3A_499 = tpu.vector_load %arg20[%get3A_497, %get3A_498] {strides = array<i32>} : memref<80x128xf32, #tpu.memory_space<vmem>>, vector<16xf32>,
          %mul3A_500 = arith.mulf %get3A_499, %broadcast_in_dim3A_447 : vector<16xf32>
          %swap3A_501 = arith.index_cast %scan3A_439 : i32 to index
          %swap3A_502 = arith.constant 112 : index
          %swap3A_503 = tpu.vector_load %arg20[%swap3A_501, %swap3A_502] {strides = array<i32>} : memref<80x128xf32, #tpu.memory_space<vmem>>, vector<16xf32>,
          tpu.vector_store %arg20[%swap3A_501, %swap3A_502], %mul3A_500 {strides = array<i32>} : memref<80x128xf32, #tpu.memory_space<vmem>>, vector<16xf32>,
        }
        %scan3A_438 = arith.constant 80 : i32
        "tpu.region"() ({
          %run_scoped3A = tpu.sem_alloc : memref<!tpu.dma_semaphore, #tpu.memory_space<semaphore_mem>>
          %dma_start3A_439 = arith.constant 0 : i32
          %dma_start3A_440 = arith.constant 0 : i32
          %dma_start3A_441 = tpu.memref_slice %arg27[%dma_start3A_439, %dma_start3A_440] : memref<10000x128xf32, #tpu.memory_space<vmem_shared>> -> memref<10000x128xf32, #tpu.memory_space<vmem_shared>>
          tpu.enqueue_indirect_dma source(%arg20 : memref<80x128xf32, #tpu.memory_space<vmem>>) target(%dma_start3A_441 : memref<10000x128xf32, #tpu.memory_space<vmem_shared>>) offsets(%arg9 : memref<80xi32, #tpu.memory_space<vmem>>) semaphore(%run_scoped3A : memref<!tpu.dma_semaphore, #tpu.memory_space<semaphore_mem>>) {add = true}
          %dma_wait3A_442 = arith.constant 0 : i32
          %dma_wait3A_443 = arith.constant 0 : i32
          %dma_wait3A_444 = tpu.memref_slice %arg27[%dma_wait3A_442, %dma_wait3A_443] : memref<10000x128xf32, #tpu.memory_space<vmem_shared>> -> memref<10000x128xf32, #tpu.memory_space<vmem_shared>>
          tpu.wait_indirect_dma semaphore(%run_scoped3A : memref<!tpu.dma_semaphore, #tpu.memory_space<semaphore_mem>>) src(%arg20 : memref<80x128xf32, #tpu.memory_space<vmem>>) dst(%dma_wait3A_444 : memref<10000x128xf32, #tpu.memory_space<vmem_shared>>)
          tpu.yield
        }) : () -> ()
      }
      %scan3A_61 = arith.constant 125 : i32
      %barrier3A_62 = arith.constant 0 : index
      tpu.barrier barrier_id(%barrier3A_62)
      %scan3A_63 = arith.constant 0 : i32
      %scan3A_64 = arith.constant 0 : i32
      %scan3A_65 = arith.constant 16 : i32
      %scan3A_66 = arith.addi %scan3A_64, %scan3A_65 : i32
      %scan3A_67 = arith.constant 1 : i32
      scf.for %scan3A_82 = %scan3A_64 to %scan3A_66 step %scan3A_67  : i32 {
        %mul3A_83 = arith.constant 16 : i32
        %mul3A_84 = arith.muli %scan3A_82, %mul3A_83 : i32
        %add3A_85 = arith.addi %mul3A_84, %arg1 : i32
        %lt3A = arith.constant 250 : i32
        %lt3A_86 = arith.cmpi slt, %add3A_85, %lt3A : i32
        %convert_element_type3A = arith.extui %lt3A_86 : i1 to i32
        %cond3A = arith.constant 0 : i32
        %cond3A_87 = arith.cmpi ne, %convert_element_type3A, %cond3A : i32
        scf.if %cond3A_87 {
          %mul3A_88 = arith.constant 80 : i32
          %mul3A_89 = arith.muli %add3A_85, %mul3A_88 : i32
          %mul3A_90 = arith.constant 80 : i32
          %mul3A_91 = arith.muli %scan3A_82, %mul3A_90 : i32
          "tpu.region"() ({
            %run_scoped3A = tpu.sem_alloc : memref<!tpu.dma_semaphore, #tpu.memory_space<semaphore_mem>>
            %dma_start3A = tpu.memref_slice %arg23[%mul3A_91] : memref<1312xf32, #tpu.memory_space<vmem>> -> memref<80xf32, #tpu.memory_space<vmem>>
            %dma_start3A_92 = tpu.memref_slice %arg28[%mul3A_89] : memref<20000xf32, #tpu.memory_space<vmem_shared>> -> memref<80xf32, #tpu.memory_space<vmem_shared>>
            %dma_start3A_93 = tpu.memref_slice %arg23[%mul3A_91] : memref<1312xf32, #tpu.memory_space<vmem>> -> memref<80xf32, #tpu.memory_space<vmem>>
            %dma_start3A_94 = tpu.memref_slice %arg28[%mul3A_89] : memref<20000xf32, #tpu.memory_space<vmem_shared>> -> memref<80xf32, #tpu.memory_space<vmem_shared>>
            tpu.enqueue_dma source(%dma_start3A_94 : memref<80xf32, #tpu.memory_space<vmem_shared>>) target(%dma_start3A_93 : memref<80xf32, #tpu.memory_space<vmem>>) target_semaphore(%run_scoped3A : memref<!tpu.dma_semaphore, #tpu.memory_space<semaphore_mem>>)
            %dma_wait3A = tpu.memref_slice %arg23[%mul3A_91] : memref<1312xf32, #tpu.memory_space<vmem>> -> memref<80xf32, #tpu.memory_space<vmem>>
            %dma_wait3A_95 = tpu.memref_slice %arg28[%mul3A_89] : memref<20000xf32, #tpu.memory_space<vmem_shared>> -> memref<80xf32, #tpu.memory_space<vmem_shared>>
            %dma_wait3A_96 = tpu.memref_slice %arg23[%mul3A_91] : memref<1312xf32, #tpu.memory_space<vmem>> -> memref<80xf32, #tpu.memory_space<vmem>>
            %dma_wait3A_97 = tpu.memref_slice %arg28[%mul3A_89] : memref<20000xf32, #tpu.memory_space<vmem_shared>> -> memref<80xf32, #tpu.memory_space<vmem_shared>>
            tpu.wait_dma2 semaphore(%run_scoped3A : memref<!tpu.dma_semaphore, #tpu.memory_space<semaphore_mem>>) src(%dma_wait3A_97 : memref<80xf32, #tpu.memory_space<vmem_shared>>) dst(%dma_wait3A_96 : memref<80xf32, #tpu.memory_space<vmem>>)
            tpu.yield
          }) : () -> ()
        } else {
        }
      }
      %scan3A_68 = arith.constant 16 : i32
      %scan3A_69 = arith.constant 0 : i32
      %scan3A_70 = arith.constant 0 : i32
      %scan3A_71 = arith.constant 16 : i32
      %scan3A_72 = arith.addi %scan3A_70, %scan3A_71 : i32
      %scan3A_73 = arith.constant 1 : i32
      scf.for %scan3A_82 = %scan3A_70 to %scan3A_72 step %scan3A_73  : i32 {
        %mul3A_83 = arith.constant 16 : i32
        %mul3A_84 = arith.muli %scan3A_82, %mul3A_83 : i32
        %add3A_85 = arith.addi %mul3A_84, %arg1 : i32
        %lt3A = arith.constant 250 : i32
        %lt3A_86 = arith.cmpi slt, %add3A_85, %lt3A : i32
        %convert_element_type3A = arith.extui %lt3A_86 : i1 to i32
        %cond3A = arith.constant 0 : i32
        %cond3A_87 = arith.cmpi ne, %convert_element_type3A, %cond3A : i32
        scf.if %cond3A_87 {
          %mul3A_88 = arith.constant 40 : i32
          %mul3A_89 = arith.muli %add3A_85, %mul3A_88 : i32
          "tpu.region"() ({
            %run_scoped3A = tpu.sem_alloc : memref<!tpu.dma_semaphore, #tpu.memory_space<semaphore_mem>>
            %dma_start3A = arith.constant 0 : i32
            %dma_start3A_105 = tpu.memref_slice %arg27[%mul3A_89, %dma_start3A] : memref<10000x128xf32, #tpu.memory_space<vmem_shared>> -> memref<40x128xf32, #tpu.memory_space<vmem_shared>>
            %dma_start3A_106 = arith.constant 0 : i32
            %dma_start3A_107 = tpu.memref_slice %arg27[%mul3A_89, %dma_start3A_106] : memref<10000x128xf32, #tpu.memory_space<vmem_shared>> -> memref<40x128xf32, #tpu.memory_space<vmem_shared>>
            tpu.enqueue_dma source(%dma_start3A_107 : memref<40x128xf32, #tpu.memory_space<vmem_shared>>) target(%arg25 : memref<40x128xf32, #tpu.memory_space<vmem>>) target_semaphore(%run_scoped3A : memref<!tpu.dma_semaphore, #tpu.memory_space<semaphore_mem>>)
            %dma_wait3A = arith.constant 0 : i32
            %dma_wait3A_108 = tpu.memref_slice %arg27[%mul3A_89, %dma_wait3A] : memref<10000x128xf32, #tpu.memory_space<vmem_shared>> -> memref<40x128xf32, #tpu.memory_space<vmem_shared>>
            %dma_wait3A_109 = arith.constant 0 : i32
            %dma_wait3A_110 = tpu.memref_slice %arg27[%mul3A_89, %dma_wait3A_109] : memref<10000x128xf32, #tpu.memory_space<vmem_shared>> -> memref<40x128xf32, #tpu.memory_space<vmem_shared>>
            tpu.wait_dma2 semaphore(%run_scoped3A : memref<!tpu.dma_semaphore, #tpu.memory_space<semaphore_mem>>) src(%dma_wait3A_110 : memref<40x128xf32, #tpu.memory_space<vmem_shared>>) dst(%arg25 : memref<40x128xf32, #tpu.memory_space<vmem>>)
            tpu.yield
          }) : () -> ()
          %scan3A_90 = arith.constant 0 : i32
          %scan3A_91 = arith.constant 0 : i32
          %scan3A_92 = arith.constant 40 : i32
          %scan3A_93 = arith.addi %scan3A_91, %scan3A_92 : i32
          %scan3A_94 = arith.constant 1 : i32
          scf.for %scan3A_105 = %scan3A_91 to %scan3A_93 step %scan3A_94  : i32 {
            %mul3A_106 = arith.constant 80 : i32
            %mul3A_107 = arith.muli %scan3A_82, %mul3A_106 : i32
            %mul3A_108 = arith.constant 2 : i32
            %mul3A_109 = arith.muli %mul3A_108, %scan3A_105 : i32
            %add3A_110 = arith.addi %mul3A_107, %mul3A_109 : i32
            %get3A_111 = arith.index_cast %add3A_110 : i32 to index
            %get3A_112 = tpu.vector_load %arg23[%get3A_111] {strides = array<i32>} : memref<1312xf32, #tpu.memory_space<vmem>>, vector<16xf32>,
            %add3A_113 = arith.constant 1.000000e-16 : f32
            %add3A_114 = vector.broadcast %add3A_113 : f32 to vector<16xf32>
            %add3A_115 = arith.addf %get3A_112, %add3A_114 : vector<16xf32>
            %div3A = arith.constant 1.000000e+00 : f32
            %div3A_116 = vector.broadcast %div3A : f32 to vector<16xf32>
            %div3A_117 = arith.divf %div3A_116, %add3A_115 : vector<16xf32>
            %slice3A = vector.extract_strided_slice %div3A_117 {offsets = [0], sizes = [1], strides = [1]} : vector<16xf32> to vector<1xf32>
            %squeeze3A = vector.extract %slice3A[0] : f32 from vector<1xf32>
            %broadcast_in_dim3A_118 = vector.broadcast %squeeze3A : f32 to vector<16xf32>
            %slice3A_119 = vector.extract_strided_slice %div3A_117 {offsets = [1], sizes = [1], strides = [1]} : vector<16xf32> to vector<1xf32>
            %squeeze3A_120 = vector.extract %slice3A_119[0] : f32 from vector<1xf32>
            %broadcast_in_dim3A_121 = vector.broadcast %squeeze3A_120 : f32 to vector<16xf32>
            %get3A_122 = arith.index_cast %scan3A_105 : i32 to index
            %get3A_123 = arith.constant 0 : index
            %get3A_124 = tpu.vector_load %arg25[%get3A_122, %get3A_123] {strides = array<i32>} : memref<40x128xf32, #tpu.memory_space<vmem>>, vector<16xf32>,
            %mul3A_125 = arith.mulf %get3A_124, %broadcast_in_dim3A_118 : vector<16xf32>
            %add3A_126 = arith.addf %mul3A_125, %get3A_27 : vector<16xf32>
            %swap3A_127 = arith.index_cast %scan3A_105 : i32 to index
            %swap3A_128 = arith.constant 0 : index
            %swap3A_129 = tpu.vector_load %arg25[%swap3A_127, %swap3A_128] {strides = array<i32>} : memref<40x128xf32, #tpu.memory_space<vmem>>, vector<16xf32>,
            tpu.vector_store %arg25[%swap3A_127, %swap3A_128], %add3A_126 {strides = array<i32>} : memref<40x128xf32, #tpu.memory_space<vmem>>, vector<16xf32>,
            %get3A_130 = arith.index_cast %scan3A_105 : i32 to index
            %get3A_131 = arith.constant 16 : index
            %get3A_132 = tpu.vector_load %arg25[%get3A_130, %get3A_131] {strides = array<i32>} : memref<40x128xf32, #tpu.memory_space<vmem>>, vector<16xf32>,
            %mul3A_133 = arith.mulf %get3A_132, %broadcast_in_dim3A_118 : vector<16xf32>
            %add3A_134 = arith.addf %mul3A_133, %get3A_29 : vector<16xf32>
            %swap3A_135 = arith.index_cast %scan3A_105 : i32 to index
            %swap3A_136 = arith.constant 16 : index
            %swap3A_137 = tpu.vector_load %arg25[%swap3A_135, %swap3A_136] {strides = array<i32>} : memref<40x128xf32, #tpu.memory_space<vmem>>, vector<16xf32>,
            tpu.vector_store %arg25[%swap3A_135, %swap3A_136], %add3A_134 {strides = array<i32>} : memref<40x128xf32, #tpu.memory_space<vmem>>, vector<16xf32>,
            %get3A_138 = arith.index_cast %scan3A_105 : i32 to index
            %get3A_139 = arith.constant 32 : index
            %get3A_140 = tpu.vector_load %arg25[%get3A_138, %get3A_139] {strides = array<i32>} : memref<40x128xf32, #tpu.memory_space<vmem>>, vector<16xf32>,
            %mul3A_141 = arith.mulf %get3A_140, %broadcast_in_dim3A_118 : vector<16xf32>
            %add3A_142 = arith.addf %mul3A_141, %get3A_31 : vector<16xf32>
            %swap3A_143 = arith.index_cast %scan3A_105 : i32 to index
            %swap3A_144 = arith.constant 32 : index
            %swap3A_145 = tpu.vector_load %arg25[%swap3A_143, %swap3A_144] {strides = array<i32>} : memref<40x128xf32, #tpu.memory_space<vmem>>, vector<16xf32>,
            tpu.vector_store %arg25[%swap3A_143, %swap3A_144], %add3A_142 {strides = array<i32>} : memref<40x128xf32, #tpu.memory_space<vmem>>, vector<16xf32>,
            %get3A_146 = arith.index_cast %scan3A_105 : i32 to index
            %get3A_147 = arith.constant 48 : index
            %get3A_148 = tpu.vector_load %arg25[%get3A_146, %get3A_147] {strides = array<i32>} : memref<40x128xf32, #tpu.memory_space<vmem>>, vector<16xf32>,
            %mul3A_149 = arith.mulf %get3A_148, %broadcast_in_dim3A_118 : vector<16xf32>
            %add3A_150 = arith.addf %mul3A_149, %get3A_33 : vector<16xf32>
            %swap3A_151 = arith.index_cast %scan3A_105 : i32 to index
            %swap3A_152 = arith.constant 48 : index
            %swap3A_153 = tpu.vector_load %arg25[%swap3A_151, %swap3A_152] {strides = array<i32>} : memref<40x128xf32, #tpu.memory_space<vmem>>, vector<16xf32>,
            tpu.vector_store %arg25[%swap3A_151, %swap3A_152], %add3A_150 {strides = array<i32>} : memref<40x128xf32, #tpu.memory_space<vmem>>, vector<16xf32>,
            %get3A_154 = arith.index_cast %scan3A_105 : i32 to index
            %get3A_155 = arith.constant 64 : index
            %get3A_156 = tpu.vector_load %arg25[%get3A_154, %get3A_155] {strides = array<i32>} : memref<40x128xf32, #tpu.memory_space<vmem>>, vector<16xf32>,
            %mul3A_157 = arith.mulf %get3A_156, %broadcast_in_dim3A_121 : vector<16xf32>
            %add3A_158 = arith.addf %mul3A_157, %get3A_35 : vector<16xf32>
            %swap3A_159 = arith.index_cast %scan3A_105 : i32 to index
            %swap3A_160 = arith.constant 64 : index
            %swap3A_161 = tpu.vector_load %arg25[%swap3A_159, %swap3A_160] {strides = array<i32>} : memref<40x128xf32, #tpu.memory_space<vmem>>, vector<16xf32>,
            tpu.vector_store %arg25[%swap3A_159, %swap3A_160], %add3A_158 {strides = array<i32>} : memref<40x128xf32, #tpu.memory_space<vmem>>, vector<16xf32>,
            %get3A_162 = arith.index_cast %scan3A_105 : i32 to index
            %get3A_163 = arith.constant 80 : index
            %get3A_164 = tpu.vector_load %arg25[%get3A_162, %get3A_163] {strides = array<i32>} : memref<40x128xf32, #tpu.memory_space<vmem>>, vector<16xf32>,
            %mul3A_165 = arith.mulf %get3A_164, %broadcast_in_dim3A_121 : vector<16xf32>
            %add3A_166 = arith.addf %mul3A_165, %get3A_37 : vector<16xf32>
            %swap3A_167 = arith.index_cast %scan3A_105 : i32 to index
            %swap3A_168 = arith.constant 80 : index
            %swap3A_169 = tpu.vector_load %arg25[%swap3A_167, %swap3A_168] {strides = array<i32>} : memref<40x128xf32, #tpu.memory_space<vmem>>, vector<16xf32>,
            tpu.vector_store %arg25[%swap3A_167, %swap3A_168], %add3A_166 {strides = array<i32>} : memref<40x128xf32, #tpu.memory_space<vmem>>, vector<16xf32>,
            %get3A_170 = arith.index_cast %scan3A_105 : i32 to index
            %get3A_171 = arith.constant 96 : index
            %get3A_172 = tpu.vector_load %arg25[%get3A_170, %get3A_171] {strides = array<i32>} : memref<40x128xf32, #tpu.memory_space<vmem>>, vector<16xf32>,
            %mul3A_173 = arith.mulf %get3A_172, %broadcast_in_dim3A_121 : vector<16xf32>
            %add3A_174 = arith.addf %mul3A_173, %get3A_39 : vector<16xf32>
            %swap3A_175 = arith.index_cast %scan3A_105 : i32 to index
            %swap3A_176 = arith.constant 96 : index
            %swap3A_177 = tpu.vector_load %arg25[%swap3A_175, %swap3A_176] {strides = array<i32>} : memref<40x128xf32, #tpu.memory_space<vmem>>, vector<16xf32>,
            tpu.vector_store %arg25[%swap3A_175, %swap3A_176], %add3A_174 {strides = array<i32>} : memref<40x128xf32, #tpu.memory_space<vmem>>, vector<16xf32>,
            %get3A_178 = arith.index_cast %scan3A_105 : i32 to index
            %get3A_179 = arith.constant 112 : index
            %get3A_180 = tpu.vector_load %arg25[%get3A_178, %get3A_179] {strides = array<i32>} : memref<40x128xf32, #tpu.memory_space<vmem>>, vector<16xf32>,
            %mul3A_181 = arith.mulf %get3A_180, %broadcast_in_dim3A_121 : vector<16xf32>
            %add3A_182 = arith.addf %mul3A_181, %get3A_41 : vector<16xf32>
            %swap3A_183 = arith.index_cast %scan3A_105 : i32 to index
            %swap3A_184 = arith.constant 112 : index
            %swap3A_185 = tpu.vector_load %arg25[%swap3A_183, %swap3A_184] {strides = array<i32>} : memref<40x128xf32, #tpu.memory_space<vmem>>, vector<16xf32>,
            tpu.vector_store %arg25[%swap3A_183, %swap3A_184], %add3A_182 {strides = array<i32>} : memref<40x128xf32, #tpu.memory_space<vmem>>, vector<16xf32>,
          }
          %scan3A_95 = arith.constant 40 : i32
          %mul3A_96 = arith.constant 10000 : i32
          %mul3A_97 = arith.muli %add3A, %mul3A_96 : i32
          %add3A_98 = arith.addi %mul3A_97, %mul3A_89 : i32
          "tpu.region"() ({
            %run_scoped3A = tpu.sem_alloc : memref<!tpu.dma_semaphore, #tpu.memory_space<semaphore_mem>>
            %dma_start3A = arith.constant 0 : i32
            %dma_start3A_105 = tpu.memref_slice %arg7[%add3A_98, %dma_start3A] : memref<40000x128xf32, #tpu.memory_space<hbm>> -> memref<40x128xf32, #tpu.memory_space<hbm>>
            %dma_start3A_106 = arith.constant 0 : i32
            %dma_start3A_107 = tpu.memref_slice %arg7[%add3A_98, %dma_start3A_106] : memref<40000x128xf32, #tpu.memory_space<hbm>> -> memref<40x128xf32, #tpu.memory_space<hbm>>
            tpu.enqueue_dma source(%arg25 : memref<40x128xf32, #tpu.memory_space<vmem>>) target(%dma_start3A_107 : memref<40x128xf32, #tpu.memory_space<hbm>>) target_semaphore(%run_scoped3A : memref<!tpu.dma_semaphore, #tpu.memory_space<semaphore_mem>>)
            %dma_wait3A = arith.constant 0 : i32
            %dma_wait3A_108 = tpu.memref_slice %arg7[%add3A_98, %dma_wait3A] : memref<40000x128xf32, #tpu.memory_space<hbm>> -> memref<40x128xf32, #tpu.memory_space<hbm>>
            %dma_wait3A_109 = arith.constant 0 : i32
            %dma_wait3A_110 = tpu.memref_slice %arg7[%add3A_98, %dma_wait3A_109] : memref<40000x128xf32, #tpu.memory_space<hbm>> -> memref<40x128xf32, #tpu.memory_space<hbm>>
            tpu.wait_dma2 semaphore(%run_scoped3A : memref<!tpu.dma_semaphore, #tpu.memory_space<semaphore_mem>>) src(%arg25 : memref<40x128xf32, #tpu.memory_space<vmem>>) dst(%dma_wait3A_110 : memref<40x128xf32, #tpu.memory_space<hbm>>)
            tpu.yield
          }) : () -> ()
          %scan3A_99 = arith.constant 0 : i32
          %scan3A_100 = arith.constant 0 : i32
          %scan3A_101 = arith.constant 40 : i32
          %scan3A_102 = arith.addi %scan3A_100, %scan3A_101 : i32
          %scan3A_103 = arith.constant 1 : i32
          scf.for %scan3A_105 = %scan3A_100 to %scan3A_102 step %scan3A_103  : i32 {
            %swap3A_106 = arith.index_cast %scan3A_105 : i32 to index
            %swap3A_107 = arith.constant 0 : index
            %swap3A_108 = tpu.vector_load %arg25[%swap3A_106, %swap3A_107] {strides = array<i32>} : memref<40x128xf32, #tpu.memory_space<vmem>>, vector<16xf32>,
            tpu.vector_store %arg25[%swap3A_106, %swap3A_107], %broadcast_in_dim3A_0 {strides = array<i32>} : memref<40x128xf32, #tpu.memory_space<vmem>>, vector<16xf32>,
            %swap3A_109 = arith.index_cast %scan3A_105 : i32 to index
            %swap3A_110 = arith.constant 16 : index
            %swap3A_111 = tpu.vector_load %arg25[%swap3A_109, %swap3A_110] {strides = array<i32>} : memref<40x128xf32, #tpu.memory_space<vmem>>, vector<16xf32>,
            tpu.vector_store %arg25[%swap3A_109, %swap3A_110], %broadcast_in_dim3A_0 {strides = array<i32>} : memref<40x128xf32, #tpu.memory_space<vmem>>, vector<16xf32>,
            %swap3A_112 = arith.index_cast %scan3A_105 : i32 to index
            %swap3A_113 = arith.constant 32 : index
            %swap3A_114 = tpu.vector_load %arg25[%swap3A_112, %swap3A_113] {strides = array<i32>} : memref<40x128xf32, #tpu.memory_space<vmem>>, vector<16xf32>,
            tpu.vector_store %arg25[%swap3A_112, %swap3A_113], %broadcast_in_dim3A_0 {strides = array<i32>} : memref<40x128xf32, #tpu.memory_space<vmem>>, vector<16xf32>,
            %swap3A_115 = arith.index_cast %scan3A_105 : i32 to index
            %swap3A_116 = arith.constant 48 : index
            %swap3A_117 = tpu.vector_load %arg25[%swap3A_115, %swap3A_116] {strides = array<i32>} : memref<40x128xf32, #tpu.memory_space<vmem>>, vector<16xf32>,
            tpu.vector_store %arg25[%swap3A_115, %swap3A_116], %broadcast_in_dim3A_0 {strides = array<i32>} : memref<40x128xf32, #tpu.memory_space<vmem>>, vector<16xf32>,
            %swap3A_118 = arith.index_cast %scan3A_105 : i32 to index
            %swap3A_119 = arith.constant 64 : index
            %swap3A_120 = tpu.vector_load %arg25[%swap3A_118, %swap3A_119] {strides = array<i32>} : memref<40x128xf32, #tpu.memory_space<vmem>>, vector<16xf32>,
            tpu.vector_store %arg25[%swap3A_118, %swap3A_119], %broadcast_in_dim3A_0 {strides = array<i32>} : memref<40x128xf32, #tpu.memory_space<vmem>>, vector<16xf32>,
            %swap3A_121 = arith.index_cast %scan3A_105 : i32 to index
            %swap3A_122 = arith.constant 80 : index
            %swap3A_123 = tpu.vector_load %arg25[%swap3A_121, %swap3A_122] {strides = array<i32>} : memref<40x128xf32, #tpu.memory_space<vmem>>, vector<16xf32>,
            tpu.vector_store %arg25[%swap3A_121, %swap3A_122], %broadcast_in_dim3A_0 {strides = array<i32>} : memref<40x128xf32, #tpu.memory_space<vmem>>, vector<16xf32>,
            %swap3A_124 = arith.index_cast %scan3A_105 : i32 to index
            %swap3A_125 = arith.constant 96 : index
            %swap3A_126 = tpu.vector_load %arg25[%swap3A_124, %swap3A_125] {strides = array<i32>} : memref<40x128xf32, #tpu.memory_space<vmem>>, vector<16xf32>,
            tpu.vector_store %arg25[%swap3A_124, %swap3A_125], %broadcast_in_dim3A_0 {strides = array<i32>} : memref<40x128xf32, #tpu.memory_space<vmem>>, vector<16xf32>,
            %swap3A_127 = arith.index_cast %scan3A_105 : i32 to index
            %swap3A_128 = arith.constant 112 : index
            %swap3A_129 = tpu.vector_load %arg25[%swap3A_127, %swap3A_128] {strides = array<i32>} : memref<40x128xf32, #tpu.memory_space<vmem>>, vector<16xf32>,
            tpu.vector_store %arg25[%swap3A_127, %swap3A_128], %broadcast_in_dim3A_0 {strides = array<i32>} : memref<40x128xf32, #tpu.memory_space<vmem>>, vector<16xf32>,
          }
          %scan3A_104 = arith.constant 40 : i32
          "tpu.region"() ({
            %run_scoped3A = tpu.sem_alloc : memref<!tpu.dma_semaphore, #tpu.memory_space<semaphore_mem>>
            %dma_start3A = arith.constant 0 : i32
            %dma_start3A_105 = tpu.memref_slice %arg27[%mul3A_89, %dma_start3A] : memref<10000x128xf32, #tpu.memory_space<vmem_shared>> -> memref<40x128xf32, #tpu.memory_space<vmem_shared>>
            %dma_start3A_106 = arith.constant 0 : i32
            %dma_start3A_107 = tpu.memref_slice %arg27[%mul3A_89, %dma_start3A_106] : memref<10000x128xf32, #tpu.memory_space<vmem_shared>> -> memref<40x128xf32, #tpu.memory_space<vmem_shared>>
            tpu.enqueue_dma source(%arg25 : memref<40x128xf32, #tpu.memory_space<vmem>>) target(%dma_start3A_107 : memref<40x128xf32, #tpu.memory_space<vmem_shared>>) target_semaphore(%run_scoped3A : memref<!tpu.dma_semaphore, #tpu.memory_space<semaphore_mem>>)
            %dma_wait3A = arith.constant 0 : i32
            %dma_wait3A_108 = tpu.memref_slice %arg27[%mul3A_89, %dma_wait3A] : memref<10000x128xf32, #tpu.memory_space<vmem_shared>> -> memref<40x128xf32, #tpu.memory_space<vmem_shared>>
            %dma_wait3A_109 = arith.constant 0 : i32
            %dma_wait3A_110 = tpu.memref_slice %arg27[%mul3A_89, %dma_wait3A_109] : memref<10000x128xf32, #tpu.memory_space<vmem_shared>> -> memref<40x128xf32, #tpu.memory_space<vmem_shared>>
            tpu.wait_dma2 semaphore(%run_scoped3A : memref<!tpu.dma_semaphore, #tpu.memory_space<semaphore_mem>>) src(%arg25 : memref<40x128xf32, #tpu.memory_space<vmem>>) dst(%dma_wait3A_110 : memref<40x128xf32, #tpu.memory_space<vmem_shared>>)
            tpu.yield
          }) : () -> ()
        } else {
        }
      }
      %scan3A_74 = arith.constant 16 : i32
      %scan3A_75 = arith.constant 0 : i32
      %scan3A_76 = arith.constant 0 : i32
      %scan3A_77 = arith.constant 16 : i32
      %scan3A_78 = arith.addi %scan3A_76, %scan3A_77 : i32
      %scan3A_79 = arith.constant 1 : i32
      scf.for %scan3A_82 = %scan3A_76 to %scan3A_78 step %scan3A_79  : i32 {
        %mul3A_83 = arith.constant 16 : i32
        %mul3A_84 = arith.muli %scan3A_82, %mul3A_83 : i32
        %add3A_85 = arith.addi %mul3A_84, %arg1 : i32
        %lt3A = arith.constant 250 : i32
        %lt3A_86 = arith.cmpi slt, %add3A_85, %lt3A : i32
        %convert_element_type3A = arith.extui %lt3A_86 : i1 to i32
        %cond3A = arith.constant 0 : i32
        %cond3A_87 = arith.cmpi ne, %convert_element_type3A, %cond3A : i32
        scf.if %cond3A_87 {
          %mul3A_88 = arith.constant 80 : i32
          %mul3A_89 = arith.muli %add3A_85, %mul3A_88 : i32
          "tpu.region"() ({
            %run_scoped3A = tpu.sem_alloc : memref<!tpu.dma_semaphore, #tpu.memory_space<semaphore_mem>>
            %dma_start3A = tpu.memref_slice %arg28[%mul3A_89] : memref<20000xf32, #tpu.memory_space<vmem_shared>> -> memref<80xf32, #tpu.memory_space<vmem_shared>>
            %dma_start3A_90 = tpu.memref_slice %arg28[%mul3A_89] : memref<20000xf32, #tpu.memory_space<vmem_shared>> -> memref<80xf32, #tpu.memory_space<vmem_shared>>
            tpu.enqueue_dma source(%arg24 : memref<80xf32, #tpu.memory_space<vmem>>) target(%dma_start3A_90 : memref<80xf32, #tpu.memory_space<vmem_shared>>) target_semaphore(%run_scoped3A : memref<!tpu.dma_semaphore, #tpu.memory_space<semaphore_mem>>)
            %dma_wait3A = tpu.memref_slice %arg28[%mul3A_89] : memref<20000xf32, #tpu.memory_space<vmem_shared>> -> memref<80xf32, #tpu.memory_space<vmem_shared>>
            %dma_wait3A_91 = tpu.memref_slice %arg28[%mul3A_89] : memref<20000xf32, #tpu.memory_space<vmem_shared>> -> memref<80xf32, #tpu.memory_space<vmem_shared>>
            tpu.wait_dma2 semaphore(%run_scoped3A : memref<!tpu.dma_semaphore, #tpu.memory_space<semaphore_mem>>) src(%arg24 : memref<80xf32, #tpu.memory_space<vmem>>) dst(%dma_wait3A_91 : memref<80xf32, #tpu.memory_space<vmem_shared>>)
            tpu.yield
          }) : () -> ()
        } else {
        }
      }
      %scan3A_80 = arith.constant 16 : i32
      %barrier3A_81 = arith.constant 0 : index
      tpu.barrier barrier_id(%barrier3A_81)
    }
    %scan3A_47 = arith.constant 2 : i32
    return
  }
}

#map = affine_map<(d0, d1) -> (0, 0)>
#map1 = affine_map<(d0, d1) -> (0)>
module attributes {stable_mosaic.version = 14 : i64} {
  func.func @body(%arg0: i32, %arg1: i32, %arg2: memref<10000x128xf32, #tpu.memory_space<hbm>>, %arg3: memref<40960xi32, #tpu.memory_space<hbm>>, %arg4: memref<40960x128xf32, #tpu.memory_space<hbm>>, %arg5: memref<128xi32, #tpu.memory_space<vmem>>, %arg6: memref<128x128xf32, #tpu.memory_space<vmem>>, %arg7: memref<!tpu.dma_semaphore, #tpu.memory_space<semaphore_mem>>) attributes {dimension_semantics = [#tpu.dimension_semantics<core_parallel>, #tpu.dimension_semantics<subcore_parallel>], iteration_bounds = array<i64: 2, 16>, scalar_prefetch = 0 : i64, scratch_operands = 3 : i64, tpu.core_type = #tpu.core_type<sc_vector_subcore>, window_params = [{transform_indices = #map}, {transform_indices = #map1}, {transform_indices = #map}]} {
    %mul3A = arith.constant 2 : i32
    %mul3A_0 = arith.muli %arg1, %mul3A : i32
    %add3A = arith.addi %mul3A_0, %arg0 : i32
    %scan3A = arith.constant 0 : i32
    %scan3A_1 = arith.constant 0 : i32
    %scan3A_2 = arith.constant 10 : i32
    %scan3A_3 = arith.addi %scan3A_1, %scan3A_2 : i32
    %scan3A_4 = arith.constant 1 : i32
    scf.for %scan3A_6 = %scan3A_1 to %scan3A_3 step %scan3A_4  : i32 {
      %mul3A_7 = arith.constant 1280 : i32
      %mul3A_8 = arith.muli %add3A, %mul3A_7 : i32
      %mul3A_9 = arith.constant 128 : i32
      %mul3A_10 = arith.muli %scan3A_6, %mul3A_9 : i32
      %add3A_11 = arith.addi %mul3A_8, %mul3A_10 : i32
      "tpu.region"() ({
        %run_scoped3A = tpu.sem_alloc : memref<!tpu.dma_semaphore, #tpu.memory_space<semaphore_mem>>
        %dma_start3A_16 = tpu.memref_slice %arg3[%add3A_11] : memref<40960xi32, #tpu.memory_space<hbm>> -> memref<128xi32, #tpu.memory_space<hbm>>
        %dma_start3A_17 = tpu.memref_slice %arg3[%add3A_11] : memref<40960xi32, #tpu.memory_space<hbm>> -> memref<128xi32, #tpu.memory_space<hbm>>
        tpu.enqueue_dma source(%dma_start3A_17 : memref<128xi32, #tpu.memory_space<hbm>>) target(%arg5 : memref<128xi32, #tpu.memory_space<vmem>>) target_semaphore(%run_scoped3A : memref<!tpu.dma_semaphore, #tpu.memory_space<semaphore_mem>>)
        %dma_wait3A_18 = tpu.memref_slice %arg3[%add3A_11] : memref<40960xi32, #tpu.memory_space<hbm>> -> memref<128xi32, #tpu.memory_space<hbm>>
        %dma_wait3A_19 = tpu.memref_slice %arg3[%add3A_11] : memref<40960xi32, #tpu.memory_space<hbm>> -> memref<128xi32, #tpu.memory_space<hbm>>
        tpu.wait_dma2 semaphore(%run_scoped3A : memref<!tpu.dma_semaphore, #tpu.memory_space<semaphore_mem>>) src(%dma_wait3A_19 : memref<128xi32, #tpu.memory_space<hbm>>) dst(%arg5 : memref<128xi32, #tpu.memory_space<vmem>>)
        tpu.yield
      }) : () -> ()
      %dma_start3A = arith.constant 0 : i32
      %dma_start3A_12 = arith.constant 0 : i32
      %dma_start3A_13 = tpu.memref_slice %arg2[%dma_start3A, %dma_start3A_12] : memref<10000x128xf32, #tpu.memory_space<hbm>> -> memref<10000x128xf32, #tpu.memory_space<hbm>>
      tpu.enqueue_indirect_dma source(%dma_start3A_13 : memref<10000x128xf32, #tpu.memory_space<hbm>>) target(%arg6 : memref<128x128xf32, #tpu.memory_space<vmem>>) offsets(%arg5 : memref<128xi32, #tpu.memory_space<vmem>>) semaphore(%arg7 : memref<!tpu.dma_semaphore, #tpu.memory_space<semaphore_mem>>)
      %dma_wait3A = arith.constant 0 : i32
      %dma_wait3A_14 = arith.constant 0 : i32
      %dma_wait3A_15 = tpu.memref_slice %arg2[%dma_wait3A, %dma_wait3A_14] : memref<10000x128xf32, #tpu.memory_space<hbm>> -> memref<10000x128xf32, #tpu.memory_space<hbm>>
      tpu.wait_indirect_dma semaphore(%arg7 : memref<!tpu.dma_semaphore, #tpu.memory_space<semaphore_mem>>) src(%dma_wait3A_15 : memref<10000x128xf32, #tpu.memory_space<hbm>>) dst(%arg6 : memref<128x128xf32, #tpu.memory_space<vmem>>)
      "tpu.region"() ({
        %run_scoped3A = tpu.sem_alloc : memref<!tpu.dma_semaphore, #tpu.memory_space<semaphore_mem>>
        %dma_start3A_16 = arith.constant 0 : i32
        %dma_start3A_17 = tpu.memref_slice %arg4[%add3A_11, %dma_start3A_16] : memref<40960x128xf32, #tpu.memory_space<hbm>> -> memref<128x128xf32, #tpu.memory_space<hbm>>
        %dma_start3A_18 = arith.constant 0 : i32
        %dma_start3A_19 = tpu.memref_slice %arg4[%add3A_11, %dma_start3A_18] : memref<40960x128xf32, #tpu.memory_space<hbm>> -> memref<128x128xf32, #tpu.memory_space<hbm>>
        tpu.enqueue_dma source(%arg6 : memref<128x128xf32, #tpu.memory_space<vmem>>) target(%dma_start3A_19 : memref<128x128xf32, #tpu.memory_space<hbm>>) target_semaphore(%run_scoped3A : memref<!tpu.dma_semaphore, #tpu.memory_space<semaphore_mem>>)
        %dma_wait3A_20 = arith.constant 0 : i32
        %dma_wait3A_21 = tpu.memref_slice %arg4[%add3A_11, %dma_wait3A_20] : memref<40960x128xf32, #tpu.memory_space<hbm>> -> memref<128x128xf32, #tpu.memory_space<hbm>>
        %dma_wait3A_22 = arith.constant 0 : i32
        %dma_wait3A_23 = tpu.memref_slice %arg4[%add3A_11, %dma_wait3A_22] : memref<40960x128xf32, #tpu.memory_space<hbm>> -> memref<128x128xf32, #tpu.memory_space<hbm>>
        tpu.wait_dma2 semaphore(%run_scoped3A : memref<!tpu.dma_semaphore, #tpu.memory_space<semaphore_mem>>) src(%arg6 : memref<128x128xf32, #tpu.memory_space<vmem>>) dst(%dma_wait3A_23 : memref<128x128xf32, #tpu.memory_space<hbm>>)
        tpu.yield
      }) : () -> ()
    }
    %scan3A_5 = arith.constant 10 : i32
    return
  }
}

module attributes {stable_mosaic.version = 14 : i64} {
  func.func @body(%arg0: i32, %arg1: memref<128x128xf32, #tpu.memory_space<vmem>>, %arg2: memref<128x128xf32, #tpu.memory_space<vmem>>, %arg3: memref<8x128xf32, #tpu.memory_space<vmem>>, %arg4: memref<128x128xf32, #tpu.memory_space<vmem>>, %arg5: memref<8x128xf32, #tpu.memory_space<vmem>>) attributes {dimension_semantics = [#tpu.dimension_semantics<arbitrary>], iteration_bounds = array<i64: 320>, scalar_prefetch = 0 : i64, scratch_operands = 0 : i64, tpu.core_type = #tpu.core_type<tc>, window_params = [{transform_indices = @transform_0, window_bounds = array<i64: 128, 128>}, {pipeline_mode = #tpu.pipeline_mode<synchronous>, transform_indices = @transform_1, window_bounds = array<i64: 128, 128>}, {pipeline_mode = #tpu.pipeline_mode<synchronous>, transform_indices = @transform_2, window_bounds = array<i64: 8, 128>}, {transform_indices = @transform_3, window_bounds = array<i64: 128, 128>}, {transform_indices = @transform_4, window_bounds = array<i64: 8, 128>}]} {
    %get3A = arith.constant 0 : index
    %get3A_0 = arith.constant 0 : index
    %get3A_1 = vector.load %arg1[%get3A, %get3A_0] : memref<128x128xf32, #tpu.memory_space<vmem>>, vector<128x128xf32>
    %get3A_2 = arith.constant 0 : index
    %get3A_3 = arith.constant 0 : index
    %get3A_4 = vector.load %arg2[%get3A_2, %get3A_3] : memref<128x128xf32, #tpu.memory_space<vmem>>, vector<128x128xf32>
    %dot_general3A = arith.constant dense<0.000000e+00> : vector<128x128xf32>
    %dot_general3A_5 = tpu.matmul %get3A_1, %get3A_4, %dot_general3A {dimension_numbers = #tpu.dot_dimension_numbers<[1], [0], [0], [1], [0, 0, 1, 1], [], []>, transpose_lhs_hint = false} : vector<128x128xf32>, vector<128x128xf32>, vector<128x128xf32> -> vector<128x128xf32>
    %swap3A = arith.constant 0 : index
    %swap3A_6 = arith.constant 0 : index
    %swap3A_7 = vector.load %arg4[%swap3A, %swap3A_6] : memref<128x128xf32, #tpu.memory_space<vmem>>, vector<128x128xf32>
    tpu.vector_store %arg4[%swap3A, %swap3A_6], %dot_general3A_5 {strides = array<i32>} : memref<128x128xf32, #tpu.memory_space<vmem>>, vector<128x128xf32>,
    %get3A_8 = arith.constant 0 : index
    %get3A_9 = arith.constant 0 : index
    %get3A_10 = vector.load %arg3[%get3A_8, %get3A_9] : memref<8x128xf32, #tpu.memory_space<vmem>>, vector<8x128xf32>
    %dot_general3A_11 = arith.constant dense<0.000000e+00> : vector<8x128xf32>
    %dot_general3A_12 = tpu.matmul %get3A_10, %dot_general3A_5, %dot_general3A_11 {dimension_numbers = #tpu.dot_dimension_numbers<[1], [1], [0], [0], [0, 0, 1, 0], [], []>, transpose_lhs_hint = false} : vector<8x128xf32>, vector<128x128xf32>, vector<8x128xf32> -> vector<8x128xf32>
    %swap3A_13 = arith.constant 0 : index
    %swap3A_14 = arith.constant 0 : index
    %swap3A_15 = vector.load %arg5[%swap3A_13, %swap3A_14] : memref<8x128xf32, #tpu.memory_space<vmem>>, vector<8x128xf32>
    tpu.vector_store %arg5[%swap3A_13, %swap3A_14], %dot_general3A_12 {strides = array<i32>} : memref<8x128xf32, #tpu.memory_space<vmem>>, vector<8x128xf32>,
    return
  }
  func.func @transform_0(%arg0: i32) -> (i32, i32) {
    %c0_i32 = arith.constant 0 : i32
    %c0_i32_0 = arith.constant 0 : i32
    return %arg0, %c0_i32 : i32, i32
  }
  func.func @transform_1(%arg0: i32) -> (i32, i32) {
    %c0_i32 = arith.constant 0 : i32
    %c0_i32_0 = arith.constant 0 : i32
    %c0_i32_1 = arith.constant 0 : i32
    return %c0_i32, %c0_i32_0 : i32, i32
  }
  func.func @transform_2(%arg0: i32) -> (i32, i32) {
    %c0_i32 = arith.constant 0 : i32
    %c0_i32_0 = arith.constant 0 : i32
    %c0_i32_1 = arith.constant 0 : i32
    return %c0_i32, %c0_i32_0 : i32, i32
  }
  func.func @transform_3(%arg0: i32) -> (i32, i32) {
    %c0_i32 = arith.constant 0 : i32
    %c0_i32_0 = arith.constant 0 : i32
    return %arg0, %c0_i32 : i32, i32
  }
  func.func @transform_4(%arg0: i32) -> (i32, i32) {
    %c0_i32 = arith.constant 0 : i32
    %c0_i32_0 = arith.constant 0 : i32
    return %c0_i32, %arg0 : i32, i32
  }
}

</mosaic_0001>

<sc_bundles>
// kernel: kernel.5.cloned.1.call-start
scs
__scs_entry_jumppad:
0x0: {  	(pc) =	sbr.rel $0x88, $3  }
0x1: {  	(tag) =	ssettag $0x0;
	lr =	simm.s32 $0x1  }
0x2: {  	[smem:$0x3F9A] =	sst lr;
	_ =	strace $0xD0000000  }
0x3: {  	_ = 	snop  }
0x4: {  	_ = 	snop  }
0x5: {  	_ = 	snop  }
0x6: {  	_ = 	snop  }
0x7: {  	_ = 	snop  }
__scs_overlays_trampoline_lowered:
0x8: {  	[smem:$0x3FA9] =	sst s0  }
0x9: {  	[smem:$0x3FAA] =	sst s1  }
0xa: {  	[smem:$0x3FAB] =	sst s2  }
0xb: {  	[smem:$0x3FAC] =	sst s3  }
0xc: {  	[smem:$0x3FAD] =	sst s4  }
0xd: {  	[smem:$0x3FAE] =	sst s5  }
0xe: {  	[smem:$0x3FAF] =	sst s6  }
0xf: {  	[smem:$0x3FB0] =	sst s7  }
0x10: {  	[smem:$0x3FB1] =	sst s8  }
0x11: {  	[smem:$0x3FB2] =	sst s9;
	s0 =	simm.s32 @!p0 $0x0  }
0x12: {  	s1 =	sld [smem:$0x3F98];
	s0 =	simm.s32 @p0 $0x1  }
0x13: {  	[smem:$0x3FB3] =	sst s0;
	s0 =	simm.s32 @!p1 $0x0  }
0x14: {  	s2 =	sld [smem:$0x3F97];
	s0 =	simm.s32 @p1 $0x1  }
0x15: {  	[smem:$0x3FB4] =	sst s0;
	s0 =	simm.s32 @!p2 $0x0  }
0x16: {  	s3 =	sld [smem:$0x3FDB];
	s0 =	simm.s32 @p2 $0x1  }
0x17: {  	s4 =	simm.s32 $0x1BF5;
	[smem:$0x3FB6] =	sst s0  }
0x18: {  	s0 =	sld [smem:$0x3F99];
	_ =	swait.ge [sflag:s4], $0x0  }
0x19: {  	s7 =	sld [smem:$0x3F9A]  }
0x1a: {  	s8 =	sadd.s32 $0xFFFFE003, lr  }
0x1b: {  	s9 =	sadd.s32 $0xFFFFFEF7, lr;
	s5 =	simm.s32 $0xFFFFFFFF;
	p2 =	slt.u32 s8, $0xFFFFF086  }
0x1c: {  	p1 =	slt.u32 s9, $0xF7A;
	s5 =	simm.s32 @!p2 $0x0  }
0x1d: {  	s5 =	simm.s32 @p1 $0x1;
	p0 =	seq.s32 s7, s2  }
0x1e: {  	s7 =	smul.u32 @!p0 $0xF7A, s2;
	p2 =	seq.s32 @!p0 s5, $0x0  }
0x1f: {  	s9 =	smul.u32 $0xF7A, s1;
	s8 =	simm.s32 @!p0 $0x1BF5;
	p2 =	por !p2, p0  }
0x20: {  	[sflag:s8] =	ssyncset.s32 @!p0 $0xFFFFF086;
	s6 =	sadd.s32 @!p0 s3, s7;
	s7 =	simm.s32 @!p0 $0x108  }
0x21: {  	s3 =	sadd.s32 s3, s9;
	s6 =	sadd.s32 @!p0 $0x88, s6;
	s7 =	simm.s32 @p2 $0x1082  }
0x22: {  	[simem:s7], [sflag:s8] =	dma.local @!p0 [hbm:s6], $0xF7A  }
0x23: {  	s9 =	sor.u32 $0xD0000000, s2;
	s6 =	simm.s32 $0x108;
	_ =	swait.ge @!p0 [sflag:s8], $0x0  }
0x24: {  	s3 =	sadd.s32 $0x88, s3;
	s6 =	simm.s32 @!p1 $0x1082;
	[sflag:s4] =	ssyncset.s32 $0xFFFFF086  }
0x25: {  	[simem:s6], [sflag:s4] =	dma.local [hbm:s3], $0xF7A  }
0x26: {  	[smem:$0x3F9A] =	sst s1;
	(tag) =	ssettag s2;
	_ =	strace s9  }
0x27: {  	s1 =	sld [smem:$0x3FAA]  }
0x28: {  	s2 =	sld [smem:$0x3FAB]  }
0x29: {  	s4 =	sld [smem:$0x3FAD]  }
0x2a: {  	p0 =	seq.s32 s5, $0x0;
	s5 =	sld [smem:$0x3FAE]  }
0x2b: {  	s6 =	sld [smem:$0x3FAF]  }
0x2c: {  	s7 =	sld [smem:$0x3FB0]  }
0x2d: {  	s3 =	simm.s32 $0x108;
	s8 =	sld [smem:$0x3FB1]  }
0x2e: {  	s3 =	simm.s32 @!p0 $0x1082;
	s9 =	sld [smem:$0x3FB2]  }
0x2f: {  	lr =	sadd.s32 s0, s3;
	s0 =	sld [smem:$0x3FA9]  }
0x30: {  	s3 =	sld [smem:$0x3FAC]  }
0x31: {  	[smem:$0x3FB5] =	sst s10  }
0x32: {  	s10 =	sld [smem:$0x3FB3];
	_ =	sdelay $0x3  }
0x33: {  	p0 =	seq.s32 s10, $0x1;
	s10 =	sld [smem:$0x3FB5];
	_ =	sdelay $0x3  }
0x34: {  	[smem:$0x3FB5] =	sst s10  }
0x35: {  	s10 =	sld [smem:$0x3FB4];
	_ =	sdelay $0x3  }
0x36: {  	p1 =	seq.s32 s10, $0x1;
	s10 =	sld [smem:$0x3FB5];
	_ =	sdelay $0x3  }
0x37: {  	[smem:$0x3FB5] =	sst s10  }
0x38: {  	s10 =	sld [smem:$0x3FB6]  }
0x39: {  	_ = 	snop;
	(pc) =	sbr.ind lr, $3  }
0x3a: {  	_ = 	snop  }
0x3b: {  	_ = 	snop  }
0x3c: {  	p2 =	seq.s32 s10, $0x1;
	s10 =	sld [smem:$0x3FB5]  }
0x3d: {  	_ =	shalt  }
0x3e: {  	_ =	shalt  }
0x3f: {  	_ =	shalt  }
0x40: {  	_ =	shalt  }
0x41: {  	_ =	shalt  }
0x42: {  	_ =	shalt  }
0x43: {  	_ =	shalt  }
0x44: {  	_ =	shalt  }
0x45: {  	_ =	shalt  }
0x46: {  	_ =	shalt  }
0x47: {  	_ =	shalt  }
0x48: {  	_ =	shalt  }
0x49: {  	_ =	shalt  }
0x4a: {  	_ =	shalt  }
0x4b: {  	_ =	shalt  }
0x4c: {  	_ =	shalt  }
0x4d: {  	_ =	shalt  }
0x4e: {  	_ =	shalt  }
0x4f: {  	_ =	shalt  }
0x50: {  	_ =	shalt  }
0x51: {  	_ =	shalt  }
0x52: {  	_ =	shalt  }
0x53: {  	_ =	shalt  }
0x54: {  	_ =	shalt  }
0x55: {  	_ =	shalt  }
0x56: {  	_ =	shalt  }
0x57: {  	_ =	shalt  }
0x58: {  	_ =	shalt  }
0x59: {  	_ =	shalt  }
0x5a: {  	_ =	shalt  }
0x5b: {  	_ =	shalt  }
0x5c: {  	_ =	shalt  }
0x5d: {  	_ =	shalt  }
0x5e: {  	_ =	shalt  }
0x5f: {  	_ =	shalt  }
0x60: {  	_ =	shalt  }
0x61: {  	_ =	shalt  }
0x62: {  	_ =	shalt  }
0x63: {  	_ =	shalt  }
0x64: {  	_ =	shalt  }
0x65: {  	_ =	shalt  }
0x66: {  	_ =	shalt  }
0x67: {  	_ =	shalt  }
0x68: {  	_ =	shalt  }
0x69: {  	_ =	shalt  }
0x6a: {  	_ =	shalt  }
0x6b: {  	_ =	shalt  }
0x6c: {  	_ =	shalt  }
0x6d: {  	_ =	shalt  }
0x6e: {  	_ =	shalt  }
0x6f: {  	_ =	shalt  }
0x70: {  	_ =	shalt  }
0x71: {  	_ =	shalt  }
0x72: {  	_ =	shalt  }
0x73: {  	_ =	shalt  }
0x74: {  	_ =	shalt  }
0x75: {  	_ =	shalt  }
0x76: {  	_ =	shalt  }
0x77: {  	_ =	shalt  }
0x78: {  	_ =	shalt  }
0x79: {  	_ =	shalt  }
0x7a: {  	_ =	shalt  }
0x7b: {  	_ =	shalt  }
0x7c: {  	_ =	shalt  }
0x7d: {  	_ =	shalt  }
0x7e: {  	_ =	shalt  }
0x7f: {  	_ =	shalt  }
0x80: {  	_ =	shalt  }
0x81: {  	_ =	shalt  }
0x82: {  	_ =	shalt  }
0x83: {  	_ =	shalt  }
0x84: {  	_ =	shalt  }
0x85: {  	_ =	shalt  }
0x86: {  	_ =	shalt  }
0x87: {  	_ =	shalt  }
.Lfunc_end0:
.L_simem_size_0:
called_computation_lowered:
.L_overlay_start_0:
0x88: {  	s2 =	sld [smem:$0x3FD9]  }
0x89: {  	s3 =	sld [smem:$0x3FFE];
	_ =	sdelay $0x1  }
0x8a: {  	s1 =	srdreg.scid  }
0x8b: {  	s0 =	sand.u32 $0x1, s1  }
0x8c: {  	s17 =	sshll.u32 s0, $0xA;
	s2 =	sadd.s32 s3, s2  }
0x8d: {  	s2 =	sadd.s32 s2, s17  }
0x8e: {  	[smem:$0x3FC1] =	sst s2  }
0x8f: {  	_ = 	snop  }
0x90: {  	s2 =	sld [smem:$0x3FD0];
	(tm) =	ssettm $0x1  }
0x91: {  	s18 =	sld [smem:$0x3FFB];
	_ =	sdelay $0x3  }
0x92: {  	_ =	strace s18  }
0x93: {  	s3 =	sld [smem:$0x3FFC];
	_ =	sdelay $0x3  }
0x94: {  	_ =	strace s3  }
0x95: {  	s3 =	sld [smem:$0x3FFD];
	_ =	sdelay $0x3  }
0x96: {  	_ =	strace s3  }
0x97: {  	_ =	strace $0x8FFFFFFF  }
0x98: {  	s19 =	sld [smem:$0x3FDB];
	_ =	sdelay $0x1  }
0x99: {  	s4 =	simm.s32 $_scs_section_size  }
0x9a: {  	s5 =	simm.s32 $_size__tile_overlayer_lowered;
	s6 =	simm.s32 $_tile_overlayer_lowered  }
0x9b: {  	s22 =	simm.s32 $0x1BFF;
	s21 =	sshll.u32 s6, $0x1;
	s3 =	sadd.s32 s4, s19  }
0x9c: {  	s7 =	simm.s32 $0x0;
	s20 =	sshll.u32 s5, $0x1;
	s5 =	sadd.s32 s21, s3  }
0x9d: {  	[timem:s7], [sflag:s22] =	dma.local [hbm:s5], s20  }
0x9e: {  	_ =	swait.ge [sflag:s22], s20  }
0x9f: {  	s4 =	ssub.s32 $0x0, s20;
	[sflag:s22] =	ssyncset.done $0x0  }
0xa0: {  	[sflag:s22] =	ssyncadd.s32 s4;
	_ =	sdelay $0x1  }
0xa1: {  	s23 =	simm.s32 $0x1B8B  }
0xa2: {  	_ =	swait.ge [sflag:s23], $0x1  }
0xa3: {  	[sflag:s23] =	ssyncset.done $0x0  }
0xa4: {  	s25 =	simm.s32 $0x1B8E;
	s24 =	sld [smem:$0x3FFE];
	[sflag:s23] =	ssyncadd.s32 $0xFFFFFFFF  }
0xa5: {  	s26 =	simm.s32 $execute0_lowered;
	[smem:$0x3FD2] =	sst s25  }
0xa6: {  	s5 =	sshll.u32 s26, $0x1;
	_ =	strace $0x80000046;
	[dreg:$0x1] =	wrdreg $0xFFFFFFFF  }
0xa7: {  	s28 =	simm.s32 $_size_execute0_lowered;
	s3 =	sadd.s32 s3, s5;
	[dreg:$0x0] =	wrdreg $0x0  }
0xa8: {  	s5 =	sshll.u32 s28, $0x1;
	[dreg:$0x2] =	wrdreg s3  }
0xa9: {  	[dreg:$0x3] =	wrdreg s5  }
0xaa: {  	[dreg:$0x4] =	wrdreg $0xC0  }
0xab: {  	_ =	task [dreg:s7], $0x5FFFF  }
0xac: {  	[dreg:$0x1] =	wrdreg $0xFFFFFFFF  }
0xad: {  	[dreg:$0x0] =	wrdreg $0x60  }
0xae: {  	[dreg:$0x2] =	wrdreg s2  }
0xaf: {  	[dreg:$0x3] =	wrdreg s24  }
0xb0: {  	[dreg:$0x4] =	wrdreg $0x9  }
0xb1: {  	_ =	task.clear_ibuf [dreg:s7], $0x5FFFF;
	_ =	strace $0x90000046  }
0xb2: {  	s29 =	simm.s32 $0x9;
	_ =	strace $0x80000048  }
0xb3: {  	_ =	swait.ge [sflag:s29], $0x1  }
0xb4: {  	[sflag:s29] =	ssyncadd.s32 $0xFFFFFFFF  }
0xb5: {  	_ =	strace $0x90000048  }
0xb6: {  	_ =	sfence  }
0xb7: {  	s30 =	sld [smem:$0x0];
	_ =	sdelay $0x2  }
0xb8: {  	s31 =	sshll.u32 s1, $0xD;
	s1 =	sshrl.u32 s1, $0x2  }
0xb9: {  	s3 =	sand.u32 $0x4000, s31;
	s1 =	sadd.s32 s1, s30  }
0xba: {  	s0 =	sor.u32 s3, s0;
	s1 =	sshll.u32 s1, $0x11  }
0xbb: {  	s0 =	sor.u32 s1, s0  }
0xbc: {  	s0 =	sadd.s32 $0x8F2B, s0  }
0xbd: {  	[sflag:s0] =	ssyncadd.remote.s32 $0x1  }
0xbe: {  	_ =	sfence.sel $0xFFFF  }
0xbf: {  	[dreg:$0x0] =	wrdreg $0xFFFFFFFF;
	(pc) =	sbr.abs _section_cstart, $3  }
0xc0: {  	[dreg:$0x1] =	wrdreg $0xFFFFFFFF  }
0xc1: {  	_ =	task.clear_ibuf [dreg:s7], $0x2FFFF;
	_ =	strace $0x9FFFFFFF  }
0xc2: {  	(tm) =	ssettm $0x7FFFFFFF  }
0xc3: {  	_ =	shalt  }
tec
execute0_lowered:
.L_overlay_start_1:
0x0: {  	(tag) =	ssettag $0x1  }
0x1: {  	s2 =	rddreg [dreg:$0x0]  }
0x2: {  	s4 =	rddreg [dreg:$0x1]  }
0x3: {  	s0 =	rddreg [dreg:$0x2];
	s1 =	stileid.u32  }
0x4: {  	s5 =	srdreg.scid;
	s3 =	simm.s32 $0x0;
	s6 =	smul.u32 $0xA00, s1  }
0x5: {  	s10 =	simm.s32 $0x0;
	s5 =	sand.u32 $0x1, s5;
	s8 =	smul.u32 $0xA000, s1  }
0x6: {  	[smem:$0x7FF] =	sst s3;
	s7 =	smul.u32 $0x500, s5;
	s9 =	ssub.s32 $0x2, s5  }
0x7: {  	_ =	strace $0x80000047;
	s5 =	smul.u32 $0x5000, s5;
	s31 =	sshrl.u32 s9, $0x1  }
0x8: {  	s8 =	sadd.s32 s8, s4;
	s6 =	sadd.s32 s7, s6;
	s7 =	ssub.s32 s9, s31  }
0x9: {  	s5 =	sadd.s32 s5, s8;
	s8 =	simm.s32 $0x80;
	s6 =	sshrl.u32 s6, $0x3  }
0xa: {  	s9 =	simm.s32 $0x1;
	s5 =	sadd.s32 $0x2600, s5;
	s6 =	sadd.s32 s6, s4  }
0xb: {  	s4 =	smax.u32 s7, $0x1;
	s7 =	simm.s32 $0x2;
	s6 =	sadd.s32 $0x1200, s6  }
.LBB2_1:
0xc: {  	s11 =	sadd.s32 $0x0, s6  }
0xd: {  	[tilespmem:s3], [sflag:$0x2] =	stream.linear.gather [hbm4b:s11+s3], $0x80, $0x38;
	[tilespmem:$0x4080] =	vst v63  }
0xe: {  	_ =	swait.ge [sflag:s7], $0x80  }
0xf: {  	[sflag:s7] =	ssyncset.done $0x0  }
0x10: {  	[sflag:s7] =	ssyncadd.s32 $0xFFFFFF80  }
0x11: {  	[tilespmem:s8], [sflag:$0x1] =	stream.indirect.gather [hbm4b:s2+s8], $0x80, s3, s8, $0xb8;
	[tilespmem:$0x4080] =	vst v63  }
0x12: {  	_ =	swait.ge [sflag:s9], $0x4000  }
0x13: {  	[sflag:s9] =	ssyncset.done $0x0  }
0x14: {  	[sflag:s9] =	ssyncadd.s32 $0xFFFFC000  }
0x15: {  	[hbm4b:s5+s3] =	stream.linear.scatter [tilespmem:s8], [sflag:$0x2], $0x4000, $0x38;
	[tilespmem:$0x4080] =	vst v63  }
0x16: {  	s12 =	simm.s32 $0x10;
	_ =	swait.ge [sflag:s7], $0x4000  }
0x17: {  	s13 =	simm.s32 $0x20;
	s11 =	sadd.s32 $0x800, s5;
	[sflag:s7] =	ssyncset.done $0x0  }
.LBB2_2:
0x18: {  	s14 =	sadd.s32 s12, s6  }
0x19: {  	[sflag:s7] =	ssyncadd.s32 $0xFFFFC000;
	s12 =	smov.u32 s13;
	s15 =	sadd.s32 $0x10, s13  }
0x1a: {  	[tilespmem:s3], [sflag:$0x2] =	stream.linear.gather [hbm4b:s14+s3], $0x80, $0x38;
	[tilespmem:$0x4080] =	vst v63  }
0x1b: {  	p0 =	sne.s32 s13, $0x90;
	_ =	swait.ge [sflag:s7], $0x80  }
0x1c: {  	[sflag:s7] =	ssyncset.done $0x0  }
0x1d: {  	[sflag:s7] =	ssyncadd.s32 $0xFFFFFF80  }
0x1e: {  	[tilespmem:s8], [sflag:$0x1] =	stream.indirect.gather [hbm4b:s2+s8], $0x80, s3, s8, $0xb8;
	[tilespmem:$0x4080] =	vst v63  }
0x1f: {  	_ =	swait.ge [sflag:s9], $0x4000  }
.Ltmp0:
0x20: {  	[sflag:s9] =	ssyncset.done $0x0;
	(pc) =	sbr.rel @p0 .LBB2_2-.Ltmp0, $4  }
0x21: {  	[sflag:s9] =	ssyncadd.s32 $0xFFFFC000  }
0x22: {  	[hbm4b:s11+s3] =	stream.linear.scatter [tilespmem:s8], [sflag:$0x2], $0x4000, $0x38;
	[tilespmem:$0x4080] =	vst v63  }
0x23: {  	_ =	swait.ge [sflag:s7], $0x4000  }
0x24: {  	s13 =	smov.u32 s15;
	s11 =	sadd.s32 $0x800, s11;
	[sflag:s7] =	ssyncset.done $0x0  }
0x25: {  	s12 =	sadd.s32 s12, s6;
	[sflag:s7] =	ssyncadd.s32 $0xFFFFC000  }
0x26: {  	[tilespmem:s3], [sflag:$0x2] =	stream.linear.gather [hbm4b:s12+s3], $0x80, $0x38;
	[tilespmem:$0x4080] =	vst v63  }
0x27: {  	_ =	swait.ge [sflag:s7], $0x80  }
0x28: {  	[sflag:s7] =	ssyncset.done $0x0  }
0x29: {  	[sflag:s7] =	ssyncadd.s32 $0xFFFFFF80  }
0x2a: {  	[tilespmem:s8], [sflag:$0x1] =	stream.indirect.gather [hbm4b:s2+s8], $0x80, s3, s8, $0xb8;
	[tilespmem:$0x4080] =	vst v63  }
0x2b: {  	s10 =	sadd.s32 $0x1, s10;
	_ =	swait.ge [sflag:s9], $0x4000  }
0x2c: {  	p0 =	sne.s32 s10, s4;
	[sflag:s9] =	ssyncset.done $0x0  }
.Ltmp1:
0x2d: {  	[sflag:s9] =	ssyncadd.s32 $0xFFFFC000;
	(pc) =	sbr.rel @p0 .LBB2_1-.Ltmp1, $4  }
0x2e: {  	[hbm4b:s11+s3] =	stream.linear.scatter [tilespmem:s8], [sflag:$0x2], $0x4000, $0x38;
	[tilespmem:$0x4080] =	vst v63  }
0x2f: {  	_ =	swait.ge [sflag:s7], $0x4000  }
0x30: {  	[sflag:s7] =	ssyncset.done $0x0  }
0x31: {  	[sflag:s7] =	ssyncadd.s32 $0xFFFFC000  }
0x32: {  	_ =	sfence.sel $0x180000  }
0x33: {  	[bflag:$0x0] =	sbarrier.arrive $0xFFFF  }
0x34: {  	p0 =	sne.s32 s1, $0x0;
	_ =	strace $0x90000047  }
0x35: {  	s0 =	sadd.s32 @!p0 $0x100000, s0;
	[bflag:$0x2] =	sbarrier.arrive $0xFFFF  }
0x36: {  	[sflag:s0] =	ssyncadd.tile.s32 @!p0 $0x1;
	_ =	shalt  }
.Lfunc_end2:
_tile_overlayer_lowered:
.L_overlay_start_2:
0x37: {  	(tag) =	ssettag $0x2  }
0x38: {  	s0 =	rddreg [dreg:$0x0];
	s2 =	stileid.u32  }
0x39: {  	s1 =	rddreg [dreg:$0x1];
	p0 =	sne.s32 s2, $0x0  }
0x3a: {  	s3 =	rddreg [dreg:$0x2];
	[bflag:$0x3] =	sbarrier.arrive $0xFFFF;
	s2 =	simm.s32 @!p0 $0x1C02  }
0x3b: {  	[timem:s3], [sflag:s2] =	dma.local @!p0 [hbm:s0], s1  }
0x3c: {  	s0 =	simm.s32 @!p0 $0x2  }
0x3d: {  	_ =	swait.ge @!p0 [sflag:s0], s1  }
0x3e: {  	s1 =	ssub.s32 @!p0 $0x0, s1;
	[sflag:s0] =	ssyncset.done @!p0 $0x0  }
0x3f: {  	[sflag:s0] =	ssyncadd.s32 @!p0 s1  }
0x40: {  	[bflag:$0x3] =	sbarrier.arrive $0xFFFF  }
0x41: {  	_ =	shalt  }

// kernel: kernel.8.cloned.1.call-start
scs
__scs_entry_jumppad:
0x0: {  	(pc) =	sbr.rel $0x88, $3  }
0x1: {  	(tag) =	ssettag $0x0;
	lr =	simm.s32 $0x1  }
0x2: {  	[smem:$0x3F9A] =	sst lr;
	_ =	strace $0xD0000000  }
0x3: {  	_ = 	snop  }
0x4: {  	_ = 	snop  }
0x5: {  	_ = 	snop  }
0x6: {  	_ = 	snop  }
0x7: {  	_ = 	snop  }
__scs_overlays_trampoline_lowered:
0x8: {  	[smem:$0x3FA9] =	sst s0  }
0x9: {  	[smem:$0x3FAA] =	sst s1  }
0xa: {  	[smem:$0x3FAB] =	sst s2  }
0xb: {  	[smem:$0x3FAC] =	sst s3  }
0xc: {  	[smem:$0x3FAD] =	sst s4  }
0xd: {  	[smem:$0x3FAE] =	sst s5  }
0xe: {  	[smem:$0x3FAF] =	sst s6  }
0xf: {  	[smem:$0x3FB0] =	sst s7  }
0x10: {  	[smem:$0x3FB1] =	sst s8  }
0x11: {  	[smem:$0x3FB2] =	sst s9;
	s0 =	simm.s32 @!p0 $0x0  }
0x12: {  	s1 =	sld [smem:$0x3F98];
	s0 =	simm.s32 @p0 $0x1  }
0x13: {  	[smem:$0x3FB3] =	sst s0;
	s0 =	simm.s32 @!p1 $0x0  }
0x14: {  	s2 =	sld [smem:$0x3F97];
	s0 =	simm.s32 @p1 $0x1  }
0x15: {  	[smem:$0x3FB4] =	sst s0;
	s0 =	simm.s32 @!p2 $0x0  }
0x16: {  	s3 =	sld [smem:$0x3FDB];
	s0 =	simm.s32 @p2 $0x1  }
0x17: {  	s4 =	simm.s32 $0x1BF5;
	[smem:$0x3FB6] =	sst s0  }
0x18: {  	s0 =	sld [smem:$0x3F99];
	_ =	swait.ge [sflag:s4], $0x0  }
0x19: {  	s7 =	sld [smem:$0x3F9A]  }
0x1a: {  	s8 =	sadd.s32 $0xFFFFE003, lr  }
0x1b: {  	s9 =	sadd.s32 $0xFFFFFEF7, lr;
	s5 =	simm.s32 $0xFFFFFFFF;
	p2 =	slt.u32 s8, $0xFFFFF086  }
0x1c: {  	p1 =	slt.u32 s9, $0xF7A;
	s5 =	simm.s32 @!p2 $0x0  }
0x1d: {  	s5 =	simm.s32 @p1 $0x1;
	p0 =	seq.s32 s7, s2  }
0x1e: {  	s7 =	smul.u32 @!p0 $0xF7A, s2;
	p2 =	seq.s32 @!p0 s5, $0x0  }
0x1f: {  	s9 =	smul.u32 $0xF7A, s1;
	s8 =	simm.s32 @!p0 $0x1BF5;
	p2 =	por !p2, p0  }
0x20: {  	[sflag:s8] =	ssyncset.s32 @!p0 $0xFFFFF086;
	s6 =	sadd.s32 @!p0 s3, s7;
	s7 =	simm.s32 @!p0 $0x108  }
0x21: {  	s3 =	sadd.s32 s3, s9;
	s6 =	sadd.s32 @!p0 $0x88, s6;
	s7 =	simm.s32 @p2 $0x1082  }
0x22: {  	[simem:s7], [sflag:s8] =	dma.local @!p0 [hbm:s6], $0xF7A  }
0x23: {  	s9 =	sor.u32 $0xD0000000, s2;
	s6 =	simm.s32 $0x108;
	_ =	swait.ge @!p0 [sflag:s8], $0x0  }
0x24: {  	s3 =	sadd.s32 $0x88, s3;
	s6 =	simm.s32 @!p1 $0x1082;
	[sflag:s4] =	ssyncset.s32 $0xFFFFF086  }
0x25: {  	[simem:s6], [sflag:s4] =	dma.local [hbm:s3], $0xF7A  }
0x26: {  	[smem:$0x3F9A] =	sst s1;
	(tag) =	ssettag s2;
	_ =	strace s9  }
0x27: {  	s1 =	sld [smem:$0x3FAA]  }
0x28: {  	s2 =	sld [smem:$0x3FAB]  }
0x29: {  	s4 =	sld [smem:$0x3FAD]  }
0x2a: {  	p0 =	seq.s32 s5, $0x0;
	s5 =	sld [smem:$0x3FAE]  }
0x2b: {  	s6 =	sld [smem:$0x3FAF]  }
0x2c: {  	s7 =	sld [smem:$0x3FB0]  }
0x2d: {  	s3 =	simm.s32 $0x108;
	s8 =	sld [smem:$0x3FB1]  }
0x2e: {  	s3 =	simm.s32 @!p0 $0x1082;
	s9 =	sld [smem:$0x3FB2]  }
0x2f: {  	lr =	sadd.s32 s0, s3;
	s0 =	sld [smem:$0x3FA9]  }
0x30: {  	s3 =	sld [smem:$0x3FAC]  }
0x31: {  	[smem:$0x3FB5] =	sst s10  }
0x32: {  	s10 =	sld [smem:$0x3FB3];
	_ =	sdelay $0x3  }
0x33: {  	p0 =	seq.s32 s10, $0x1;
	s10 =	sld [smem:$0x3FB5];
	_ =	sdelay $0x3  }
0x34: {  	[smem:$0x3FB5] =	sst s10  }
0x35: {  	s10 =	sld [smem:$0x3FB4];
	_ =	sdelay $0x3  }
0x36: {  	p1 =	seq.s32 s10, $0x1;
	s10 =	sld [smem:$0x3FB5];
	_ =	sdelay $0x3  }
0x37: {  	[smem:$0x3FB5] =	sst s10  }
0x38: {  	s10 =	sld [smem:$0x3FB6]  }
0x39: {  	_ = 	snop;
	(pc) =	sbr.ind lr, $3  }
0x3a: {  	_ = 	snop  }
0x3b: {  	_ = 	snop  }
0x3c: {  	p2 =	seq.s32 s10, $0x1;
	s10 =	sld [smem:$0x3FB5]  }
0x3d: {  	_ =	shalt  }
0x3e: {  	_ =	shalt  }
0x3f: {  	_ =	shalt  }
0x40: {  	_ =	shalt  }
0x41: {  	_ =	shalt  }
0x42: {  	_ =	shalt  }
0x43: {  	_ =	shalt  }
0x44: {  	_ =	shalt  }
0x45: {  	_ =	shalt  }
0x46: {  	_ =	shalt  }
0x47: {  	_ =	shalt  }
0x48: {  	_ =	shalt  }
0x49: {  	_ =	shalt  }
0x4a: {  	_ =	shalt  }
0x4b: {  	_ =	shalt  }
0x4c: {  	_ =	shalt  }
0x4d: {  	_ =	shalt  }
0x4e: {  	_ =	shalt  }
0x4f: {  	_ =	shalt  }
0x50: {  	_ =	shalt  }
0x51: {  	_ =	shalt  }
0x52: {  	_ =	shalt  }
0x53: {  	_ =	shalt  }
0x54: {  	_ =	shalt  }
0x55: {  	_ =	shalt  }
0x56: {  	_ =	shalt  }
0x57: {  	_ =	shalt  }
0x58: {  	_ =	shalt  }
0x59: {  	_ =	shalt  }
0x5a: {  	_ =	shalt  }
0x5b: {  	_ =	shalt  }
0x5c: {  	_ =	shalt  }
0x5d: {  	_ =	shalt  }
0x5e: {  	_ =	shalt  }
0x5f: {  	_ =	shalt  }
0x60: {  	_ =	shalt  }
0x61: {  	_ =	shalt  }
0x62: {  	_ =	shalt  }
0x63: {  	_ =	shalt  }
0x64: {  	_ =	shalt  }
0x65: {  	_ =	shalt  }
0x66: {  	_ =	shalt  }
0x67: {  	_ =	shalt  }
0x68: {  	_ =	shalt  }
0x69: {  	_ =	shalt  }
0x6a: {  	_ =	shalt  }
0x6b: {  	_ =	shalt  }
0x6c: {  	_ =	shalt  }
0x6d: {  	_ =	shalt  }
0x6e: {  	_ =	shalt  }
0x6f: {  	_ =	shalt  }
0x70: {  	_ =	shalt  }
0x71: {  	_ =	shalt  }
0x72: {  	_ =	shalt  }
0x73: {  	_ =	shalt  }
0x74: {  	_ =	shalt  }
0x75: {  	_ =	shalt  }
0x76: {  	_ =	shalt  }
0x77: {  	_ =	shalt  }
0x78: {  	_ =	shalt  }
0x79: {  	_ =	shalt  }
0x7a: {  	_ =	shalt  }
0x7b: {  	_ =	shalt  }
0x7c: {  	_ =	shalt  }
0x7d: {  	_ =	shalt  }
0x7e: {  	_ =	shalt  }
0x7f: {  	_ =	shalt  }
0x80: {  	_ =	shalt  }
0x81: {  	_ =	shalt  }
0x82: {  	_ =	shalt  }
0x83: {  	_ =	shalt  }
0x84: {  	_ =	shalt  }
0x85: {  	_ =	shalt  }
0x86: {  	_ =	shalt  }
0x87: {  	_ =	shalt  }
.Lfunc_end0:
.L_simem_size_0:
called_computation.1_lowered:
.L_overlay_start_0:
0x88: {  	s2 =	sld [smem:$0x3FD9]  }
0x89: {  	s3 =	sld [smem:$0x3FFE];
	_ =	sdelay $0x1  }
0x8a: {  	s1 =	srdreg.scid  }
0x8b: {  	s0 =	sand.u32 $0x1, s1  }
0x8c: {  	s17 =	sshll.u32 s0, $0xA;
	s2 =	sadd.s32 s3, s2  }
0x8d: {  	s2 =	sadd.s32 s2, s17  }
0x8e: {  	[smem:$0x3FC1] =	sst s2  }
0x8f: {  	_ = 	snop  }
0x90: {  	s2 =	sld [smem:$0x3FC3]  }
0x91: {  	s18 =	sld [smem:$0x3FD0];
	(tm) =	ssettm $0x1  }
0x92: {  	s4 =	sld [smem:$0x3FFB];
	_ =	sdelay $0x3  }
0x93: {  	_ =	strace s4  }
0x94: {  	s4 =	sld [smem:$0x3FFC];
	_ =	sdelay $0x3  }
0x95: {  	_ =	strace s4  }
0x96: {  	s4 =	sld [smem:$0x3FFD];
	_ =	sdelay $0x3  }
0x97: {  	_ =	strace s4  }
0x98: {  	_ =	strace $0x8FFFFFFF  }
0x99: {  	s19 =	sld [smem:$0x3FDB];
	_ =	sdelay $0x1  }
0x9a: {  	s5 =	simm.s32 $_scs_section_size  }
0x9b: {  	s6 =	simm.s32 $_size__tile_overlayer_lowered;
	s7 =	simm.s32 $_tile_overlayer_lowered  }
0x9c: {  	s22 =	simm.s32 $0x1BFF;
	s21 =	sshll.u32 s7, $0x1;
	s4 =	sadd.s32 s5, s19  }
0x9d: {  	s8 =	simm.s32 $0x0;
	s20 =	sshll.u32 s6, $0x1;
	s6 =	sadd.s32 s21, s4  }
0x9e: {  	[timem:s8], [sflag:s22] =	dma.local [hbm:s6], s20  }
0x9f: {  	_ =	swait.ge [sflag:s22], s20  }
0xa0: {  	s5 =	ssub.s32 $0x0, s20;
	[sflag:s22] =	ssyncset.done $0x0  }
0xa1: {  	[sflag:s22] =	ssyncadd.s32 s5;
	_ =	sdelay $0x1  }
0xa2: {  	s23 =	simm.s32 $0x1B8B  }
0xa3: {  	_ =	swait.ge [sflag:s23], $0x1  }
0xa4: {  	[sflag:s23] =	ssyncset.done $0x0  }
0xa5: {  	s25 =	simm.s32 $0x1B8E;
	s24 =	sld [smem:$0x3FFE];
	[sflag:s23] =	ssyncadd.s32 $0xFFFFFFFF  }
0xa6: {  	s26 =	simm.s32 $execute0_lowered;
	[smem:$0x3FD2] =	sst s25  }
0xa7: {  	s6 =	sshll.u32 s26, $0x1;
	_ =	strace $0x80000049;
	[dreg:$0x1] =	wrdreg $0xFFFFFFFF  }
0xa8: {  	s28 =	simm.s32 $_size_execute0_lowered;
	s4 =	sadd.s32 s4, s6;
	[dreg:$0x0] =	wrdreg $0x0  }
0xa9: {  	s6 =	sshll.u32 s28, $0x1;
	[dreg:$0x2] =	wrdreg s4  }
0xaa: {  	[dreg:$0x3] =	wrdreg s6  }
0xab: {  	[dreg:$0x4] =	wrdreg $0xC0  }
0xac: {  	_ =	task [dreg:s8], $0x5FFFF  }
0xad: {  	[dreg:$0x1] =	wrdreg $0xFFFFFFFF  }
0xae: {  	[dreg:$0x0] =	wrdreg $0x60  }
0xaf: {  	[dreg:$0x2] =	wrdreg s24  }
0xb0: {  	[dreg:$0x3] =	wrdreg s18  }
0xb1: {  	[dreg:$0x4] =	wrdreg s2  }
0xb2: {  	[dreg:$0x5] =	wrdreg $0x49800  }
0xb3: {  	[dreg:$0x6] =	wrdreg $0x182000  }
0xb4: {  	[dreg:$0x7] =	wrdreg $0x9  }
0xb5: {  	_ =	task.clear_ibuf [dreg:s8], $0x8FFFF;
	_ =	strace $0x90000049  }
0xb6: {  	s29 =	simm.s32 $0x9;
	_ =	strace $0x8000004B  }
0xb7: {  	_ =	swait.ge [sflag:s29], $0x1  }
0xb8: {  	[sflag:s29] =	ssyncadd.s32 $0xFFFFFFFF  }
0xb9: {  	_ =	strace $0x9000004B  }
0xba: {  	_ =	sfence  }
0xbb: {  	s30 =	sld [smem:$0x0];
	_ =	sdelay $0x2  }
0xbc: {  	s31 =	sshll.u32 s1, $0xD;
	s1 =	sshrl.u32 s1, $0x2  }
0xbd: {  	s3 =	sand.u32 $0x4000, s31;
	s1 =	sadd.s32 s1, s30  }
0xbe: {  	s0 =	sor.u32 s3, s0;
	s1 =	sshll.u32 s1, $0x11  }
0xbf: {  	s0 =	sor.u32 s1, s0  }
0xc0: {  	s0 =	sadd.s32 $0x8F2B, s0  }
0xc1: {  	[sflag:s0] =	ssyncadd.remote.s32 $0x1  }
0xc2: {  	_ =	sfence.sel $0xFFFF  }
0xc3: {  	[dreg:$0x0] =	wrdreg $0xFFFFFFFF;
	(pc) =	sbr.abs _section_cstart, $3  }
0xc4: {  	[dreg:$0x1] =	wrdreg $0xFFFFFFFF  }
0xc5: {  	_ =	task.clear_ibuf [dreg:s8], $0x2FFFF;
	_ =	strace $0x9FFFFFFF  }
0xc6: {  	(tm) =	ssettm $0x7FFFFFFF  }
0xc7: {  	_ =	shalt  }
tec
execute0_lowered:
.L_overlay_start_1:
0x0: {  	(tag) =	ssettag $0x1  }
0x1: {  	s0 =	rddreg [dreg:$0x0]  }
0x2: {  	s1 =	rddreg [dreg:$0x1]  }
0x3: {  	s8 =	rddreg [dreg:$0x3]  }
0x4: {  	s4 =	rddreg [dreg:$0x4];
	s2 =	simm.s32 $0x0;
	s18 =	srdreg.scid  }
0x5: {  	s6 =	stileid.u32;
	s28 =	simm.s32 $0x200;
	s29 =	simm.s32 $0x500  }
0x6: {  	s30 =	simm.s32 $0x280;
	s31 =	simm.s32 $0x580;
	s13 =	simm.s32 $0x600  }
0x7: {  	[smem:$0x7FF] =	sst s2;
	s9 =	sadd.s32 $0xA7600, s0;
	s5 =	smul.u32 $0x2710, s6  }
0x8: {  	s10 =	sadd.s32 $0xA2600, s0;
	s19 =	sadd.s32 $0x1200, s0;
	s7 =	smul.u32 $0x5000, s6  }
0x9: {  	s0 =	sadd.s32 $0xAC600, s0;
	_ =	strace $0x8000004A;
	[dreg:$0x9] =	wrdreg s19  }
0xa: {  	s11 =	simm.s32 $0x3;
	s22 =	smul.u32 $0x140, s6;
	[dreg:$0xa] =	wrdreg s0  }
0xb: {  	s2 =	sand.u32 $0x1, s18;
	s24 =	smul.u32 $0x4E2, s6;
	[dreg:$0x7] =	wrdreg s10  }
0xc: {  	s18 =	simm.s32 $0x380;
	s3 =	ssub.s32 $0x2, s2;
	[dreg:$0x6] =	wrdreg s9  }
0xd: {  	s2 =	sshll.u32 s2, $0x1;
	s19 =	simm.s32 $0x2;
	[dreg:$0x8] =	wrdreg s5  }
0xe: {  	s20 =	sshrl.u32 s3, $0x1;
	[dreg:$0xb] =	wrdreg s2;
	s23 =	sshrl.u32 s7, $0x2  }
0xf: {  	s26 =	sshrl.u32 s22, $0x2;
	s16 =	sadd.s32 s24, s10;
	s17 =	sadd.s32 s24, s9  }
0x10: {  	s22 =	simm.s32 $0x50;
	s24 =	simm.s32 $0x400;
	s2 =	simm.s32 $0x2E00  }
0x11: {  	s5 =	simm.s32 $0x2E80;
	s7 =	simm.s32 $0x0;
	s21 =	ssub.s32 s3, s20  }
0x12: {  	s25 =	sadd.s32 s23, s8;
	s20 =	simm.s32 $0x80;
	s23 =	simm.s32 $0x100  }
0x13: {  	s0 =	smax.u32 s21, $0x1;
	[dreg:$0xd] =	wrdreg s25;
	s21 =	simm.s32 $0x1  }
0x14: {  	s25 =	simm.s32 $0x180;
	[dreg:$0xc] =	wrdreg s0;
	s0 =	sadd.s32 s26, s4  }
0x15: {  	v0 =	vimm.f32 $0.0e+00;
	s26 =	simm.s32 $0x480;
	[dreg:$0xe] =	wrdreg s0;
	s0 =	simm.s32 $0x300  }
.LBB2_1:
0x16: {  	[dreg:$0xf] =	wrdreg s7  }
0x17: {  	s3 =	rddreg [dreg:$0x2];
	s15 =	simm.s32 $0x0;
	s8 =	simm.s32 $0x4900  }
0x18: {  	[tilespmem:s8], [sflag:$0x2] =	stream.linear.gather [hbm4b:s3+s15], $0x80, $0x38;
	[tilespmem:$0x186E8] =	vst v63  }
0x19: {  	_ =	swait.ge [sflag:s19], $0x80  }
0x1a: {  	[sflag:s19] =	ssyncset.done $0x0  }
0x1b: {  	[sflag:s19] =	ssyncadd.s32 $0xFFFFFF80  }
0x1c: {  	[tilespmem:$0x3480] =	vst v0  }
0x1d: {  	[tilespmem:$0x3490] =	vst v0  }
0x1e: {  	[tilespmem:$0x34A0] =	vst v0  }
0x1f: {  	[tilespmem:$0x34B0] =	vst v0  }
0x20: {  	s7 =	simm.s32 $0x200;
	s3 =	simm.s32 $0x0;
	[tilespmem:$0x34C0] =	vst v0  }
.LBB2_2:
0x21: {  	p0 =	sne.s32 s7, $0x4E00;
	[tilespmem:s3+$0x3570] =	vst v0  }
0x22: {  	[tilespmem:s3+$0x3500] =	vst v0  }
0x23: {  	[tilespmem:s3+$0x3510] =	vst v0  }
.Ltmp0:
0x24: {  	[tilespmem:s3+$0x3520] =	vst v0;
	(pc) =	sbr.rel @p0 .LBB2_2-.Ltmp0, $4  }
0x25: {  	[tilespmem:s3+$0x3530] =	vst v0  }
0x26: {  	[tilespmem:s3+$0x3540] =	vst v0  }
0x27: {  	[tilespmem:s3+$0x3550] =	vst v0  }
0x28: {  	[tilespmem:s3+$0x3560] =	vst v0;
	s3 =	sshra.s32 s7, $0x2;
	s7 =	sadd.s32 $0x200, s7  }
0x29: {  	[tilespmem:s3+$0x3570] =	vst v0  }
0x2a: {  	[tilespmem:s3+$0x3500] =	vst v0  }
0x2b: {  	[tilespmem:s3+$0x3510] =	vst v0  }
0x2c: {  	[tilespmem:s3+$0x3520] =	vst v0  }
0x2d: {  	[tilespmem:s3+$0x3530] =	vst v0  }
0x2e: {  	[tilespmem:s3+$0x3540] =	vst v0;
	s7 =	sadd.s32 $0x0, s6  }
0x2f: {  	[tilespmem:s3+$0x3550] =	vst v0;
	p0 =	sgt.u32 s7, $0xF9  }
0x30: {  	[tilespmem:s3+$0x3560] =	vst v0;
	s8 =	rddreg [dreg:$0xd];
	s3 =	simm.s32 @!p0 $0x3500;
	s12 =	simm.s32 @!p0 $0x2  }
0x31: {  	[spmem:s8] =	stream.linear.scatter @!p0 [tilespmem:s3], [sflag:$0x2], $0x1400, $0x38;
	[tilespmem:$0x186E8] =	vst v63  }
0x32: {  	s9 =	simm.s32 $0x20;
	s14 =	simm.s32 $0x10;
	_ =	swait.ge @!p0 [sflag:s12], $0x1400  }
0x33: {  	s3 =	simm.s32 $0x10;
	s8 =	sadd.s32 $0x14000, s8;
	[sflag:s12] =	ssyncset.done @!p0 $0x0  }
.LBB2_4:
0x34: {  	s10 =	sadd.s32 s14, s6;
	s14 =	smov.u32 s9;
	s9 =	sadd.s32 $0x10, s9  }
0x35: {  	[sflag:s12] =	ssyncadd.s32 @!p0 $0xFFFFEC00;
	p1 =	sne.s32 s9, $0x100  }
.Ltmp1:
0x36: {  	p0 =	sgt.u32 s10, $0xF9;
	(pc) =	sbr.rel @p1 .LBB2_4-.Ltmp1, $4  }
0x37: {  	s10 =	simm.s32 @!p0 $0x3500;
	s12 =	simm.s32 @!p0 $0x2  }
0x38: {  	[spmem:s8] =	stream.linear.scatter @!p0 [tilespmem:s10], [sflag:$0x2], $0x1400, $0x38;
	[tilespmem:$0x186E8] =	vst v63  }
0x39: {  	_ =	swait.ge @!p0 [sflag:s12], $0x1400  }
0x3a: {  	s8 =	sadd.s32 $0x14000, s8;
	[sflag:s12] =	ssyncset.done @!p0 $0x0  }
0x3b: {  	s9 =	sadd.s32 s14, s6  }
0x3c: {  	p1 =	sgt.u32 s9, $0xF9  }
0x3d: {  	[sflag:s12] =	ssyncadd.s32 @!p0 $0xFFFFEC00;
	s9 =	simm.s32 @!p1 $0x3500;
	s10 =	simm.s32 @!p1 $0x2  }
0x3e: {  	[spmem:s8] =	stream.linear.scatter @!p1 [tilespmem:s9], [sflag:$0x2], $0x1400, $0x38;
	[tilespmem:$0x186E8] =	vst v63  }
0x3f: {  	p0 =	sgt.u32 s7, $0xF9;
	_ =	swait.ge @!p1 [sflag:s10], $0x1400  }
0x40: {  	s7 =	simm.s32 @!p0 $0x3480;
	[sflag:s10] =	ssyncset.done @!p1 $0x0  }
0x41: {  	s9 =	simm.s32 @!p0 $0x2;
	[sflag:s10] =	ssyncadd.s32 @!p1 $0xFFFFEC00;
	s10 =	rddreg [dreg:$0xe]  }
0x42: {  	[spmem:s10] =	stream.linear.scatter @!p0 [tilespmem:s7], [sflag:$0x2], $0x50, $0x38;
	[tilespmem:$0x186E8] =	vst v63  }
0x43: {  	_ =	swait.ge @!p0 [sflag:s9], $0x50  }
0x44: {  	s8 =	simm.s32 $0x20;
	s7 =	sadd.s32 $0x500, s10;
	[sflag:s9] =	ssyncset.done @!p0 $0x0  }
.LBB2_6:
0x45: {  	s10 =	sadd.s32 s3, s6;
	s3 =	smov.u32 s8;
	s8 =	sadd.s32 $0x10, s8  }
0x46: {  	[sflag:s9] =	ssyncadd.s32 @!p0 $0xFFFFFFB0;
	p1 =	sne.s32 s8, $0x100  }
.Ltmp2:
0x47: {  	p0 =	sgt.u32 s10, $0xF9;
	(pc) =	sbr.rel @p1 .LBB2_6-.Ltmp2, $4  }
0x48: {  	s10 =	simm.s32 @!p0 $0x3480;
	s9 =	simm.s32 @!p0 $0x2  }
0x49: {  	[spmem:s7] =	stream.linear.scatter @!p0 [tilespmem:s10], [sflag:$0x2], $0x50, $0x38;
	[tilespmem:$0x186E8] =	vst v63  }
0x4a: {  	_ =	swait.ge @!p0 [sflag:s9], $0x50  }
0x4b: {  	s7 =	sadd.s32 $0x500, s7;
	[sflag:s9] =	ssyncset.done @!p0 $0x0  }
0x4c: {  	s3 =	sadd.s32 s3, s6  }
0x4d: {  	p1 =	sgt.u32 s3, $0xF9  }
0x4e: {  	[sflag:s9] =	ssyncadd.s32 @!p0 $0xFFFFFFB0;
	s3 =	simm.s32 @!p1 $0x3480;
	s8 =	simm.s32 @!p1 $0x2  }
0x4f: {  	[spmem:s7] =	stream.linear.scatter @!p1 [tilespmem:s3], [sflag:$0x2], $0x50, $0x38;
	[tilespmem:$0x186E8] =	vst v63  }
0x50: {  	_ =	swait.ge @!p1 [sflag:s8], $0x50  }
0x51: {  	[sflag:s8] =	ssyncset.done @!p1 $0x0  }
0x52: {  	[sflag:s8] =	ssyncadd.s32 @!p1 $0xFFFFFFB0  }
0x53: {  	[bflag:$0x0] =	sbarrier.arrive $0xFFFF  }
0x54: {  	v1 =	vld [tilespmem:$0x4900]  }
0x55: {  	v2 =	vld [tilespmem:$0x4910]  }
0x56: {  	v3 =	vld [tilespmem:$0x4920]  }
0x57: {  	v4 =	vld [tilespmem:$0x4930]  }
0x58: {  	v5 =	vld [tilespmem:$0x4940]  }
0x59: {  	v6 =	vld [tilespmem:$0x4950]  }
0x5a: {  	v7 =	vld [tilespmem:$0x4960]  }
0x5b: {  	s3 =	simm.s32 $0x0;
	p1 =	por $0x1, $0x1;
	v8 =	vld [tilespmem:$0x4970];
	s14 =	rddreg [dreg:$0x3]  }
.LBB2_8:
0x5c: {  	s7 =	sadd.s32 $0x0, s17;
	s8 =	simm.s32 $0x0  }
0x5d: {  	[tilespmem:s8], [sflag:$0x1] =	stream.linear.gather [hbm4b:s7+s8], $0x50, $0x38;
	[tilespmem:$0x186E8] =	vst v63  }
0x5e: {  	s15 =	sadd.s32 $0x0, s16  }
0x5f: {  	[tilespmem:s20], [sflag:$0x1] =	stream.linear.gather [hbm4b:s15+s8], $0x50, $0x38;
	[tilespmem:$0x186E8] =	vst v63  }
0x60: {  	_ =	swait.ge [sflag:s21], $0x50  }
0x61: {  	[sflag:s21] =	ssyncset.done $0x0  }
0x62: {  	[sflag:s21] =	ssyncadd.s32 $0xFFFFFFB0  }
0x63: {  	_ =	swait.ge [sflag:s21], $0x50  }
0x64: {  	[sflag:s21] =	ssyncset.done $0x0  }
0x65: {  	[sflag:s21] =	ssyncadd.s32 $0xFFFFFFB0  }
0x66: {  	s9 =	rddreg [dreg:$0xb];
	v11 =	vld [tilespmem:$0xC0]  }
0x67: {  	s3 =	sor.u32 s9, s3  }
0x68: {  	[dreg:$0x10] =	wrdreg s3;
	s3 =	smul.u32 $0x2710, s3  }
0x69: {  	v12 =	vld [tilespmem:$0xB0]  }
0x6a: {  	s10 =	sadd.s32 $0x14000, s3  }
0x6b: {  	s12 =	sadd.s32 $0x1E000, s3;
	v9 =	vmov s10;
	v13 =	vshll.u32 v11, $0x1  }
0x6c: {  	v10 =	vmov s12;
	v14 =	vadd.s32 v9, v11;
	[tilespmem:$0x340] =	vst v13  }
0x6d: {  	v15 =	vld [tilespmem:$0xA0];
	v11 =	vadd.s32 v10, v11;
	[tilespmem:$0x240] =	vst v14  }
0x6e: {  	v14 =	vadd.s32 v9, v12;
	[tilespmem:$0x2C0] =	vst v11  }
0x6f: {  	v13 =	vor.u32 $0x1, v13;
	[tilespmem:$0x230] =	vst v14  }
0x70: {  	v14 =	vshll.u32 v12, $0x1;
	[tilespmem:$0x3C0] =	vst v13  }
0x71: {  	v11 =	vld [tilespmem:$0x90];
	v12 =	vadd.s32 v10, v12;
	[tilespmem:$0x330] =	vst v14  }
0x72: {  	v13 =	vadd.s32 v9, v15;
	[tilespmem:$0x2B0] =	vst v12  }
0x73: {  	v12 =	vor.u32 $0x1, v14;
	[tilespmem:$0x220] =	vst v13  }
0x74: {  	[tilespmem:$0x3B0] =	vst v12;
	v12 =	vshll.u32 v15, $0x1;
	v15 =	vadd.s32 v10, v15  }
0x75: {  	v14 =	vld [tilespmem:$0x80];
	[tilespmem:$0x2A0] =	vst v15  }
0x76: {  	[tilespmem:$0x320] =	vst v12;
	v13 =	vadd.s32 v9, v11  }
0x77: {  	[tilespmem:$0x210] =	vst v13;
	v13 =	vor.u32 $0x1, v12  }
0x78: {  	v16 =	vld [tilespmem:$0x30];
	v12 =	vadd.s32 v10, v11;
	[tilespmem:$0x3A0] =	vst v13  }
0x79: {  	v13 =	vshll.u32 v11, $0x1;
	[tilespmem:$0x290] =	vst v12  }
0x7a: {  	v15 =	vshll.u32 v14, $0x1;
	[tilespmem:$0x310] =	vst v13  }
0x7b: {  	s15 =	sadd.s32 $0xA000, s3;
	v19 =	vadd.s32 v10, v14;
	[tilespmem:$0x300] =	vst v15  }
0x7c: {  	v17 =	vld [tilespmem:$0x20];
	v11 =	vmov s15;
	v14 =	vadd.s32 v9, v14;
	[tilespmem:$0x280] =	vst v19  }
0x7d: {  	v63 =	vld [tilespmem:$0x10];
	v12 =	vmov s3;
	v18 =	vadd.s32 v11, v16;
	[tilespmem:$0x200] =	vst v14  }
0x7e: {  	v16 =	vadd.s32 v12, v16;
	[tilespmem:$0x1B0] =	vst v18  }
0x7f: {  	v13 =	vor.u32 $0x1, v13;
	[tilespmem:$0x130] =	vst v16  }
0x80: {  	v14 =	vld [tilespmem:$0x0];
	v15 =	vor.u32 $0x1, v15;
	[tilespmem:$0x390] =	vst v13  }
0x81: {  	v16 =	vadd.s32 v12, v17;
	[tilespmem:$0x380] =	vst v15  }
0x82: {  	v13 =	vadd.s32 v11, v63;
	[tilespmem:$0x120] =	vst v16;
	v16 =	vadd.s32 v11, v17;
	v17 =	vld [tilespmem:$0x40]  }
0x83: {  	[tilespmem:$0x190] =	vst v13  }
0x84: {  	v13 =	vadd.s32 v12, v63;
	[tilespmem:$0x1A0] =	vst v16  }
0x85: {  	[tilespmem:$0x110] =	vst v13;
	v15 =	vadd.s32 v11, v14  }
0x86: {  	v14 =	vadd.s32 v12, v14;
	[tilespmem:$0x180] =	vst v15  }
0x87: {  	[tilespmem:$0x100] =	vst v14;
	v13 =	vadd.s32 v12, v17  }
0x88: {  	[tilespmem:$0x140] =	vst v13;
	v13 =	vadd.s32 v11, v17  }
0x89: {  	[tilespmem:$0x1C0] =	vst v13  }
0x8a: {  	[tilespmem:s24], [sflag:$0x1] =	stream.indirect.gather [hbm4b:s1+s22], $0x1, s23, s22, $0xb8;
	[tilespmem:$0x186E8] =	vst v63  }
0x8b: {  	_ = 	snop  }
0x8c: {  	[tilespmem:s26], [sflag:$0x1] =	stream.indirect.gather [hbm4b:s1+s22], $0x1, s25, s22, $0xb8;
	[tilespmem:$0x186E8] =	vst v63  }
0x8d: {  	_ = 	snop  }
0x8e: {  	[tilespmem:s29], [sflag:$0x1] =	stream.indirect.gather [hbm4b:s1+s22], $0x1, s28, s22, $0xb8;
	[tilespmem:$0x186E8] =	vst v63  }
0x8f: {  	_ = 	snop  }
0x90: {  	[tilespmem:s31], [sflag:$0x1] =	stream.indirect.gather [hbm4b:s1+s22], $0x1, s30, s22, $0xb8;
	[tilespmem:$0x186E8] =	vst v63  }
0x91: {  	_ =	swait.ge [sflag:s21], $0x50  }
0x92: {  	[sflag:s21] =	ssyncset.done $0x0  }
0x93: {  	[sflag:s21] =	ssyncadd.s32 $0xFFFFFFB0  }
0x94: {  	_ =	swait.ge [sflag:s21], $0x50  }
0x95: {  	[sflag:s21] =	ssyncset.done $0x0  }
0x96: {  	[sflag:s21] =	ssyncadd.s32 $0xFFFFFFB0  }
0x97: {  	_ =	swait.ge [sflag:s21], $0x50  }
0x98: {  	[sflag:s21] =	ssyncset.done $0x0  }
0x99: {  	[sflag:s21] =	ssyncadd.s32 $0xFFFFFFB0  }
0x9a: {  	_ =	swait.ge [sflag:s21], $0x50  }
0x9b: {  	[sflag:s21] =	ssyncset.done $0x0  }
0x9c: {  	[sflag:s21] =	ssyncadd.s32 $0xFFFFFFB0  }
0x9d: {  	v13 =	vld [tilespmem:$0x440]  }
0x9e: {  	v14 =	vld [tilespmem:$0x500]  }
0x9f: {  	p0 =	por p1, p1;
	s12 =	simm.s32 $0xA;
	s10 =	rddreg [dreg:$0x6];
	v15 =	vld [tilespmem:$0x590]  }
.LBB2_9:
0xa0: {  	p1 =	sne.s32 s12, $0x4D8;
	v16 =	vld [tilespmem:$0x520];
	s3 =	smov.u32 s12;
	s12 =	sadd.s32 $0xA, s12  }
0xa1: {  	v17 =	vld [tilespmem:$0x410]  }
0xa2: {  	v18 =	vld [tilespmem:$0x510]  }
0xa3: {  	v19 =	vld [tilespmem:$0x490]  }
0xa4: {  	v20 =	vld [tilespmem:$0x400]  }
0xa5: {  	v21 =	vld [tilespmem:$0x420]  }
0xa6: {  	v22 =	vld [tilespmem:$0x480]  }
0xa7: {  	v17 =	vadd.f32 v18, v17;
	v18 =	vld [tilespmem:$0x430]  }
0xa8: {  	v23 =	vld [tilespmem:$0x530]  }
0xa9: {  	v15 =	vadd.f32 v15, v19;
	v14 =	vadd.f32 v14, v20;
	v20 =	vmul.f32 $2.000000030e-01, v17;
	v19 =	vld [tilespmem:$0x5B0]  }
0xaa: {  	vm0 =	vge.f32 v17, $0.0e+00;
	v24 =	vld [tilespmem:$0x580]  }
0xab: {  	v16 =	vadd.f32 v16, v21;
	v17 =	vsel vm0, v17, v20;
	v20 =	vmul.f32 $2.000000030e-01, v15;
	v21 =	vld [tilespmem:$0x4B0]  }
0xac: {  	vm1 =	vge.f32 v15, $0.0e+00;
	vm0 =	vge.f32 v14, $0.0e+00;
	v17 =	vmul.f32 $1.442695020e+00, v17;
	v25 =	vld [tilespmem:$0x5A0]  }
0xad: {  	v26 =	vmul.f32 $2.000000030e-01, v14;
	v15 =	vsel vm1, v15, v20;
	v20 =	vmul.f32 $2.000000030e-01, v16;
	v27 =	vld [tilespmem:$0x4A0]  }
0xae: {  	vm1 =	vge.f32 v16, $0.0e+00;
	v15 =	vmul.f32 $1.442695020e+00, v15;
	(erf) = vpow2.f32 v17  }
0xaf: {  	v14 =	vsel vm0, v14, v26;
	v17 =	vadd.f32 v24, v22;
	v16 =	vsel vm1, v16, v20;
	v20 =	vld [tilespmem:$0x540]  }
0xb0: {  	v16 =	vmul.f32 $1.442695020e+00, v16;
	v19 =	vadd.f32 v19, v21;
	(erf) = vpow2.f32 v15  }
0xb1: {  	v18 =	vadd.f32 v23, v18;
	v14 =	vmul.f32 $1.442695020e+00, v14;
	v15 =	vmul.f32 $2.000000030e-01, v17;
	v21 =	vld [tilespmem:$0x4C0]  }
0xb2: {  	vm0 =	vge.f32 v17, $0.0e+00;
	v22 =	vadd.f32 v25, v27;
	(erf) = vpow2.f32 v16  }
0xb3: {  	v16 =	vmul.f32 $2.000000030e-01, v18;
	v15 =	vsel vm0, v17, v15;
	v17 =	vld [tilespmem:$0x5C0];
	(erf) = vpow2.f32 v14  }
0xb4: {  	vm1 =	vge.f32 v18, $0.0e+00;
	v14 =	vmul.f32 $1.442695020e+00, v15;
	vm0 =	vge.f32 v22, $0.0e+00  }
0xb5: {  	v23 =	vmul.f32 $2.000000030e-01, v22;
	v16 =	vsel vm1, v18, v16;
	v18 =	vmul.f32 $2.000000030e-01, v19  }
0xb6: {  	v13 =	vadd.f32 v20, v13;
	v24 =	vmul.f32 $1.442695020e+00, v16;
	(erf) = vpow2.f32 v14  }
0xb7: {  	v14 =	vsel vm0, v22, v23;
	vm0 =	vge.f32 v19, $0.0e+00;
	v15 =	vpop (erf)  }
0xb8: {  	[tilespmem:$0x2E10] =	vst v15;
	v15 =	vsel vm0, v19, v18;
	v17 =	vadd.f32 v17, v21;
	(erf) = vpow2.f32 v24  }
0xb9: {  	v14 =	vmul.f32 $1.442695020e+00, v14;
	vm0 =	vge.f32 v13, $0.0e+00;
	v15 =	vmul.f32 $1.442695020e+00, v15;
	v16 =	vpop (erf)  }
0xba: {  	v20 =	vmul.f32 $2.000000030e-01, v13;
	[tilespmem:$0x2E90] =	vst v16;
	v18 =	vmul.f32 $2.000000030e-01, v17  }
0xbb: {  	vm1 =	vge.f32 v17, $0.0e+00;
	v19 =	vpop (erf);
	(erf) = vpow2.f32 v15  }
0xbc: {  	v13 =	vsel vm0, v13, v20;
	[tilespmem:$0x2E20] =	vst v19;
	v15 =	vsel vm1, v17, v18;
	v16 =	vpop (erf);
	(erf) = vpow2.f32 v14  }
0xbd: {  	v13 =	vmul.f32 $1.442695020e+00, v13;
	[tilespmem:$0x2E00] =	vst v16;
	v14 =	vmul.f32 $1.442695020e+00, v15;
	_ =	sdelay $0x1  }
0xbe: {  	v15 =	vpop (erf);
	(erf) = vpow2.f32 v13  }
0xbf: {  	[tilespmem:$0x2E80] =	vst v15;
	(erf) = vpow2.f32 v14  }
0xc0: {  	v13 =	vpop (erf)  }
0xc1: {  	[tilespmem:$0x2E30] =	vst v13;
	_ =	sdelay $0x1  }
0xc2: {  	v13 =	vpop (erf)  }
0xc3: {  	[tilespmem:$0x2EB0] =	vst v13;
	v13 =	vpop (erf)  }
0xc4: {  	[tilespmem:$0x2EA0] =	vst v13;
	_ =	sdelay $0x1  }
0xc5: {  	v13 =	vpop (erf)  }
0xc6: {  	[tilespmem:$0x2E40] =	vst v13;
	v13 =	vpop (erf)  }
0xc7: {  	[tilespmem:$0x2EC0] =	vst v13  }
0xc8: {  	[spmem:s4] =	stream.indirect.scatter.add.f32 [tilespmem:s2], [sflag:$0x1], $0x1, s0, s22, $0xb8;
	[tilespmem:$0x186E8] =	vst v63  }
0xc9: {  	_ = 	snop  }
0xca: {  	[spmem:s4] =	stream.indirect.scatter.add.f32 [tilespmem:s5], [sflag:$0x1], $0x1, s18, s22, $0xb8;
	[tilespmem:$0x186E8] =	vst v63  }
0xcb: {  	_ =	swait.ge [sflag:s21], $0x50  }
0xcc: {  	[sflag:s21] =	ssyncset.done $0x0  }
0xcd: {  	[sflag:s21] =	ssyncadd.s32 $0xFFFFFFB0  }
0xce: {  	_ =	swait.ge [sflag:s21], $0x50  }
0xcf: {  	[sflag:s21] =	ssyncset.done $0x0  }
0xd0: {  	s15 =	simm.s32 $0x0;
	s7 =	sadd.s32 s3, s17;
	[sflag:s21] =	ssyncadd.s32 $0xFFFFFFB0  }
0xd1: {  	[tilespmem:s15], [sflag:$0x1] =	stream.linear.gather [hbm4b:s7+s15], $0x50, $0x38;
	[tilespmem:$0x186E8] =	vst v63  }
0xd2: {  	s3 =	sadd.s32 s3, s16  }
0xd3: {  	[tilespmem:s20], [sflag:$0x1] =	stream.linear.gather [hbm4b:s3+s15], $0x50, $0x38;
	[tilespmem:$0x186E8] =	vst v63  }
0xd4: {  	_ =	swait.ge [sflag:s21], $0x50  }
0xd5: {  	[sflag:s21] =	ssyncset.done $0x0  }
0xd6: {  	[sflag:s21] =	ssyncadd.s32 $0xFFFFFFB0  }
0xd7: {  	_ =	swait.ge [sflag:s21], $0x50  }
0xd8: {  	[sflag:s21] =	ssyncset.done $0x0  }
0xd9: {  	[sflag:s21] =	ssyncadd.s32 $0xFFFFFFB0  }
0xda: {  	v13 =	vld [tilespmem:$0xC0]  }
0xdb: {  	v14 =	vld [tilespmem:$0xB0]  }
0xdc: {  	v15 =	vld [tilespmem:$0xA0];
	_ =	sdelay $0x2  }
0xdd: {  	v16 =	vadd.s32 v9, v13;
	v17 =	vadd.s32 v10, v13;
	v13 =	vshll.u32 v13, $0x1  }
0xde: {  	v18 =	vadd.s32 v9, v14;
	[tilespmem:$0x340] =	vst v13  }
0xdf: {  	v20 =	vadd.s32 v10, v14;
	v14 =	vshll.u32 v14, $0x1;
	v13 =	vor.u32 $0x1, v13;
	v19 =	vld [tilespmem:$0x90];
	[tilespmem:$0x240] =	vst v16  }
0xe0: {  	v21 =	vadd.s32 v9, v15;
	v22 =	vshll.u32 v15, $0x1;
	v23 =	vor.u32 $0x1, v14;
	v16 =	vld [tilespmem:$0x80];
	[tilespmem:$0x2C0] =	vst v17  }
0xe1: {  	v15 =	vadd.s32 v10, v15;
	v17 =	vor.u32 $0x1, v22;
	[tilespmem:$0x230] =	vst v18  }
0xe2: {  	[tilespmem:$0x3C0] =	vst v13  }
0xe3: {  	[tilespmem:$0x330] =	vst v14  }
0xe4: {  	v13 =	vadd.s32 v9, v19;
	v14 =	vadd.s32 v10, v19;
	v18 =	vshll.u32 v19, $0x1;
	[tilespmem:$0x2B0] =	vst v20  }
0xe5: {  	v19 =	vadd.s32 v9, v16;
	v20 =	vadd.s32 v10, v16;
	v16 =	vshll.u32 v16, $0x1;
	[tilespmem:$0x220] =	vst v21  }
0xe6: {  	v24 =	vor.u32 $0x1, v18;
	v21 =	vor.u32 $0x1, v16;
	v25 =	vld [tilespmem:$0x30];
	[tilespmem:$0x3B0] =	vst v23  }
0xe7: {  	[tilespmem:$0x210] =	vst v13;
	v13 =	vld [tilespmem:$0x20]  }
0xe8: {  	v23 =	vld [tilespmem:$0x10];
	[tilespmem:$0x2A0] =	vst v15  }
0xe9: {  	v15 =	vld [tilespmem:$0x0];
	[tilespmem:$0x3A0] =	vst v17  }
0xea: {  	[tilespmem:$0x320] =	vst v22  }
0xeb: {  	[tilespmem:$0x310] =	vst v18;
	v17 =	vadd.s32 v12, v25;
	v18 =	vadd.s32 v11, v25  }
0xec: {  	[tilespmem:$0x290] =	vst v14;
	v14 =	vadd.s32 v12, v13;
	v13 =	vadd.s32 v11, v13  }
0xed: {  	[tilespmem:$0x300] =	vst v16;
	v16 =	vadd.s32 v12, v23;
	v22 =	vadd.s32 v11, v23  }
0xee: {  	v23 =	vadd.s32 v12, v15;
	v15 =	vadd.s32 v11, v15;
	[tilespmem:$0x1B0] =	vst v18  }
0xef: {  	[tilespmem:$0x280] =	vst v20  }
0xf0: {  	[tilespmem:$0x130] =	vst v17  }
0xf1: {  	[tilespmem:$0x200] =	vst v19;
	v17 =	vld [tilespmem:$0x40]  }
0xf2: {  	[tilespmem:$0x120] =	vst v14  }
0xf3: {  	[tilespmem:$0x390] =	vst v24  }
0xf4: {  	[tilespmem:$0x1A0] =	vst v13  }
0xf5: {  	[tilespmem:$0x190] =	vst v22  }
0xf6: {  	[tilespmem:$0x380] =	vst v21;
	v13 =	vadd.s32 v12, v17;
	v14 =	vadd.s32 v11, v17  }
0xf7: {  	[tilespmem:$0x110] =	vst v16  }
0xf8: {  	[tilespmem:$0x180] =	vst v15  }
0xf9: {  	[tilespmem:$0x140] =	vst v13  }
0xfa: {  	[tilespmem:$0x100] =	vst v23  }
0xfb: {  	[tilespmem:$0x1C0] =	vst v14  }
0xfc: {  	[tilespmem:s24], [sflag:$0x1] =	stream.indirect.gather [hbm4b:s1+s22], $0x1, s23, s22, $0xb8;
	[tilespmem:$0x186E8] =	vst v63  }
0xfd: {  	_ = 	snop  }
0xfe: {  	[tilespmem:s26], [sflag:$0x1] =	stream.indirect.gather [hbm4b:s1+s22], $0x1, s25, s22, $0xb8;
	[tilespmem:$0x186E8] =	vst v63  }
0xff: {  	_ = 	snop  }
0x100: {  	[tilespmem:s29], [sflag:$0x1] =	stream.indirect.gather [hbm4b:s1+s22], $0x1, s28, s22, $0xb8;
	[tilespmem:$0x186E8] =	vst v63  }
0x101: {  	_ = 	snop  }
0x102: {  	[tilespmem:s31], [sflag:$0x1] =	stream.indirect.gather [hbm4b:s1+s22], $0x1, s30, s22, $0xb8;
	[tilespmem:$0x186E8] =	vst v63  }
0x103: {  	_ =	swait.ge [sflag:s21], $0x50  }
0x104: {  	[sflag:s21] =	ssyncset.done $0x0  }
0x105: {  	[sflag:s21] =	ssyncadd.s32 $0xFFFFFFB0  }
0x106: {  	_ =	swait.ge [sflag:s21], $0x50  }
0x107: {  	[sflag:s21] =	ssyncset.done $0x0  }
0x108: {  	[sflag:s21] =	ssyncadd.s32 $0xFFFFFFB0  }
0x109: {  	_ =	swait.ge [sflag:s21], $0x50  }
0x10a: {  	[sflag:s21] =	ssyncset.done $0x0  }
0x10b: {  	[sflag:s21] =	ssyncadd.s32 $0xFFFFFFB0  }
0x10c: {  	_ =	swait.ge [sflag:s21], $0x50  }
.Ltmp3:
0x10d: {  	[sflag:s21] =	ssyncset.done $0x0;
	(pc) =	sbr.rel @p1 .LBB2_9-.Ltmp3, $4  }
0x10e: {  	[sflag:s21] =	ssyncadd.s32 $0xFFFFFFB0  }
0x10f: {  	v13 =	vld [tilespmem:$0x440]  }
0x110: {  	v14 =	vld [tilespmem:$0x500]  }
0x111: {  	v15 =	vld [tilespmem:$0x590]  }
0x112: {  	v16 =	vld [tilespmem:$0x520]  }
0x113: {  	v17 =	vld [tilespmem:$0x410]  }
0x114: {  	v18 =	vld [tilespmem:$0x510]  }
0x115: {  	v19 =	vld [tilespmem:$0x490]  }
0x116: {  	v20 =	vld [tilespmem:$0x400]  }
0x117: {  	v21 =	vld [tilespmem:$0x420]  }
0x118: {  	v22 =	vld [tilespmem:$0x480]  }
0x119: {  	v48 =	vld [tilespmem:$0x430]  }
0x11a: {  	v23 =	vld [tilespmem:$0x530]  }
0x11b: {  	v49 =	vld [tilespmem:$0x5B0]  }
0x11c: {  	v50 =	vld [tilespmem:$0x580]  }
0x11d: {  	v52 =	vld [tilespmem:$0x4B0]  }
0x11e: {  	v25 =	vld [tilespmem:$0x5A0]  }
0x11f: {  	v27 =	vld [tilespmem:$0x4A0];
	_ =	sdelay $0x1  }
0x120: {  	v17 =	vadd.f32 v18, v17;
	v15 =	vadd.f32 v15, v19  }
0x121: {  	v14 =	vadd.f32 v14, v20;
	v16 =	vadd.f32 v16, v21  }
0x122: {  	v54 =	vadd.f32 v50, v22;
	v19 =	vadd.f32 v49, v52  }
0x123: {  	v18 =	vadd.f32 v23, v48;
	v57 =	vadd.f32 v25, v27  }
0x124: {  	v55 =	vld [tilespmem:$0x540];
	v24 =	vmul.f32 $2.000000030e-01, v17;
	vm0 =	vge.f32 v17, $0.0e+00;
	v51 =	vmul.f32 $2.000000030e-01, v15  }
0x125: {  	vm8 =	vge.f32 v14, $0.0e+00;
	vm1 =	vge.f32 v15, $0.0e+00;
	v53 =	vmul.f32 $2.000000030e-01, v16  }
0x126: {  	v26 =	vmul.f32 $2.000000030e-01, v14;
	vm9 =	vge.f32 v16, $0.0e+00;
	v17 =	vsel vm0, v17, v24  }
0x127: {  	v15 =	vsel vm1, v15, v51;
	v16 =	vsel vm9, v16, v53;
	v17 =	vmul.f32 $1.442695020e+00, v17  }
0x128: {  	v14 =	vsel vm8, v14, v26;
	v15 =	vmul.f32 $1.442695020e+00, v15;
	v16 =	vmul.f32 $1.442695020e+00, v16  }
0x129: {  	v56 =	vld [tilespmem:$0x4C0];
	v13 =	vadd.f32 v55, v13;
	v14 =	vmul.f32 $1.442695020e+00, v14;
	(erf) = vpow2.f32 v17  }
0x12a: {  	v58 =	vld [tilespmem:$0x5C0];
	vm10 =	vge.f32 v54, $0.0e+00;
	(erf) = vpow2.f32 v15;
	v15 =	vmul.f32 $2.000000030e-01, v54  }
0x12b: {  	v59 =	vmul.f32 $2.000000030e-01, v18;
	vm11 =	vge.f32 v57, $0.0e+00;
	(erf) = vpow2.f32 v16  }
0x12c: {  	v60 =	vmul.f32 $2.000000030e-01, v19;
	v15 =	vsel vm10, v54, v15;
	(erf) = vpow2.f32 v14  }
0x12d: {  	vm12 =	vge.f32 v18, $0.0e+00;
	v14 =	vmul.f32 $1.442695020e+00, v15;
	v15 =	vmul.f32 $2.000000030e-01, v57  }
0x12e: {  	vm13 =	vge.f32 v19, $0.0e+00;
	v62 =	vmul.f32 $2.000000030e-01, v13;
	v17 =	vsel vm12, v18, v59  }
0x12f: {  	(erf) = vpow2.f32 v14;
	v14 =	vsel vm11, v57, v15;
	v15 =	vadd.f32 v58, v56  }
0x130: {  	vm14 =	vge.f32 v13, $0.0e+00;
	v61 =	vsel vm13, v19, v60;
	v17 =	vmul.f32 $1.442695020e+00, v17  }
0x131: {  	v13 =	vsel vm14, v13, v62;
	v16 =	vmul.f32 $1.442695020e+00, v61;
	v63 =	vmul.f32 $2.000000030e-01, v15  }
0x132: {  	(erf) = vpow2.f32 v17;
	v14 =	vmul.f32 $1.442695020e+00, v14;
	vm15 =	vge.f32 v15, $0.0e+00  }
0x133: {  	v13 =	vmul.f32 $1.442695020e+00, v13;
	(erf) = vpow2.f32 v16;
	v15 =	vsel vm15, v15, v63  }
0x134: {  	(erf) = vpow2.f32 v14;
	v14 =	vmul.f32 $1.442695020e+00, v15;
	_ =	sdelay $0x1  }
0x135: {  	(erf) = vpow2.f32 v13  }
0x136: {  	v13 =	vpop (erf);
	(erf) = vpow2.f32 v14  }
0x137: {  	[tilespmem:$0x2E10] =	vst v13;
	v14 =	vpop (erf)  }
0x138: {  	v13 =	vpop (erf);
	[tilespmem:$0x2E90] =	vst v14  }
0x139: {  	v14 =	vpop (erf);
	[tilespmem:$0x2E20] =	vst v13  }
0x13a: {  	v13 =	vpop (erf);
	[tilespmem:$0x2E00] =	vst v14  }
0x13b: {  	[tilespmem:$0x2E80] =	vst v13;
	v13 =	vpop (erf)  }
0x13c: {  	[tilespmem:$0x2E30] =	vst v13;
	v13 =	vpop (erf)  }
0x13d: {  	[tilespmem:$0x2EB0] =	vst v13;
	v13 =	vpop (erf)  }
0x13e: {  	[tilespmem:$0x2EA0] =	vst v13;
	v13 =	vpop (erf)  }
0x13f: {  	[tilespmem:$0x2E40] =	vst v13;
	v13 =	vpop (erf)  }
0x140: {  	[tilespmem:$0x2EC0] =	vst v13  }
0x141: {  	[spmem:s4] =	stream.indirect.scatter.add.f32 [tilespmem:s2], [sflag:$0x1], $0x1, s0, s22, $0xb8;
	[tilespmem:$0x186E8] =	vst v63  }
0x142: {  	_ = 	snop  }
0x143: {  	[spmem:s4] =	stream.indirect.scatter.add.f32 [tilespmem:s5], [sflag:$0x1], $0x1, s18, s22, $0xb8;
	[tilespmem:$0x186E8] =	vst v63  }
0x144: {  	_ =	swait.ge [sflag:s21], $0x50  }
0x145: {  	[sflag:s21] =	ssyncset.done $0x0  }
0x146: {  	[sflag:s21] =	ssyncadd.s32 $0xFFFFFFB0  }
0x147: {  	_ =	swait.ge [sflag:s21], $0x50  }
0x148: {  	[sflag:s21] =	ssyncset.done $0x0  }
0x149: {  	s12 =	simm.s32 $0x0;
	[sflag:s21] =	ssyncadd.s32 $0xFFFFFFB0  }
.LBB2_11:
0x14a: {  	s3 =	smul.u32 $0x50, s12  }
0x14b: {  	s7 =	rddreg [dreg:$0x8]  }
0x14c: {  	s3 =	sadd.s32 s7, s3  }
0x14d: {  	s3 =	sshrl.u32 s3, $0x3  }
0x14e: {  	s9 =	rddreg [dreg:$0x7];
	s8 =	sadd.s32 s10, s3  }
0x14f: {  	[tilespmem:s15], [sflag:$0x1] =	stream.linear.gather [hbm4b:s8+s15], $0x50, $0x38;
	[tilespmem:$0x186E8] =	vst v63  }
0x150: {  	s3 =	sadd.s32 s9, s3  }
0x151: {  	[tilespmem:s20], [sflag:$0x1] =	stream.linear.gather [hbm4b:s3+s15], $0x50, $0x38;
	[tilespmem:$0x186E8] =	vst v63  }
0x152: {  	_ =	swait.ge [sflag:s21], $0x50  }
0x153: {  	[sflag:s21] =	ssyncset.done $0x0  }
0x154: {  	[sflag:s21] =	ssyncadd.s32 $0xFFFFFFB0  }
0x155: {  	_ =	swait.ge [sflag:s21], $0x50  }
0x156: {  	[sflag:s21] =	ssyncset.done $0x0  }
0x157: {  	[sflag:s21] =	ssyncadd.s32 $0xFFFFFFB0  }
0x158: {  	v13 =	vld [tilespmem:$0x0];
	_ =	sdelay $0x1  }
0x159: {  	v14 =	vld [tilespmem:$0x80];
	_ =	sdelay $0x1  }
0x15a: {  	v15 =	vld [tilespmem:$0x10]  }
0x15b: {  	v16 =	vadd.s32 v12, v13  }
0x15c: {  	v13 =	vadd.s32 v11, v13;
	[tilespmem:$0x100] =	vst v16;
	v16 =	vld [tilespmem:$0x90]  }
0x15d: {  	[tilespmem:$0x180] =	vst v13;
	v13 =	vadd.s32 v9, v14  }
0x15e: {  	[tilespmem:$0x200] =	vst v13;
	v13 =	vadd.s32 v10, v14;
	v14 =	vld [tilespmem:$0x20]  }
0x15f: {  	[tilespmem:$0x280] =	vst v13;
	v13 =	vadd.s32 v12, v15  }
0x160: {  	[tilespmem:$0x110] =	vst v13;
	v13 =	vadd.s32 v11, v15;
	v15 =	vld [tilespmem:$0xA0]  }
0x161: {  	[tilespmem:$0x190] =	vst v13;
	v13 =	vadd.s32 v9, v16  }
0x162: {  	[tilespmem:$0x210] =	vst v13;
	v13 =	vadd.s32 v10, v16;
	v16 =	vld [tilespmem:$0x30]  }
0x163: {  	[tilespmem:$0x290] =	vst v13;
	v13 =	vadd.s32 v12, v14  }
0x164: {  	[tilespmem:$0x120] =	vst v13;
	v13 =	vadd.s32 v11, v14;
	v14 =	vld [tilespmem:$0xB0]  }
0x165: {  	[tilespmem:$0x1A0] =	vst v13;
	v13 =	vadd.s32 v9, v15  }
0x166: {  	[tilespmem:$0x220] =	vst v13;
	v13 =	vadd.s32 v10, v15;
	v15 =	vld [tilespmem:$0x40]  }
0x167: {  	[tilespmem:$0x2A0] =	vst v13;
	v13 =	vadd.s32 v12, v16  }
0x168: {  	[tilespmem:$0x130] =	vst v13;
	v13 =	vadd.s32 v11, v16;
	v16 =	vld [tilespmem:$0xC0]  }
0x169: {  	[tilespmem:$0x1B0] =	vst v13;
	v13 =	vadd.s32 v9, v14  }
0x16a: {  	[tilespmem:$0x230] =	vst v13;
	v13 =	vadd.s32 v10, v14  }
0x16b: {  	[tilespmem:$0x2B0] =	vst v13;
	v13 =	vadd.s32 v12, v15  }
0x16c: {  	[tilespmem:$0x140] =	vst v13;
	v13 =	vadd.s32 v11, v15  }
0x16d: {  	[tilespmem:$0x1C0] =	vst v13;
	v13 =	vadd.s32 v9, v16  }
0x16e: {  	[tilespmem:$0x240] =	vst v13;
	v13 =	vadd.s32 v10, v16  }
0x16f: {  	s8 =	rddreg [dreg:$0x9];
	[tilespmem:$0x2C0] =	vst v13  }
0x170: {  	[tilespmem:s13], [sflag:$0x1] =	stream.indirect.gather [hbm4b:s8+s22], $0x80, s23, s22, $0xb8;
	[tilespmem:$0x186E8] =	vst v63  }
0x171: {  	_ = 	snop  }
0x172: {  	[tilespmem:s24], [sflag:$0x1] =	stream.indirect.gather [hbm4b:s1+s22], $0x1, s23, s22, $0xb8;
	[tilespmem:$0x186E8] =	vst v63  }
0x173: {  	_ = 	snop  }
0x174: {  	[tilespmem:s26], [sflag:$0x1] =	stream.indirect.gather [hbm4b:s1+s22], $0x1, s25, s22, $0xb8;
	[tilespmem:$0x186E8] =	vst v63  }
0x175: {  	_ = 	snop  }
0x176: {  	[tilespmem:s29], [sflag:$0x1] =	stream.indirect.gather [hbm4b:s1+s22], $0x1, s28, s22, $0xb8;
	[tilespmem:$0x186E8] =	vst v63  }
0x177: {  	_ = 	snop  }
0x178: {  	[tilespmem:s31], [sflag:$0x1] =	stream.indirect.gather [hbm4b:s1+s22], $0x1, s30, s22, $0xb8;
	[tilespmem:$0x186E8] =	vst v63  }
0x179: {  	_ =	swait.ge [sflag:s21], $0x50  }
0x17a: {  	[sflag:s21] =	ssyncset.done $0x0  }
0x17b: {  	[sflag:s21] =	ssyncadd.s32 $0xFFFFFFB0  }
0x17c: {  	_ =	swait.ge [sflag:s21], $0x50  }
0x17d: {  	[sflag:s21] =	ssyncset.done $0x0  }
0x17e: {  	[sflag:s21] =	ssyncadd.s32 $0xFFFFFFB0  }
0x17f: {  	_ =	swait.ge [sflag:s21], $0x50  }
0x180: {  	[sflag:s21] =	ssyncset.done $0x0  }
0x181: {  	[sflag:s21] =	ssyncadd.s32 $0xFFFFFFB0  }
0x182: {  	_ =	swait.ge [sflag:s21], $0x50  }
0x183: {  	[sflag:s21] =	ssyncset.done $0x0  }
0x184: {  	[sflag:s21] =	ssyncadd.s32 $0xFFFFFFB0  }
0x185: {  	_ =	swait.ge [sflag:s21], $0x2800  }
0x186: {  	[sflag:s21] =	ssyncset.done $0x0  }
0x187: {  	[sflag:s21] =	ssyncadd.s32 $0xFFFFD800  }
0x188: {  	v13 =	vld [tilespmem:$0x400]  }
0x189: {  	v14 =	vld [tilespmem:$0x500]  }
0x18a: {  	v15 =	vld [tilespmem:$0x480]  }
0x18b: {  	v16 =	vld [tilespmem:$0x580]  }
0x18c: {  	v17 =	vld [tilespmem:$0x410]  }
0x18d: {  	v18 =	vld [tilespmem:$0x510]  }
0x18e: {  	v19 =	vld [tilespmem:$0x490]  }
0x18f: {  	v20 =	vld [tilespmem:$0x590];
	_ =	sdelay $0x1  }
0x190: {  	v23 =	vld [tilespmem:$0x5A0];
	v13 =	vadd.f32 v14, v13  }
0x191: {  	v14 =	vld [tilespmem:$0x420];
	v15 =	vadd.f32 v16, v15  }
0x192: {  	v16 =	vld [tilespmem:$0x520];
	v17 =	vadd.f32 v18, v17;
	v21 =	vmul.f32 $2.000000030e-01, v13  }
0x193: {  	v18 =	vld [tilespmem:$0x4A0];
	v19 =	vadd.f32 v20, v19;
	vm0 =	vge.f32 v13, $0.0e+00;
	v22 =	vmul.f32 $2.000000030e-01, v15  }
0x194: {  	v24 =	vld [tilespmem:$0x430];
	vm7 =	vge.f32 v15, $0.0e+00;
	v13 =	vsel vm0, v13, v21;
	v21 =	vmul.f32 $2.000000030e-01, v17  }
0x195: {  	v20 =	vld [tilespmem:$0x4B0];
	vm8 =	vge.f32 v17, $0.0e+00;
	v15 =	vsel vm7, v15, v22;
	v13 =	vmul.f32 $1.442695020e+00, v13  }
0x196: {  	v22 =	vld [tilespmem:$0x530];
	v15 =	vmul.f32 $1.442695020e+00, v15;
	v17 =	vsel vm8, v17, v21  }
0x197: {  	v14 =	vadd.f32 v16, v14;
	v16 =	vld [tilespmem:$0x5B0];
	(erf) = vpow2.f32 v13;
	v13 =	vmul.f32 $1.442695020e+00, v17  }
0x198: {  	v21 =	vld [tilespmem:$0x540];
	v17 =	vadd.f32 v23, v18;
	(erf) = vpow2.f32 v15;
	v15 =	vmul.f32 $2.000000030e-01, v19  }
0x199: {  	vm9 =	vge.f32 v19, $0.0e+00;
	v18 =	vld [tilespmem:$0x440];
	(erf) = vpow2.f32 v13;
	v13 =	vmul.f32 $2.000000030e-01, v14  }
0x19a: {  	vm10 =	vge.f32 v14, $0.0e+00;
	v23 =	vld [tilespmem:$0x4C0];
	v15 =	vsel vm9, v19, v15;
	v19 =	vmul.f32 $2.000000030e-01, v17  }
0x19b: {  	vm11 =	vge.f32 v17, $0.0e+00;
	v15 =	vmul.f32 $1.442695020e+00, v15;
	v13 =	vsel vm10, v14, v13;
	v14 =	vld [tilespmem:$0x5C0]  }
0x19c: {  	v16 =	vadd.f32 v16, v20;
	v17 =	vsel vm11, v17, v19;
	v13 =	vmul.f32 $1.442695020e+00, v13  }
0x19d: {  	v19 =	vadd.f32 v22, v24;
	(erf) = vpow2.f32 v15;
	v15 =	vmul.f32 $1.442695020e+00, v17  }
0x19e: {  	v17 =	vmul.f32 $2.000000030e-01, v16;
	(erf) = vpow2.f32 v13  }
0x19f: {  	v13 =	vmul.f32 $2.000000030e-01, v19;
	(erf) = vpow2.f32 v15;
	v15 =	vadd.f32 v21, v18  }
0x1a0: {  	vm13 =	vge.f32 v16, $0.0e+00;
	vm12 =	vge.f32 v19, $0.0e+00;
	v14 =	vadd.f32 v14, v23  }
0x1a1: {  	v16 =	vsel vm13, v16, v17;
	v13 =	vsel vm12, v19, v13;
	v18 =	vmul.f32 $2.000000030e-01, v15  }
0x1a2: {  	v13 =	vmul.f32 $1.442695020e+00, v13;
	vm14 =	vge.f32 v15, $0.0e+00;
	v17 =	vmul.f32 $2.000000030e-01, v14  }
0x1a3: {  	v16 =	vmul.f32 $1.442695020e+00, v16;
	vm15 =	vge.f32 v14, $0.0e+00;
	v15 =	vsel vm14, v15, v18  }
0x1a4: {  	(erf) = vpow2.f32 v13;
	v13 =	vmul.f32 $1.442695020e+00, v15;
	v14 =	vsel vm15, v14, v17  }
0x1a5: {  	v14 =	vmul.f32 $1.442695020e+00, v14  }
0x1a6: {  	(erf) = vpow2.f32 v16  }
0x1a7: {  	(erf) = vpow2.f32 v13  }
0x1a8: {  	v13 =	vpop (erf);
	(erf) = vpow2.f32 v14  }
0x1a9: {  	v14 =	vpop (erf);
	[tilespmem:$0x2E00] =	vst v13  }
0x1aa: {  	v13 =	vpop (erf);
	[tilespmem:$0x2E80] =	vst v14  }
0x1ab: {  	v14 =	vpop (erf);
	[tilespmem:$0x2E10] =	vst v13  }
0x1ac: {  	v13 =	vpop (erf);
	[tilespmem:$0x2E90] =	vst v14  }
0x1ad: {  	v14 =	vpop (erf);
	[tilespmem:$0x2E20] =	vst v13  }
0x1ae: {  	v13 =	vpop (erf);
	[tilespmem:$0x2EA0] =	vst v14  }
0x1af: {  	v14 =	vpop (erf);
	[tilespmem:$0x2E30] =	vst v13  }
0x1b0: {  	v13 =	vpop (erf);
	[tilespmem:$0x2EB0] =	vst v14  }
0x1b1: {  	[tilespmem:$0x2E40] =	vst v13;
	v13 =	vpop (erf)  }
0x1b2: {  	s3 =	simm.s32 $0x640;
	[tilespmem:$0x2EC0] =	vst v13  }
0x1b3: {  	v20 =	vld [tilespmem:s3+$0xFFFFFFF0]  }
0x1b4: {  	v18 =	vld [tilespmem:s3+$0xFFFFFFC0]  }
0x1b5: {  	s9 =	simm.s32 $0x0;
	v19 =	vld [tilespmem:s3+$0xFFFFFFD0]  }
0x1b6: {  	v16 =	vld.msk [tilespmem:s9+$0x2E00 ss:$0x0], $0xffff  }
0x1b7: {  	v14 =	vld.msk [tilespmem:s9+$0x2E80 ss:$0x0], $0xffff  }
0x1b8: {  	v23 =	vld [tilespmem:s3+$0x0]  }
0x1b9: {  	v15 =	vld [tilespmem:s3+$0xFFFFFFE0]  }
0x1ba: {  	v13 =	vld [tilespmem:s3+$0x30]  }
0x1bb: {  	v17 =	vld [tilespmem:s3+$0x20]  }
0x1bc: {  	v22 =	vmul.f32 v18, v16;
	v18 =	vld [tilespmem:s3+$0x10]  }
0x1bd: {  	v19 =	vmul.f32 v19, v16  }
0x1be: {  	s7 =	simm.s32 $0x4;
	s8 =	simm.s32 $0x640;
	v21 =	vmul.f32 v20, v16;
	v20 =	vmul.f32 v23, v14  }
.LBB2_12:
0x1bf: {  	p1 =	sne.s32 s7, $0x13C  }
0x1c0: {  	[tilespmem:s3+$0xFFFFFFC0] =	vst v22;
	v15 =	vmul.f32 v15, v16;
	v16 =	vmul.f32 v17, v14;
	s8 =	sadd.s32 $0x80, s8;
	s9 =	smov.u32 s7;
	s7 =	sadd.s32 $0x4, s7  }
0x1c1: {  	v13 =	vmul.f32 v13, v14;
	[tilespmem:s3+$0xFFFFFFF0] =	vst v21;
	v17 =	vmul.f32 v18, v14  }
0x1c2: {  	[tilespmem:s3+$0xFFFFFFD0] =	vst v19  }
0x1c3: {  	v21 =	vld [tilespmem:s8+$0xFFFFFFF0];
	[tilespmem:s3+$0x0] =	vst v20  }
0x1c4: {  	v19 =	vld [tilespmem:s8+$0xFFFFFFC0];
	[tilespmem:s3+$0xFFFFFFE0] =	vst v15  }
0x1c5: {  	v15 =	vld [tilespmem:s8+$0xFFFFFFE0];
	[tilespmem:s3+$0x30] =	vst v13  }
0x1c6: {  	v13 =	vld [tilespmem:s8+$0x30];
	[tilespmem:s3+$0x10] =	vst v17  }
0x1c7: {  	s9 =	sshra.s32 s9, $0x2;
	v20 =	vld [tilespmem:s8+$0xFFFFFFD0];
	[tilespmem:s3+$0x20] =	vst v16;
	s3 =	smov.u32 s8  }
0x1c8: {  	v16 =	vld.msk [tilespmem:s9+$0x2E00 ss:$0x0], $0xffff  }
0x1c9: {  	v14 =	vld.msk [tilespmem:s9+$0x2E80 ss:$0x0], $0xffff  }
0x1ca: {  	v23 =	vld [tilespmem:s8+$0x0]  }
.Ltmp4:
0x1cb: {  	v17 =	vld [tilespmem:s8+$0x20];
	(pc) =	sbr.rel @p1 .LBB2_12-.Ltmp4, $3  }
0x1cc: {  	v18 =	vld [tilespmem:s8+$0x10];
	_ =	sdelay $0x1  }
0x1cd: {  	v22 =	vmul.f32 v19, v16;
	v19 =	vmul.f32 v20, v16  }
0x1ce: {  	v21 =	vmul.f32 v21, v16;
	v20 =	vmul.f32 v23, v14  }
0x1cf: {  	[tilespmem:s3+$0xFFFFFFC0] =	vst v22  }
0x1d0: {  	[tilespmem:s3+$0xFFFFFFD0] =	vst v19  }
0x1d1: {  	v15 =	vmul.f32 v15, v16;
	[tilespmem:s3+$0xFFFFFFF0] =	vst v21  }
0x1d2: {  	v13 =	vmul.f32 v13, v14;
	[tilespmem:s3+$0x0] =	vst v20  }
0x1d3: {  	v63 =	vmul.f32 v18, v14;
	[tilespmem:s3+$0xFFFFFFE0] =	vst v15  }
0x1d4: {  	s12 =	sadd.s32 $0x1, s12;
	v14 =	vmul.f32 v17, v14;
	[tilespmem:s3+$0x30] =	vst v13  }
0x1d5: {  	p1 =	sne.s32 s12, $0x7D;
	[tilespmem:s3+$0x10] =	vst v63  }
.Ltmp5:
0x1d6: {  	[tilespmem:s3+$0x20] =	vst v14;
	(pc) =	sbr.rel @p1 .LBB2_11-.Ltmp5, $4  }
0x1d7: {  	[spmem:s14] =	stream.indirect.scatter.add.f32 [tilespmem:s13], [sflag:$0x2], $0x80, s20, s22, $0xb8;
	[tilespmem:$0x186E8] =	vst v63  }
0x1d8: {  	_ =	swait.ge [sflag:s19], $0x2800  }
0x1d9: {  	[sflag:s19] =	ssyncset.done $0x0  }
0x1da: {  	[sflag:s19] =	ssyncadd.s32 $0xFFFFD800  }
0x1db: {  	[bflag:$0x0] =	sbarrier.arrive $0xFFFF;
	s7 =	sadd.s32 $0x0, s6  }
0x1dc: {  	s3 =	simm.s32 $0x2F00;
	p1 =	sgt.u32 s7, $0xF9;
	s8 =	rddreg [dreg:$0xe]  }
0x1dd: {  	[tilespmem:s3], [sflag:$0x2] =	stream.linear.gather @!p1 [spmem:s8], $0x50, $0x38;
	[tilespmem:$0x186E8] =	vst v63  }
0x1de: {  	s9 =	simm.s32 @!p1 $0x2  }
0x1df: {  	s7 =	simm.s32 $0x10;
	s8 =	sadd.s32 $0x500, s8;
	_ =	swait.ge @!p1 [sflag:s9], $0x50  }
.LBB2_15:
0x1e0: {  	s10 =	smov.u32 s7;
	s7 =	sadd.s32 $0x10, s7  }
0x1e1: {  	[sflag:s9] =	ssyncset.done @!p1 $0x0;
	s3 =	sadd.s32 $0x50, s3;
	p2 =	seq.s32 s7, $0x100  }
.Ltmp6:
0x1e2: {  	s10 =	sadd.s32 s10, s6;
	[sflag:s9] =	ssyncadd.s32 @!p1 $0xFFFFFFB0;
	(pc) =	sbr.rel @!p2 .LBB2_15-.Ltmp6, $4  }
0x1e3: {  	p1 =	sgt.u32 s10, $0xF9  }
0x1e4: {  	[tilespmem:s3], [sflag:$0x2] =	stream.linear.gather @!p1 [spmem:s8], $0x50, $0x38;
	[tilespmem:$0x186E8] =	vst v63  }
0x1e5: {  	s9 =	simm.s32 @!p1 $0x2  }
0x1e6: {  	s8 =	sadd.s32 $0x500, s8;
	_ =	swait.ge @!p1 [sflag:s9], $0x50  }
.Ltmp7:
0x1e7: {  	(pc) =	sbr.rel .LBB2_17-.Ltmp7, $4  }
0x1e8: {  	s3 =	rddreg [dreg:$0x10]  }
0x1e9: {  	[sflag:s9] =	ssyncset.done @!p1 $0x0;
	s3 =	smul.u32 $0x27100, s3  }
0x1ea: {  	s7 =	rddreg [dreg:$0xa];
	s15 =	simm.s32 $0x0;
	s10 =	simm.s32 $0x3500  }
0x1eb: {  	[sflag:s9] =	ssyncadd.s32 @!p1 $0xFFFFFFB0;
	s12 =	sadd.s32 s7, s3;
	s3 =	simm.s32 $0x2F00  }
.LBB2_22:
0x1ec: {  	[tilespmem:s7+$0x3570] =	vst v0  }
0x1ed: {  	[tilespmem:s7+$0x3500] =	vst v0  }
0x1ee: {  	[tilespmem:s7+$0x3510] =	vst v0  }
0x1ef: {  	[tilespmem:s7+$0x3520] =	vst v0  }
0x1f0: {  	[tilespmem:s7+$0x3530] =	vst v0  }
0x1f1: {  	[tilespmem:s7+$0x3540] =	vst v0  }
0x1f2: {  	[tilespmem:s7+$0x3550] =	vst v0  }
0x1f3: {  	[tilespmem:s7+$0x3560] =	vst v0  }
0x1f4: {  	[spmem:s14] =	stream.linear.scatter [tilespmem:s10], [sflag:$0x2], $0x1400, $0x38;
	[tilespmem:$0x186E8] =	vst v63  }
0x1f5: {  	_ =	swait.ge [sflag:s19], $0x1400  }
0x1f6: {  	[sflag:s19] =	ssyncset.done $0x0  }
0x1f7: {  	[sflag:s19] =	ssyncadd.s32 $0xFFFFEC00  }
0x1f8: {  	s14 =	rddreg [dreg:$0x3]  }
.LBB2_23:
0x1f9: {  	s15 =	sadd.s32 $0x1, s15  }
0x1fa: {  	p1 =	sne.s32 s15, $0x10  }
.Ltmp8:
0x1fb: {  	_ = 	snop;
	(pc) =	sbr.rel @!p1 .LBB2_24-.Ltmp8, $2  }
0x1fc: {  	_ =	sdelay $0x2  }
0x1fd: {  	s3 =	sadd.s32 $0x50, s3  }
.LBB2_17:
0x1fe: {  	s7 =	sshll.u32 s15, $0x4  }
0x1ff: {  	s7 =	sor.u32 s6, s7  }
0x200: {  	p1 =	sgt.u32 s7, $0xF9  }
.Ltmp9:
0x201: {  	_ = 	snop;
	(pc) =	sbr.rel @p1 .LBB2_23-.Ltmp9, $1  }
0x202: {  	_ =	sdelay $0x3  }
0x203: {  	s8 =	smul.u32 $0x5000, s7;
	_ =	sdelay $0x1  }
0x204: {  	s8 =	sshra.s32 s8, $0x2  }
0x205: {  	v9 =	vmov s3;
	s14 =	sadd.s32 s8, s14  }
0x206: {  	[tilespmem:s10], [sflag:$0x3] =	stream.linear.gather [spmem:s14], $0x1400, $0x38;
	[tilespmem:$0x186E8] =	vst v63  }
0x207: {  	_ =	swait.ge [sflag:s11], $0x1400  }
0x208: {  	[sflag:s11] =	ssyncset.done $0x0  }
0x209: {  	s10 =	simm.s32 $0x0;
	[sflag:s11] =	ssyncadd.s32 $0xFFFFEC00  }
0x20a: {  	v10 =	vld.idx.msk [tilespmem:v9+s10+$0x0 ss:$0x1], $0xffff;
	_ =	sdelay $0x4  }
0x20b: {  	v10 =	vadd.f32 $1.000000020e-16, v10;
	_ =	sdelay $0x1  }
0x20c: {  	(erf) = vrcp.f32 v10;
	_ =	sdelay $0x5  }
0x20d: {  	s8 =	simm.s32 $0x3540  }
0x20e: {  	v10 =	vld [tilespmem:s8+$0xFFFFFFC0]  }
0x20f: {  	v11 =	vld [tilespmem:s8+$0xFFFFFFD0]  }
0x210: {  	v12 =	vld [tilespmem:s8+$0xFFFFFFE0];
	v13 =	vpop (erf)  }
0x211: {  	v17 =	vld [tilespmem:s8+$0x10];
	v15 =	vbroadcast v13, $0x0  }
0x212: {  	v14 =	vld [tilespmem:s8+$0xFFFFFFF0]  }
0x213: {  	v16 =	vld [tilespmem:s8+$0x0];
	v10 =	vmul.f32 v15, v10  }
0x214: {  	v18 =	vld [tilespmem:s8+$0x20];
	v13 =	vbroadcast v13, $0x1;
	v11 =	vmul.f32 v15, v11  }
0x215: {  	v19 =	vld [tilespmem:s8+$0x30];
	v12 =	vmul.f32 v12, v15;
	v10 =	vadd.f32 v10, v1  }
0x216: {  	v60 =	vmul.f32 v17, v13;
	v11 =	vadd.f32 v11, v2  }
0x217: {  	v14 =	vmul.f32 v14, v15;
	v12 =	vadd.f32 v12, v3;
	[tilespmem:s8+$0xFFFFFFC0] =	vst v10  }
0x218: {  	v59 =	vmul.f32 v16, v13;
	v63 =	vadd.f32 v60, v6;
	[tilespmem:s8+$0xFFFFFFD0] =	vst v11  }
0x219: {  	v61 =	vmul.f32 v18, v13;
	v10 =	vadd.f32 v14, v4;
	[tilespmem:s8+$0xFFFFFFE0] =	vst v12  }
0x21a: {  	v62 =	vmul.f32 v19, v13;
	v11 =	vadd.f32 v59, v5;
	[tilespmem:s8+$0x10] =	vst v63  }
0x21b: {  	[tilespmem:s8+$0xFFFFFFF0] =	vst v10;
	v10 =	vadd.f32 v61, v7  }
0x21c: {  	[tilespmem:s8+$0x0] =	vst v11;
	v11 =	vadd.f32 v62, v8  }
0x21d: {  	[tilespmem:s8+$0x20] =	vst v10  }
0x21e: {  	s9 =	simm.s32 $0x10;
	s10 =	simm.s32 $0x2;
	[tilespmem:s8+$0x30] =	vst v11  }
.LBB2_19:
0x21f: {  	p1 =	sne.s32 s9, $0x138;
	v10 =	vld.idx.msk [tilespmem:v9+s10+$0x0 ss:$0x1], $0xffff;
	_ =	sdelay $0x5  }
0x220: {  	v10 =	vadd.f32 $1.000000020e-16, v10;
	_ =	sdelay $0x1  }
0x221: {  	(erf) = vrcp.f32 v10;
	_ =	sdelay $0x2  }
0x222: {  	s8 =	sadd.s32 $0x80, s8  }
0x223: {  	v10 =	vld [tilespmem:s8+$0xFFFFFFF0]  }
0x224: {  	v11 =	vld [tilespmem:s8+$0x30]  }
0x225: {  	v12 =	vld [tilespmem:s8+$0xFFFFFFD0]  }
0x226: {  	v13 =	vld [tilespmem:s8+$0xFFFFFFC0]  }
0x227: {  	v14 =	vld [tilespmem:s8+$0xFFFFFFE0]  }
0x228: {  	v15 =	vld [tilespmem:s8+$0x0];
	v16 =	vpop (erf)  }
0x229: {  	v17 =	vbroadcast v16, $0x0;
	v16 =	vbroadcast v16, $0x1;
	v18 =	vld [tilespmem:s8+$0x10]  }
0x22a: {  	v19 =	vld [tilespmem:s8+$0x20]  }
0x22b: {  	v13 =	vmul.f32 v17, v13;
	v12 =	vmul.f32 v17, v12  }
0x22c: {  	v10 =	vmul.f32 v10, v17;
	v14 =	vmul.f32 v14, v17  }
0x22d: {  	v13 =	vadd.f32 v13, v1;
	v12 =	vadd.f32 v12, v2;
	v15 =	vmul.f32 v15, v16  }
0x22e: {  	v10 =	vadd.f32 v10, v4;
	v14 =	vadd.f32 v14, v3;
	v17 =	vmul.f32 v18, v16  }
0x22f: {  	v11 =	vmul.f32 v11, v16;
	[tilespmem:s8+$0xFFFFFFC0] =	vst v13;
	v13 =	vadd.f32 v15, v5;
	v15 =	vmul.f32 v19, v16  }
0x230: {  	[tilespmem:s8+$0xFFFFFFD0] =	vst v12;
	v12 =	vadd.f32 v17, v6  }
0x231: {  	v11 =	vadd.f32 v11, v8;
	[tilespmem:s8+$0xFFFFFFE0] =	vst v14;
	v14 =	vadd.f32 v15, v7  }
.Ltmp10:
0x232: {  	[tilespmem:s8+$0xFFFFFFF0] =	vst v10;
	(pc) =	sbr.rel @p1 .LBB2_19-.Ltmp10, $4  }
0x233: {  	[tilespmem:s8+$0x0] =	vst v13  }
0x234: {  	[tilespmem:s8+$0x10] =	vst v12  }
0x235: {  	[tilespmem:s8+$0x20] =	vst v14  }
0x236: {  	s10 =	sshra.s32 s9, $0x2;
	s9 =	sadd.s32 $0x8, s9;
	[tilespmem:s8+$0x30] =	vst v11  }
0x237: {  	_ =	sdelay $0x3  }
0x238: {  	v9 =	vld.idx.msk [tilespmem:v9+s10+$0x0 ss:$0x1], $0xffff;
	_ =	sdelay $0x4  }
0x239: {  	v9 =	vadd.f32 $1.000000020e-16, v9;
	_ =	sdelay $0x1  }
0x23a: {  	(erf) = vrcp.f32 v9;
	_ =	sdelay $0x5  }
0x23b: {  	s8 =	sadd.s32 $0x80, s8  }
0x23c: {  	v9 =	vld [tilespmem:s8+$0xFFFFFFC0]  }
0x23d: {  	v10 =	vld [tilespmem:s8+$0xFFFFFFD0]  }
0x23e: {  	v11 =	vld [tilespmem:s8+$0xFFFFFFE0];
	v12 =	vpop (erf)  }
0x23f: {  	v16 =	vld [tilespmem:s8+$0x10];
	v14 =	vbroadcast v12, $0x0  }
0x240: {  	v13 =	vld [tilespmem:s8+$0xFFFFFFF0]  }
0x241: {  	v15 =	vld [tilespmem:s8+$0x0];
	v9 =	vmul.f32 v14, v9  }
0x242: {  	v17 =	vld [tilespmem:s8+$0x20];
	v12 =	vbroadcast v12, $0x1;
	v10 =	vmul.f32 v14, v10  }
0x243: {  	v18 =	vld [tilespmem:s8+$0x30];
	v11 =	vmul.f32 v11, v14;
	v9 =	vadd.f32 v9, v1  }
0x244: {  	v61 =	vmul.f32 v16, v12;
	v10 =	vadd.f32 v10, v2  }
0x245: {  	v13 =	vmul.f32 v13, v14;
	v11 =	vadd.f32 v11, v3;
	[tilespmem:s8+$0xFFFFFFC0] =	vst v9  }
0x246: {  	v60 =	vmul.f32 v15, v12;
	v63 =	vadd.f32 v61, v6;
	[tilespmem:s8+$0xFFFFFFD0] =	vst v10  }
0x247: {  	v62 =	vmul.f32 v17, v12;
	v9 =	vadd.f32 v13, v4;
	[tilespmem:s8+$0xFFFFFFE0] =	vst v11  }
0x248: {  	v10 =	vadd.f32 v60, v5;
	v11 =	vmul.f32 v18, v12;
	[tilespmem:s8+$0x10] =	vst v63  }
0x249: {  	[tilespmem:s8+$0xFFFFFFF0] =	vst v9;
	v9 =	vadd.f32 v62, v7  }
0x24a: {  	s7 =	smul.u32 $0x280, s7;
	[tilespmem:s8+$0x0] =	vst v10;
	v10 =	vadd.f32 v11, v8  }
0x24b: {  	[tilespmem:s8+$0x20] =	vst v9  }
0x24c: {  	s9 =	simm.s32 $0x0;
	s10 =	simm.s32 $0x3500;
	s7 =	sadd.s32 s12, s7;
	[tilespmem:s8+$0x30] =	vst v10  }
0x24d: {  	[hbm4b:s7+s9] =	stream.linear.scatter [tilespmem:s10], [sflag:$0x3], $0x1400, $0x38;
	[tilespmem:$0x186E8] =	vst v63  }
0x24e: {  	_ =	swait.ge [sflag:s11], $0x1400  }
0x24f: {  	[sflag:s11] =	ssyncset.done $0x0  }
0x250: {  	s8 =	simm.s32 $0x200;
	s7 =	simm.s32 $0x0;
	[sflag:s11] =	ssyncadd.s32 $0xFFFFEC00  }
.LBB2_21:
0x251: {  	p1 =	sne.s32 s8, $0x4E00;
	[tilespmem:s7+$0x3570] =	vst v0  }
0x252: {  	[tilespmem:s7+$0x3500] =	vst v0  }
0x253: {  	[tilespmem:s7+$0x3510] =	vst v0  }
.Ltmp11:
0x254: {  	[tilespmem:s7+$0x3520] =	vst v0;
	(pc) =	sbr.rel @p1 .LBB2_21-.Ltmp11, $4  }
0x255: {  	[tilespmem:s7+$0x3530] =	vst v0  }
0x256: {  	[tilespmem:s7+$0x3540] =	vst v0  }
0x257: {  	[tilespmem:s7+$0x3550] =	vst v0  }
0x258: {  	[tilespmem:s7+$0x3560] =	vst v0;
	s7 =	sshra.s32 s8, $0x2;
	s8 =	sadd.s32 $0x200, s8  }
.Ltmp12:
0x259: {  	_ = 	snop;
	(pc) =	sbr.rel .LBB2_22-.Ltmp12, $1  }
0x25a: {  	_ =	sdelay $0x3  }
.LBB2_24:
0x25b: {  	s3 =	sadd.s32 $0x0, s6  }
0x25c: {  	p1 =	sgt.u32 s3, $0xF9  }
0x25d: {  	s10 =	rddreg [dreg:$0xe];
	s3 =	simm.s32 @!p1 $0x3480;
	s9 =	simm.s32 @!p1 $0x2  }
0x25e: {  	[spmem:s10] =	stream.linear.scatter @!p1 [tilespmem:s3], [sflag:$0x2], $0x50, $0x38;
	[tilespmem:$0x186E8] =	vst v63  }
0x25f: {  	s7 =	simm.s32 $0x10;
	_ =	swait.ge @!p1 [sflag:s9], $0x50  }
0x260: {  	s8 =	simm.s32 $0x20;
	s3 =	sadd.s32 $0x500, s10;
	[sflag:s9] =	ssyncset.done @!p1 $0x0  }
.LBB2_25:
0x261: {  	s10 =	sadd.s32 s7, s6;
	s7 =	smov.u32 s8;
	s8 =	sadd.s32 $0x10, s8  }
0x262: {  	[sflag:s9] =	ssyncadd.s32 @!p1 $0xFFFFFFB0;
	p2 =	sne.s32 s8, $0x100  }
.Ltmp13:
0x263: {  	p1 =	sgt.u32 s10, $0xF9;
	(pc) =	sbr.rel @p2 .LBB2_25-.Ltmp13, $4  }
0x264: {  	s10 =	simm.s32 @!p1 $0x3480;
	s9 =	simm.s32 @!p1 $0x2  }
0x265: {  	[spmem:s3] =	stream.linear.scatter @!p1 [tilespmem:s10], [sflag:$0x2], $0x50, $0x38;
	[tilespmem:$0x186E8] =	vst v63  }
0x266: {  	_ =	swait.ge @!p1 [sflag:s9], $0x50  }
0x267: {  	s3 =	sadd.s32 $0x500, s3;
	[sflag:s9] =	ssyncset.done @!p1 $0x0  }
0x268: {  	s7 =	sadd.s32 s7, s6  }
0x269: {  	p2 =	sgt.u32 s7, $0xF9  }
0x26a: {  	[sflag:s9] =	ssyncadd.s32 @!p1 $0xFFFFFFB0;
	s7 =	simm.s32 @!p2 $0x3480;
	s8 =	simm.s32 @!p2 $0x2  }
0x26b: {  	[spmem:s3] =	stream.linear.scatter @!p2 [tilespmem:s7], [sflag:$0x2], $0x50, $0x38;
	[tilespmem:$0x186E8] =	vst v63  }
.Ltmp14:
0x26c: {  	_ =	swait.ge @!p2 [sflag:s8], $0x50;
	(pc) =	sbr.rel @p0 .LBB2_8-.Ltmp14, $4  }
0x26d: {  	[sflag:s8] =	ssyncset.done @!p2 $0x0  }
0x26e: {  	[sflag:s8] =	ssyncadd.s32 @!p2 $0xFFFFFFB0  }
0x26f: {  	[bflag:$0x0] =	sbarrier.arrive $0xFFFF  }
0x270: {  	p1 =	por $0x0, $0x0;
	s3 =	simm.s32 $0x1  }
0x271: {  	s7 =	rddreg [dreg:$0xf]  }
0x272: {  	s3 =	rddreg [dreg:$0xc];
	s7 =	sadd.s32 $0x1, s7  }
0x273: {  	p0 =	sne.s32 s7, s3  }
.Ltmp15:
0x274: {  	_ = 	snop;
	(pc) =	sbr.rel @p0 .LBB2_1-.Ltmp15, $1  }
0x275: {  	_ =	sdelay $0x3  }
0x276: {  	_ =	sfence.sel $0x180000  }
0x277: {  	[bflag:$0x0] =	sbarrier.arrive $0xFFFF  }
0x278: {  	_ =	strace $0x9000004A  }
0x279: {  	[bflag:$0x2] =	sbarrier.arrive $0xFFFF  }
0x27a: {  	p0 =	sne.s32 s6, $0x0;
	s0 =	rddreg [dreg:$0x5]  }
0x27b: {  	s0 =	sadd.s32 @!p0 $0x100000, s0  }
0x27c: {  	[sflag:s0] =	ssyncadd.tile.s32 @!p0 $0x1;
	_ =	shalt  }
.Lfunc_end2:
_tile_overlayer_lowered:
.L_overlay_start_2:
0x27d: {  	(tag) =	ssettag $0x2  }
0x27e: {  	s0 =	rddreg [dreg:$0x0];
	s2 =	stileid.u32  }
0x27f: {  	s1 =	rddreg [dreg:$0x1];
	p0 =	sne.s32 s2, $0x0  }
0x280: {  	s3 =	rddreg [dreg:$0x2];
	[bflag:$0x3] =	sbarrier.arrive $0xFFFF;
	s2 =	simm.s32 @!p0 $0x1C02  }
0x281: {  	[timem:s3], [sflag:s2] =	dma.local @!p0 [hbm:s0], s1  }
0x282: {  	s0 =	simm.s32 @!p0 $0x2  }
0x283: {  	_ =	swait.ge @!p0 [sflag:s0], s1  }
0x284: {  	s1 =	ssub.s32 @!p0 $0x0, s1;
	[sflag:s0] =	ssyncset.done @!p0 $0x0  }
0x285: {  	[sflag:s0] =	ssyncadd.s32 @!p0 s1  }
0x286: {  	[bflag:$0x3] =	sbarrier.arrive $0xFFFF  }
0x287: {  	_ =	shalt  }

</sc_bundles>
